<compile_context>
chip_gen: v7x
topology: tpu7x:2x2x1
jax: 0.10.2.dev20260603
libtpu: 0.0.44.dev20260713+nightly
codegen_flags: <defaults>
</compile_context>

<pallas_src>
import functools

import jax
import jax.numpy as jnp
from jax import lax
from jax.experimental import pallas as pl
from jax.experimental.pallas import tpu as pltpu
from jax.experimental.pallas import tpu_sc as plsc

D_MODEL = 768
N_HEADS = 12
MAX_STATES = 64
ENERGY_BUDGET = 100.0
EPS = 1e-6


def _tc1_body(x_ref, wq_ref, wk_ref, wv_ref, we_ref, be_ref,
              q_ref, kvw_ref, idx_ref, cnt_ref, cn_ref, *, base):
    b = pl.program_id(0)
    s = pl.program_id(1)
    K = MAX_STATES
    D = D_MODEL

    x = x_ref[0]
    xh = x.astype(jnp.bfloat16)
    q = jnp.dot(xh, wq_ref[...], preferred_element_type=jnp.float32)
    k = jnp.dot(x, wk_ref[...], preferred_element_type=jnp.float32)
    v = jnp.dot(xh, wv_ref[...], preferred_element_type=jnp.float32)
    q_ref[0] = q.astype(jnp.bfloat16)

    dot = jnp.sum(x * we_ref[...], axis=-1, keepdims=True) + be_ref[0, 0]
    w = base * 2.0 * jax.nn.sigmoid(dot)

    kn = k / (jnp.sqrt(jnp.sum(k * k, axis=-1, keepdims=True)) + EPS)

    @pl.when(s == 0)
    def _():
        cn_ref[...] = kn[:K]
        cnt_ref[...] = jnp.zeros_like(cnt_ref)

    sims = lax.dot_general(kn, cn_ref[...], (((1,), (1,)), ((), ())),
                           preferred_element_type=jnp.float32)
    m = jnp.max(sims, axis=-1, keepdims=True)
    j = lax.broadcasted_iota(jnp.int32, sims.shape, 1)
    assign = jnp.min(jnp.where(sims >= m, j, K), axis=-1, keepdims=True)
    p = (j == assign).astype(jnp.float32)

    kvw_ref[:, :D] = k * w
    kvw_ref[:, D:] = v * w
    jrow = lax.broadcasted_iota(jnp.int32, (1, K), 1).astype(jnp.float32)
    arow = lax.dot_general(jrow, p, (((1,), (1,)), ((), ())),
                           preferred_element_type=jnp.float32)
    idx_ref[0] = arow.astype(jnp.int32) + b * K
    cnt_ref[0:1, :] += jnp.sum(p * w, axis=0, keepdims=True)


def _make_sc_scatter(BT, D2, NB):
    DC = 128
    NG = D2 // DC
    CH = 256
    half = BT // 2
    mesh = plsc.VectorSubcoreMesh(core_axis_name="c", subcore_axis_name="s")

    @functools.partial(
        pl.kernel, mesh=mesh,
        out_type=jax.ShapeDtypeStruct((2, NB, D2), jnp.float32),
        scratch_types=[
            pltpu.VMEM((CH,), jnp.int32),
            pltpu.VMEM((CH, DC), jnp.float32),
            pltpu.VMEM((NB, DC), jnp.float32),
        ],
    )
    def sc(kv_hbm, idx_hbm, out_hbm, idxbuf, rowbuf, acc):
        c = lax.axis_index("c")
        s = lax.axis_index("s")
        wid = s * 2 + c

        @pl.when(wid < 2 * NG)
        def _active():
            tr = wid // NG
            cg = wid - tr * NG
            col0 = pl.multiple_of(cg * DC, DC)
            tok0 = pl.multiple_of(tr * half, half)

            def zb(i, carry):
                for cb in range(DC // 16):
                    acc[i, pl.ds(cb * 16, 16)] = jnp.zeros((16,), jnp.float32)
                return carry
            lax.fori_loop(0, NB, zb, 0)

            def chunk(g, carry):
                base = pl.multiple_of(tok0 + g * CH, CH)
                pltpu.sync_copy(idx_hbm.at[pl.ds(base, CH)], idxbuf)
                pltpu.sync_copy(
                    kv_hbm.at[pl.ds(base, CH), pl.ds(col0, DC)], rowbuf)

                def grp(tt, carry2):
                    iv16 = idxbuf[pl.ds(tt * 16, 16)]
                    for lane in range(16):
                        r = iv16[lane]
                        trow = tt * 16 + lane
                        for cb in range(DC // 16):
                            sl = pl.ds(cb * 16, 16)
                            acc[r, sl] = acc[r, sl] + rowbuf[trow, sl]
                    return carry2
                lax.fori_loop(0, CH // 16, grp, 0)
                return carry
            lax.fori_loop(0, half // CH, chunk, 0)

            pltpu.sync_copy(acc, out_hbm.at[tr, :, pl.ds(col0, DC)])

    return sc


def _tc2_body(q_ref, skv_ref, cnt_ref, wo_ref, out_ref, acc_ref):
    H = N_HEADS
    D = D_MODEL
    dh = D // H
    inv = 1.0 / (cnt_ref[0, 0:1, :] + EPS)
    scale = inv / jnp.sqrt(jnp.float32(dh))
    skv = skv_ref[0, 0] + skv_ref[1, 0]
    q = q_ref[0]
    for h in range(H):
        lo = h * dh
        qh = q[:, lo:lo + dh]
        skh = skv[:, lo:lo + dh].astype(jnp.bfloat16)
        svh = skv[:, D + lo:D + lo + dh].astype(jnp.bfloat16)
        scores = lax.dot_general(qh, skh, (((1,), (1,)), ((), ())),
                                 preferred_element_type=jnp.float32) * scale
        mx = jnp.max(scores, axis=-1, keepdims=True)
        e = jnp.exp(scores - mx)
        attn = (e / jnp.sum(e, axis=-1, keepdims=True)) * inv
        acc_ref[:, lo:lo + dh] = jnp.dot(attn.astype(jnp.bfloat16), svh,
                                         preferred_element_type=jnp.float32)
    out_ref[0] = jnp.dot(acc_ref[...].astype(jnp.bfloat16), wo_ref[...],
                         preferred_element_type=jnp.float32)


def kernel(x, W_q, W_k, W_v, W_o, w_e, b_e):
    B, S, D = x.shape
    K = MAX_STATES
    D2 = 2 * D
    BS = 512 if S % 512 == 0 else S
    ns = S // BS
    base = ENERGY_BUDGET / S

    we_row = w_e.reshape(1, D)
    be_11 = b_e.reshape(1, 1)
    wq_h = W_q.astype(jnp.bfloat16)
    wo_h = W_o.astype(jnp.bfloat16)

    full = lambda b, s: (0, 0)
    q, kvw, idx, cntp = pl.pallas_call(
        functools.partial(_tc1_body, base=base),
        grid=(B, ns),
        in_specs=[
            pl.BlockSpec((1, BS, D), lambda b, s: (b, s, 0)),
            pl.BlockSpec((D, D), full),
            pl.BlockSpec((D, D), full),
            pl.BlockSpec((D, D), full),
            pl.BlockSpec((1, D), full),
            pl.BlockSpec((1, 1), full),
        ],
        out_specs=[
            pl.BlockSpec((1, BS, D), lambda b, s: (b, s, 0)),
            pl.BlockSpec((BS, D2), lambda b, s: (b * ns + s, 0)),
            pl.BlockSpec((1, 1, BS), lambda b, s: (b * ns + s, 0, 0)),
            pl.BlockSpec((1, 8, K), lambda b, s: (b, 0, 0)),
        ],
        out_shape=[
            jax.ShapeDtypeStruct((B, S, D), jnp.bfloat16),
            jax.ShapeDtypeStruct((B * S, D2), jnp.float32),
            jax.ShapeDtypeStruct((B * ns, 1, BS), jnp.int32),
            jax.ShapeDtypeStruct((B, 8, K), jnp.float32),
        ],
        scratch_shapes=[pltpu.VMEM((K, D), jnp.float32)],
        compiler_params=pltpu.CompilerParams(
            dimension_semantics=("arbitrary", "arbitrary")),
    )(x, wq_h, W_k, W_v, we_row, be_11)

    idx_flat = idx.reshape(B * S)
    parts = _make_sc_scatter(B * S, D2, B * K)(kvw, idx_flat)
    parts4 = parts.reshape(2, B, K, D2)

    out = pl.pallas_call(
        _tc2_body,
        grid=(B, ns),
        in_specs=[
            pl.BlockSpec((1, BS, D), lambda b, s: (b, s, 0)),
            pl.BlockSpec((2, 1, K, D2), lambda b, s: (0, b, 0, 0)),
            pl.BlockSpec((1, 8, K), lambda b, s: (b, 0, 0)),
            pl.BlockSpec((D, D), full),
        ],
        out_specs=pl.BlockSpec((1, BS, D), lambda b, s: (b, s, 0)),
        out_shape=jax.ShapeDtypeStruct((B, S, D), jnp.float32),
        scratch_shapes=[pltpu.VMEM((BS, D), jnp.float32)],
        compiler_params=pltpu.CompilerParams(
            dimension_semantics=("arbitrary", "arbitrary")),
    )(q, parts4, cntp, wo_h)
    return out

# --- scband reference (transcript-rebuilt; emitter-appended) ---
"""Pipeline reference for scband-eassaattention-39573828665394 (READ-ONLY COPY).

The authoritative reference and input builder live on the scoring server;
editing this copy changes nothing except your own understanding.
"""

import jax, jax.numpy as jnp
import numpy as np

D_MODEL = 768
N_HEADS = 12
MAX_STATES = 64
ENERGY_BUDGET = 100.0


def setup_inputs(seed: int = 0) -> dict:
    key = jax.random.key(seed)
    ks = jax.random.split(key, 6)
    B, S, D = 2, 8192, D_MODEL
    x = jax.random.normal(ks[0], (B, S, D), dtype=jnp.float32)
    sc = 1.0 / np.sqrt(D)
    W_q = jax.random.normal(ks[1], (D, D), dtype=jnp.float32) * sc
    W_k = jax.random.normal(ks[2], (D, D), dtype=jnp.float32) * sc
    W_v = jax.random.normal(ks[3], (D, D), dtype=jnp.float32) * sc
    W_o = jax.random.normal(ks[4], (D, D), dtype=jnp.float32) * sc
    # energy controller initialized to zeros per the torch module
    w_e = jnp.zeros((D, 1), dtype=jnp.float32)
    b_e = jnp.zeros((1,), dtype=jnp.float32)
    return {"x": x, "W_q": W_q, "W_k": W_k, "W_v": W_v, "W_o": W_o, "w_e": w_e, "b_e": b_e}


def _forward(x, W_q, W_k, W_v, W_o, w_e, b_e):
    B, S, D = x.shape
    H = N_HEADS
    dh = D // H
    K = MAX_STATES
    q = x @ W_q
    k = x @ W_k
    v = x @ W_v
    # Energy-aware per-token budget: base * 2 * sigmoid(Linear(x))
    base = ENERGY_BUDGET / S
    budget = base * 2.0 * jax.nn.sigmoid((x @ w_e).squeeze(-1) + b_e[0])  # [B, S]
    # State centroids seeded from the first K keys (states created from earliest tokens)
    cent0 = k[:, :K, :]
    kn = k / (jnp.linalg.norm(k, axis=-1, keepdims=True) + 1e-6)
    cn = cent0 / (jnp.linalg.norm(cent0, axis=-1, keepdims=True) + 1e-6)
    sims = jnp.einsum('bsd,bkd->bsk', kn, cn)  # cosine routing scores
    assign = jnp.argmax(sims, axis=-1)  # [B, S] hard routing

    def agg(k_b, v_b, a_b, w_b):
        # scatter-add tokens into their assigned state slots (running-average aggregation)
        sk = jnp.zeros((K, D), k_b.dtype).at[a_b].add(k_b * w_b[:, None])
        sv = jnp.zeros((K, D), v_b.dtype).at[a_b].add(v_b * w_b[:, None])
        cnt = jnp.zeros((K,), k_b.dtype).at[a_b].add(w_b)
        return sk / (cnt[:, None] + 1e-6), sv / (cnt[:, None] + 1e-6)

    centroids, states = jax.vmap(agg)(k, v, assign, budget)  # [B, K, D] each
    # O(N*K) attention over aggregated states
    qh = q.reshape(B, S, H, dh)
    ch = centroids.reshape(B, K, H, dh)
    sh = states.reshape(B, K, H, dh)
    scores = jnp.einsum('bshd,bkhd->bhsk', qh, ch) / jnp.sqrt(dh)
    attn = jax.nn.softmax(scores, axis=-1)
    out = jnp.einsum('bhsk,bkhd->bshd', attn, sh).reshape(B, S, D)
    return out @ W_o


def reference(x, W_q, W_k, W_v, W_o, w_e, b_e):
    return _forward(x, W_q, W_k, W_v, W_o, w_e, b_e)

if __name__ == "__main__":
    import jax
    _d = setup_inputs()
    print(jax.jit(kernel)(*tuple(_d.values())))

</pallas_src>

<mosaic_0001>
#map = affine_map<(d0, d1) -> (0, 0)>
#map1 = affine_map<(d0, d1) -> (0)>
#map2 = affine_map<(d0, d1) -> (0, 0, 0)>
module attributes {stable_mosaic.version = 14 : i64} {
  func.func @sc(%arg0: i32, %arg1: i32, %arg2: memref<16384x1536xf32, #tpu.memory_space<hbm>>, %arg3: memref<16384xi32, #tpu.memory_space<hbm>>, %arg4: memref<2x128x1536xf32, #tpu.memory_space<hbm>>, %arg5: memref<256xi32, #tpu.memory_space<vmem>>, %arg6: memref<256x128xf32, #tpu.memory_space<vmem>>, %arg7: memref<128x128xf32, #tpu.memory_space<vmem>>) attributes {dimension_semantics = [#tpu.dimension_semantics<core_parallel>, #tpu.dimension_semantics<subcore_parallel>], iteration_bounds = array<i64: 2, 16>, scalar_prefetch = 0 : i64, scratch_operands = 3 : i64, tpu.core_type = #tpu.core_type<sc_vector_subcore>, window_params = [{transform_indices = #map}, {transform_indices = #map1}, {transform_indices = #map2}]} {
    %mul3A = arith.constant 2 : i32
    %mul3A_0 = arith.muli %arg1, %mul3A : i32
    %add3A = arith.addi %mul3A_0, %arg0 : i32
    %lt3A = arith.constant 24 : i32
    %lt3A_1 = arith.cmpi slt, %add3A, %lt3A : i32
    %convert_element_type3A = arith.extui %lt3A_1 : i1 to i32
    %cond3A = arith.constant 0 : i32
    %cond3A_2 = arith.cmpi ne, %convert_element_type3A, %cond3A : i32
    scf.if %cond3A_2 {
      %jit3A = arith.constant 12 : i32
      %div3A = arith.divsi %add3A, %jit3A : i32
      %sign3A = arith.constant 0 : i32
      %sign3A_3 = arith.cmpi sgt, %add3A, %sign3A : i32
      %sign3A_4 = arith.extui %sign3A_3 : i1 to i32
      %sign3A_5 = arith.constant 0 : i32
      %sign3A_6 = arith.cmpi slt, %add3A, %sign3A_5 : i32
      %sign3A_7 = arith.extui %sign3A_6 : i1 to i32
      %sign3A_8 = arith.subi %sign3A_4, %sign3A_7 : i32
      %sign3A_9 = arith.constant 0 : i32
      %sign3A_10 = arith.cmpi sgt, %jit3A, %sign3A_9 : i32
      %sign3A_11 = arith.extui %sign3A_10 : i1 to i32
      %sign3A_12 = arith.constant 0 : i32
      %sign3A_13 = arith.cmpi slt, %jit3A, %sign3A_12 : i32
      %sign3A_14 = arith.extui %sign3A_13 : i1 to i32
      %sign3A_15 = arith.subi %sign3A_11, %sign3A_14 : i32
      %ne3A = arith.cmpi ne, %sign3A_8, %sign3A_15 : i32
      %rem3A = arith.remsi %add3A, %jit3A : i32
      %ne3A_16 = arith.constant 0 : i32
      %ne3A_17 = arith.cmpi ne, %rem3A, %ne3A_16 : i32
      %and3A = arith.andi %ne3A, %ne3A_17 : i1
      %sub3A = arith.constant 1 : i32
      %sub3A_18 = arith.subi %div3A, %sub3A : i32
      %select_n3A = arith.select %and3A, %sub3A_18, %div3A : i32
      %mul3A_19 = arith.constant 12 : i32
      %mul3A_20 = arith.muli %select_n3A, %mul3A_19 : i32
      %sub3A_21 = arith.subi %add3A, %mul3A_20 : i32
      %mul3A_22 = arith.constant 128 : i32
      %mul3A_23 = arith.muli %sub3A_21, %mul3A_22 : i32
      %multiple_of3A = tpu.assume_multiple %mul3A_23, 128 : i32
      %mul3A_24 = arith.constant 8192 : i32
      %mul3A_25 = arith.muli %select_n3A, %mul3A_24 : i32
      %multiple_of3A_26 = tpu.assume_multiple %mul3A_25, 8192 : i32
      %scan3A = arith.constant 0 : i32
      %scan3A_27 = arith.constant 0 : i32
      %scan3A_28 = arith.constant 128 : i32
      %scan3A_29 = arith.addi %scan3A_27, %scan3A_28 : i32
      %scan3A_30 = arith.constant 1 : i32
      scf.for %scan3A_38 = %scan3A_27 to %scan3A_29 step %scan3A_30  : i32 {
        %broadcast_in_dim3A = arith.constant 0.000000e+00 : f32
        %broadcast_in_dim3A_39 = vector.broadcast %broadcast_in_dim3A : f32 to vector<16xf32>
        %swap3A = arith.index_cast %scan3A_38 : i32 to index
        %swap3A_40 = arith.constant 0 : index
        %swap3A_41 = tpu.vector_load %arg7[%swap3A, %swap3A_40] {strides = array<i32>} : memref<128x128xf32, #tpu.memory_space<vmem>>, vector<1x16xf32>,
        %swap3A_42 = vector.shape_cast %swap3A_41 : vector<1x16xf32> to vector<16xf32>
        %swap3A_43 = vector.shape_cast %broadcast_in_dim3A_39 : vector<16xf32> to vector<1x16xf32>
        tpu.vector_store %arg7[%swap3A, %swap3A_40], %swap3A_43 {strides = array<i32>} : memref<128x128xf32, #tpu.memory_space<vmem>>, vector<1x16xf32>,
        %broadcast_in_dim3A_44 = arith.constant 0.000000e+00 : f32
        %broadcast_in_dim3A_45 = vector.broadcast %broadcast_in_dim3A_44 : f32 to vector<16xf32>
        %swap3A_46 = arith.index_cast %scan3A_38 : i32 to index
        %swap3A_47 = arith.constant 16 : index
        %swap3A_48 = tpu.vector_load %arg7[%swap3A_46, %swap3A_47] {strides = array<i32>} : memref<128x128xf32, #tpu.memory_space<vmem>>, vector<1x16xf32>,
        %swap3A_49 = vector.shape_cast %swap3A_48 : vector<1x16xf32> to vector<16xf32>
        %swap3A_50 = vector.shape_cast %broadcast_in_dim3A_45 : vector<16xf32> to vector<1x16xf32>
        tpu.vector_store %arg7[%swap3A_46, %swap3A_47], %swap3A_50 {strides = array<i32>} : memref<128x128xf32, #tpu.memory_space<vmem>>, vector<1x16xf32>,
        %broadcast_in_dim3A_51 = arith.constant 0.000000e+00 : f32
        %broadcast_in_dim3A_52 = vector.broadcast %broadcast_in_dim3A_51 : f32 to vector<16xf32>
        %swap3A_53 = arith.index_cast %scan3A_38 : i32 to index
        %swap3A_54 = arith.constant 32 : index
        %swap3A_55 = tpu.vector_load %arg7[%swap3A_53, %swap3A_54] {strides = array<i32>} : memref<128x128xf32, #tpu.memory_space<vmem>>, vector<1x16xf32>,
        %swap3A_56 = vector.shape_cast %swap3A_55 : vector<1x16xf32> to vector<16xf32>
        %swap3A_57 = vector.shape_cast %broadcast_in_dim3A_52 : vector<16xf32> to vector<1x16xf32>
        tpu.vector_store %arg7[%swap3A_53, %swap3A_54], %swap3A_57 {strides = array<i32>} : memref<128x128xf32, #tpu.memory_space<vmem>>, vector<1x16xf32>,
        %broadcast_in_dim3A_58 = arith.constant 0.000000e+00 : f32
        %broadcast_in_dim3A_59 = vector.broadcast %broadcast_in_dim3A_58 : f32 to vector<16xf32>
        %swap3A_60 = arith.index_cast %scan3A_38 : i32 to index
        %swap3A_61 = arith.constant 48 : index
        %swap3A_62 = tpu.vector_load %arg7[%swap3A_60, %swap3A_61] {strides = array<i32>} : memref<128x128xf32, #tpu.memory_space<vmem>>, vector<1x16xf32>,
        %swap3A_63 = vector.shape_cast %swap3A_62 : vector<1x16xf32> to vector<16xf32>
        %swap3A_64 = vector.shape_cast %broadcast_in_dim3A_59 : vector<16xf32> to vector<1x16xf32>
        tpu.vector_store %arg7[%swap3A_60, %swap3A_61], %swap3A_64 {strides = array<i32>} : memref<128x128xf32, #tpu.memory_space<vmem>>, vector<1x16xf32>,
        %broadcast_in_dim3A_65 = arith.constant 0.000000e+00 : f32
        %broadcast_in_dim3A_66 = vector.broadcast %broadcast_in_dim3A_65 : f32 to vector<16xf32>
        %swap3A_67 = arith.index_cast %scan3A_38 : i32 to index
        %swap3A_68 = arith.constant 64 : index
        %swap3A_69 = tpu.vector_load %arg7[%swap3A_67, %swap3A_68] {strides = array<i32>} : memref<128x128xf32, #tpu.memory_space<vmem>>, vector<1x16xf32>,
        %swap3A_70 = vector.shape_cast %swap3A_69 : vector<1x16xf32> to vector<16xf32>
        %swap3A_71 = vector.shape_cast %broadcast_in_dim3A_66 : vector<16xf32> to vector<1x16xf32>
        tpu.vector_store %arg7[%swap3A_67, %swap3A_68], %swap3A_71 {strides = array<i32>} : memref<128x128xf32, #tpu.memory_space<vmem>>, vector<1x16xf32>,
        %broadcast_in_dim3A_72 = arith.constant 0.000000e+00 : f32
        %broadcast_in_dim3A_73 = vector.broadcast %broadcast_in_dim3A_72 : f32 to vector<16xf32>
        %swap3A_74 = arith.index_cast %scan3A_38 : i32 to index
        %swap3A_75 = arith.constant 80 : index
        %swap3A_76 = tpu.vector_load %arg7[%swap3A_74, %swap3A_75] {strides = array<i32>} : memref<128x128xf32, #tpu.memory_space<vmem>>, vector<1x16xf32>,
        %swap3A_77 = vector.shape_cast %swap3A_76 : vector<1x16xf32> to vector<16xf32>
        %swap3A_78 = vector.shape_cast %broadcast_in_dim3A_73 : vector<16xf32> to vector<1x16xf32>
        tpu.vector_store %arg7[%swap3A_74, %swap3A_75], %swap3A_78 {strides = array<i32>} : memref<128x128xf32, #tpu.memory_space<vmem>>, vector<1x16xf32>,
        %broadcast_in_dim3A_79 = arith.constant 0.000000e+00 : f32
        %broadcast_in_dim3A_80 = vector.broadcast %broadcast_in_dim3A_79 : f32 to vector<16xf32>
        %swap3A_81 = arith.index_cast %scan3A_38 : i32 to index
        %swap3A_82 = arith.constant 96 : index
        %swap3A_83 = tpu.vector_load %arg7[%swap3A_81, %swap3A_82] {strides = array<i32>} : memref<128x128xf32, #tpu.memory_space<vmem>>, vector<1x16xf32>,
        %swap3A_84 = vector.shape_cast %swap3A_83 : vector<1x16xf32> to vector<16xf32>
        %swap3A_85 = vector.shape_cast %broadcast_in_dim3A_80 : vector<16xf32> to vector<1x16xf32>
        tpu.vector_store %arg7[%swap3A_81, %swap3A_82], %swap3A_85 {strides = array<i32>} : memref<128x128xf32, #tpu.memory_space<vmem>>, vector<1x16xf32>,
        %broadcast_in_dim3A_86 = arith.constant 0.000000e+00 : f32
        %broadcast_in_dim3A_87 = vector.broadcast %broadcast_in_dim3A_86 : f32 to vector<16xf32>
        %swap3A_88 = arith.index_cast %scan3A_38 : i32 to index
        %swap3A_89 = arith.constant 112 : index
        %swap3A_90 = tpu.vector_load %arg7[%swap3A_88, %swap3A_89] {strides = array<i32>} : memref<128x128xf32, #tpu.memory_space<vmem>>, vector<1x16xf32>,
        %swap3A_91 = vector.shape_cast %swap3A_90 : vector<1x16xf32> to vector<16xf32>
        %swap3A_92 = vector.shape_cast %broadcast_in_dim3A_87 : vector<16xf32> to vector<1x16xf32>
        tpu.vector_store %arg7[%swap3A_88, %swap3A_89], %swap3A_92 {strides = array<i32>} : memref<128x128xf32, #tpu.memory_space<vmem>>, vector<1x16xf32>,
      }
      %scan3A_31 = arith.constant 128 : i32
      %scan3A_32 = arith.constant 0 : i32
      %scan3A_33 = arith.constant 0 : i32
      %scan3A_34 = arith.constant 32 : i32
      %scan3A_35 = arith.addi %scan3A_33, %scan3A_34 : i32
      %scan3A_36 = arith.constant 1 : i32
      scf.for %scan3A_38 = %scan3A_33 to %scan3A_35 step %scan3A_36  : i32 {
        %mul3A_39 = arith.constant 256 : i32
        %mul3A_40 = arith.muli %scan3A_38, %mul3A_39 : i32
        %add3A_41 = arith.addi %multiple_of3A_26, %mul3A_40 : i32
        %multiple_of3A_42 = tpu.assume_multiple %add3A_41, 256 : i32
        "tpu.region"() ({
          %run_scoped3A = tpu.sem_alloc : memref<!tpu.dma_semaphore, #tpu.memory_space<semaphore_mem>>
          %dma_start3A = tpu.memref_slice %arg3[%multiple_of3A_42] : memref<16384xi32, #tpu.memory_space<hbm>> -> memref<256xi32, #tpu.memory_space<hbm>>
          %dma_start3A_49 = tpu.memref_slice %arg3[%multiple_of3A_42] : memref<16384xi32, #tpu.memory_space<hbm>> -> memref<256xi32, #tpu.memory_space<hbm>>
          tpu.enqueue_dma source(%dma_start3A_49 : memref<256xi32, #tpu.memory_space<hbm>>) target(%arg5 : memref<256xi32, #tpu.memory_space<vmem>>) target_semaphore(%run_scoped3A : memref<!tpu.dma_semaphore, #tpu.memory_space<semaphore_mem>>)
          %dma_wait3A = tpu.memref_slice %arg3[%multiple_of3A_42] : memref<16384xi32, #tpu.memory_space<hbm>> -> memref<256xi32, #tpu.memory_space<hbm>>
          %dma_wait3A_50 = tpu.memref_slice %arg3[%multiple_of3A_42] : memref<16384xi32, #tpu.memory_space<hbm>> -> memref<256xi32, #tpu.memory_space<hbm>>
          tpu.wait_dma2 semaphore(%run_scoped3A : memref<!tpu.dma_semaphore, #tpu.memory_space<semaphore_mem>>) src(%dma_wait3A_50 : memref<256xi32, #tpu.memory_space<hbm>>) dst(%arg5 : memref<256xi32, #tpu.memory_space<vmem>>)
          tpu.yield
        }) : () -> ()
        "tpu.region"() ({
          %run_scoped3A = tpu.sem_alloc : memref<!tpu.dma_semaphore, #tpu.memory_space<semaphore_mem>>
          %dma_start3A = tpu.memref_slice %arg2[%multiple_of3A_42, %multiple_of3A] : memref<16384x1536xf32, #tpu.memory_space<hbm>> -> memref<256x128xf32, #tpu.memory_space<hbm>>
          %dma_start3A_49 = tpu.memref_slice %arg2[%multiple_of3A_42, %multiple_of3A] : memref<16384x1536xf32, #tpu.memory_space<hbm>> -> memref<256x128xf32, #tpu.memory_space<hbm>>
          tpu.enqueue_dma source(%dma_start3A_49 : memref<256x128xf32, #tpu.memory_space<hbm>>) target(%arg6 : memref<256x128xf32, #tpu.memory_space<vmem>>) target_semaphore(%run_scoped3A : memref<!tpu.dma_semaphore, #tpu.memory_space<semaphore_mem>>)
          %dma_wait3A = tpu.memref_slice %arg2[%multiple_of3A_42, %multiple_of3A] : memref<16384x1536xf32, #tpu.memory_space<hbm>> -> memref<256x128xf32, #tpu.memory_space<hbm>>
          %dma_wait3A_50 = tpu.memref_slice %arg2[%multiple_of3A_42, %multiple_of3A] : memref<16384x1536xf32, #tpu.memory_space<hbm>> -> memref<256x128xf32, #tpu.memory_space<hbm>>
          tpu.wait_dma2 semaphore(%run_scoped3A : memref<!tpu.dma_semaphore, #tpu.memory_space<semaphore_mem>>) src(%dma_wait3A_50 : memref<256x128xf32, #tpu.memory_space<hbm>>) dst(%arg6 : memref<256x128xf32, #tpu.memory_space<vmem>>)
          tpu.yield
        }) : () -> ()
        %scan3A_43 = arith.constant 0 : i32
        %scan3A_44 = arith.constant 0 : i32
        %scan3A_45 = arith.constant 16 : i32
        %scan3A_46 = arith.addi %scan3A_44, %scan3A_45 : i32
        %scan3A_47 = arith.constant 1 : i32
        scf.for %scan3A_49 = %scan3A_44 to %scan3A_46 step %scan3A_47  : i32 {
          %mul3A_50 = arith.constant 16 : i32
          %mul3A_51 = arith.muli %scan3A_49, %mul3A_50 : i32
          %get3A = arith.index_cast %mul3A_51 : i32 to index
          %get3A_52 = tpu.vector_load %arg5[%get3A] {strides = array<i32>} : memref<256xi32, #tpu.memory_space<vmem>>, vector<16xi32>,
          %get3A_53 = vector.shape_cast %get3A_52 : vector<16xi32> to vector<16xi32>
          %slice3A = vector.extract_strided_slice %get3A_53 {offsets = [0], sizes = [1], strides = [1]} : vector<16xi32> to vector<1xi32>
          %squeeze3A = vector.extract %slice3A[0] : i32 from vector<1xi32>
          %mul3A_54 = arith.constant 16 : i32
          %mul3A_55 = arith.muli %scan3A_49, %mul3A_54 : i32
          %add3A_56 = arith.constant 0 : i32
          %add3A_57 = arith.addi %mul3A_55, %add3A_56 : i32
          %get3A_58 = arith.index_cast %squeeze3A : i32 to index
          %get3A_59 = arith.constant 0 : index
          %get3A_60 = tpu.vector_load %arg7[%get3A_58, %get3A_59] {strides = array<i32>} : memref<128x128xf32, #tpu.memory_space<vmem>>, vector<1x16xf32>,
          %get3A_61 = vector.shape_cast %get3A_60 : vector<1x16xf32> to vector<16xf32>
          %get3A_62 = arith.index_cast %add3A_57 : i32 to index
          %get3A_63 = arith.constant 0 : index
          %get3A_64 = tpu.vector_load %arg6[%get3A_62, %get3A_63] {strides = array<i32>} : memref<256x128xf32, #tpu.memory_space<vmem>>, vector<1x16xf32>,
          %get3A_65 = vector.shape_cast %get3A_64 : vector<1x16xf32> to vector<16xf32>
          %add3A_66 = arith.addf %get3A_61, %get3A_65 : vector<16xf32>
          %swap3A = arith.index_cast %squeeze3A : i32 to index
          %swap3A_67 = arith.constant 0 : index
          %swap3A_68 = tpu.vector_load %arg7[%swap3A, %swap3A_67] {strides = array<i32>} : memref<128x128xf32, #tpu.memory_space<vmem>>, vector<1x16xf32>,
          %swap3A_69 = vector.shape_cast %swap3A_68 : vector<1x16xf32> to vector<16xf32>
          %swap3A_70 = vector.shape_cast %add3A_66 : vector<16xf32> to vector<1x16xf32>
          tpu.vector_store %arg7[%swap3A, %swap3A_67], %swap3A_70 {strides = array<i32>} : memref<128x128xf32, #tpu.memory_space<vmem>>, vector<1x16xf32>,
          %get3A_71 = arith.index_cast %squeeze3A : i32 to index
          %get3A_72 = arith.constant 16 : index
          %get3A_73 = tpu.vector_load %arg7[%get3A_71, %get3A_72] {strides = array<i32>} : memref<128x128xf32, #tpu.memory_space<vmem>>, vector<1x16xf32>,
          %get3A_74 = vector.shape_cast %get3A_73 : vector<1x16xf32> to vector<16xf32>
          %get3A_75 = arith.index_cast %add3A_57 : i32 to index
          %get3A_76 = arith.constant 16 : index
          %get3A_77 = tpu.vector_load %arg6[%get3A_75, %get3A_76] {strides = array<i32>} : memref<256x128xf32, #tpu.memory_space<vmem>>, vector<1x16xf32>,
          %get3A_78 = vector.shape_cast %get3A_77 : vector<1x16xf32> to vector<16xf32>
          %add3A_79 = arith.addf %get3A_74, %get3A_78 : vector<16xf32>
          %swap3A_80 = arith.index_cast %squeeze3A : i32 to index
          %swap3A_81 = arith.constant 16 : index
          %swap3A_82 = tpu.vector_load %arg7[%swap3A_80, %swap3A_81] {strides = array<i32>} : memref<128x128xf32, #tpu.memory_space<vmem>>, vector<1x16xf32>,
          %swap3A_83 = vector.shape_cast %swap3A_82 : vector<1x16xf32> to vector<16xf32>
          %swap3A_84 = vector.shape_cast %add3A_79 : vector<16xf32> to vector<1x16xf32>
          tpu.vector_store %arg7[%swap3A_80, %swap3A_81], %swap3A_84 {strides = array<i32>} : memref<128x128xf32, #tpu.memory_space<vmem>>, vector<1x16xf32>,
          %get3A_85 = arith.index_cast %squeeze3A : i32 to index
          %get3A_86 = arith.constant 32 : index
          %get3A_87 = tpu.vector_load %arg7[%get3A_85, %get3A_86] {strides = array<i32>} : memref<128x128xf32, #tpu.memory_space<vmem>>, vector<1x16xf32>,
          %get3A_88 = vector.shape_cast %get3A_87 : vector<1x16xf32> to vector<16xf32>
          %get3A_89 = arith.index_cast %add3A_57 : i32 to index
          %get3A_90 = arith.constant 32 : index
          %get3A_91 = tpu.vector_load %arg6[%get3A_89, %get3A_90] {strides = array<i32>} : memref<256x128xf32, #tpu.memory_space<vmem>>, vector<1x16xf32>,
          %get3A_92 = vector.shape_cast %get3A_91 : vector<1x16xf32> to vector<16xf32>
          %add3A_93 = arith.addf %get3A_88, %get3A_92 : vector<16xf32>
          %swap3A_94 = arith.index_cast %squeeze3A : i32 to index
          %swap3A_95 = arith.constant 32 : index
          %swap3A_96 = tpu.vector_load %arg7[%swap3A_94, %swap3A_95] {strides = array<i32>} : memref<128x128xf32, #tpu.memory_space<vmem>>, vector<1x16xf32>,
          %swap3A_97 = vector.shape_cast %swap3A_96 : vector<1x16xf32> to vector<16xf32>
          %swap3A_98 = vector.shape_cast %add3A_93 : vector<16xf32> to vector<1x16xf32>
          tpu.vector_store %arg7[%swap3A_94, %swap3A_95], %swap3A_98 {strides = array<i32>} : memref<128x128xf32, #tpu.memory_space<vmem>>, vector<1x16xf32>,
          %get3A_99 = arith.index_cast %squeeze3A : i32 to index
          %get3A_100 = arith.constant 48 : index
          %get3A_101 = tpu.vector_load %arg7[%get3A_99, %get3A_100] {strides = array<i32>} : memref<128x128xf32, #tpu.memory_space<vmem>>, vector<1x16xf32>,
          %get3A_102 = vector.shape_cast %get3A_101 : vector<1x16xf32> to vector<16xf32>
          %get3A_103 = arith.index_cast %add3A_57 : i32 to index
          %get3A_104 = arith.constant 48 : index
          %get3A_105 = tpu.vector_load %arg6[%get3A_103, %get3A_104] {strides = array<i32>} : memref<256x128xf32, #tpu.memory_space<vmem>>, vector<1x16xf32>,
          %get3A_106 = vector.shape_cast %get3A_105 : vector<1x16xf32> to vector<16xf32>
          %add3A_107 = arith.addf %get3A_102, %get3A_106 : vector<16xf32>
          %swap3A_108 = arith.index_cast %squeeze3A : i32 to index
          %swap3A_109 = arith.constant 48 : index
          %swap3A_110 = tpu.vector_load %arg7[%swap3A_108, %swap3A_109] {strides = array<i32>} : memref<128x128xf32, #tpu.memory_space<vmem>>, vector<1x16xf32>,
          %swap3A_111 = vector.shape_cast %swap3A_110 : vector<1x16xf32> to vector<16xf32>
          %swap3A_112 = vector.shape_cast %add3A_107 : vector<16xf32> to vector<1x16xf32>
          tpu.vector_store %arg7[%swap3A_108, %swap3A_109], %swap3A_112 {strides = array<i32>} : memref<128x128xf32, #tpu.memory_space<vmem>>, vector<1x16xf32>,
          %get3A_113 = arith.index_cast %squeeze3A : i32 to index
          %get3A_114 = arith.constant 64 : index
          %get3A_115 = tpu.vector_load %arg7[%get3A_113, %get3A_114] {strides = array<i32>} : memref<128x128xf32, #tpu.memory_space<vmem>>, vector<1x16xf32>,
          %get3A_116 = vector.shape_cast %get3A_115 : vector<1x16xf32> to vector<16xf32>
          %get3A_117 = arith.index_cast %add3A_57 : i32 to index
          %get3A_118 = arith.constant 64 : index
          %get3A_119 = tpu.vector_load %arg6[%get3A_117, %get3A_118] {strides = array<i32>} : memref<256x128xf32, #tpu.memory_space<vmem>>, vector<1x16xf32>,
          %get3A_120 = vector.shape_cast %get3A_119 : vector<1x16xf32> to vector<16xf32>
          %add3A_121 = arith.addf %get3A_116, %get3A_120 : vector<16xf32>
          %swap3A_122 = arith.index_cast %squeeze3A : i32 to index
          %swap3A_123 = arith.constant 64 : index
          %swap3A_124 = tpu.vector_load %arg7[%swap3A_122, %swap3A_123] {strides = array<i32>} : memref<128x128xf32, #tpu.memory_space<vmem>>, vector<1x16xf32>,
          %swap3A_125 = vector.shape_cast %swap3A_124 : vector<1x16xf32> to vector<16xf32>
          %swap3A_126 = vector.shape_cast %add3A_121 : vector<16xf32> to vector<1x16xf32>
          tpu.vector_store %arg7[%swap3A_122, %swap3A_123], %swap3A_126 {strides = array<i32>} : memref<128x128xf32, #tpu.memory_space<vmem>>, vector<1x16xf32>,
          %get3A_127 = arith.index_cast %squeeze3A : i32 to index
          %get3A_128 = arith.constant 80 : index
          %get3A_129 = tpu.vector_load %arg7[%get3A_127, %get3A_128] {strides = array<i32>} : memref<128x128xf32, #tpu.memory_space<vmem>>, vector<1x16xf32>,
          %get3A_130 = vector.shape_cast %get3A_129 : vector<1x16xf32> to vector<16xf32>
          %get3A_131 = arith.index_cast %add3A_57 : i32 to index
          %get3A_132 = arith.constant 80 : index
          %get3A_133 = tpu.vector_load %arg6[%get3A_131, %get3A_132] {strides = array<i32>} : memref<256x128xf32, #tpu.memory_space<vmem>>, vector<1x16xf32>,
          %get3A_134 = vector.shape_cast %get3A_133 : vector<1x16xf32> to vector<16xf32>
          %add3A_135 = arith.addf %get3A_130, %get3A_134 : vector<16xf32>
          %swap3A_136 = arith.index_cast %squeeze3A : i32 to index
          %swap3A_137 = arith.constant 80 : index
          %swap3A_138 = tpu.vector_load %arg7[%swap3A_136, %swap3A_137] {strides = array<i32>} : memref<128x128xf32, #tpu.memory_space<vmem>>, vector<1x16xf32>,
          %swap3A_139 = vector.shape_cast %swap3A_138 : vector<1x16xf32> to vector<16xf32>
          %swap3A_140 = vector.shape_cast %add3A_135 : vector<16xf32> to vector<1x16xf32>
          tpu.vector_store %arg7[%swap3A_136, %swap3A_137], %swap3A_140 {strides = array<i32>} : memref<128x128xf32, #tpu.memory_space<vmem>>, vector<1x16xf32>,
          %get3A_141 = arith.index_cast %squeeze3A : i32 to index
          %get3A_142 = arith.constant 96 : index
          %get3A_143 = tpu.vector_load %arg7[%get3A_141, %get3A_142] {strides = array<i32>} : memref<128x128xf32, #tpu.memory_space<vmem>>, vector<1x16xf32>,
          %get3A_144 = vector.shape_cast %get3A_143 : vector<1x16xf32> to vector<16xf32>
          %get3A_145 = arith.index_cast %add3A_57 : i32 to index
          %get3A_146 = arith.constant 96 : index
          %get3A_147 = tpu.vector_load %arg6[%get3A_145, %get3A_146] {strides = array<i32>} : memref<256x128xf32, #tpu.memory_space<vmem>>, vector<1x16xf32>,
          %get3A_148 = vector.shape_cast %get3A_147 : vector<1x16xf32> to vector<16xf32>
          %add3A_149 = arith.addf %get3A_144, %get3A_148 : vector<16xf32>
          %swap3A_150 = arith.index_cast %squeeze3A : i32 to index
          %swap3A_151 = arith.constant 96 : index
          %swap3A_152 = tpu.vector_load %arg7[%swap3A_150, %swap3A_151] {strides = array<i32>} : memref<128x128xf32, #tpu.memory_space<vmem>>, vector<1x16xf32>,
          %swap3A_153 = vector.shape_cast %swap3A_152 : vector<1x16xf32> to vector<16xf32>
          %swap3A_154 = vector.shape_cast %add3A_149 : vector<16xf32> to vector<1x16xf32>
          tpu.vector_store %arg7[%swap3A_150, %swap3A_151], %swap3A_154 {strides = array<i32>} : memref<128x128xf32, #tpu.memory_space<vmem>>, vector<1x16xf32>,
          %get3A_155 = arith.index_cast %squeeze3A : i32 to index
          %get3A_156 = arith.constant 112 : index
          %get3A_157 = tpu.vector_load %arg7[%get3A_155, %get3A_156] {strides = array<i32>} : memref<128x128xf32, #tpu.memory_space<vmem>>, vector<1x16xf32>,
          %get3A_158 = vector.shape_cast %get3A_157 : vector<1x16xf32> to vector<16xf32>
          %get3A_159 = arith.index_cast %add3A_57 : i32 to index
          %get3A_160 = arith.constant 112 : index
          %get3A_161 = tpu.vector_load %arg6[%get3A_159, %get3A_160] {strides = array<i32>} : memref<256x128xf32, #tpu.memory_space<vmem>>, vector<1x16xf32>,
          %get3A_162 = vector.shape_cast %get3A_161 : vector<1x16xf32> to vector<16xf32>
          %add3A_163 = arith.addf %get3A_158, %get3A_162 : vector<16xf32>
          %swap3A_164 = arith.index_cast %squeeze3A : i32 to index
          %swap3A_165 = arith.constant 112 : index
          %swap3A_166 = tpu.vector_load %arg7[%swap3A_164, %swap3A_165] {strides = array<i32>} : memref<128x128xf32, #tpu.memory_space<vmem>>, vector<1x16xf32>,
          %swap3A_167 = vector.shape_cast %swap3A_166 : vector<1x16xf32> to vector<16xf32>
          %swap3A_168 = vector.shape_cast %add3A_163 : vector<16xf32> to vector<1x16xf32>
          tpu.vector_store %arg7[%swap3A_164, %swap3A_165], %swap3A_168 {strides = array<i32>} : memref<128x128xf32, #tpu.memory_space<vmem>>, vector<1x16xf32>,
          %slice3A_169 = vector.extract_strided_slice %get3A_53 {offsets = [1], sizes = [1], strides = [1]} : vector<16xi32> to vector<1xi32>
          %squeeze3A_170 = vector.extract %slice3A_169[0] : i32 from vector<1xi32>
          %mul3A_171 = arith.constant 16 : i32
          %mul3A_172 = arith.muli %scan3A_49, %mul3A_171 : i32
          %add3A_173 = arith.constant 1 : i32
          %add3A_174 = arith.addi %mul3A_172, %add3A_173 : i32
          %get3A_175 = arith.index_cast %squeeze3A_170 : i32 to index
          %get3A_176 = arith.constant 0 : index
          %get3A_177 = tpu.vector_load %arg7[%get3A_175, %get3A_176] {strides = array<i32>} : memref<128x128xf32, #tpu.memory_space<vmem>>, vector<1x16xf32>,
          %get3A_178 = vector.shape_cast %get3A_177 : vector<1x16xf32> to vector<16xf32>
          %get3A_179 = arith.index_cast %add3A_174 : i32 to index
          %get3A_180 = arith.constant 0 : index
          %get3A_181 = tpu.vector_load %arg6[%get3A_179, %get3A_180] {strides = array<i32>} : memref<256x128xf32, #tpu.memory_space<vmem>>, vector<1x16xf32>,
          %get3A_182 = vector.shape_cast %get3A_181 : vector<1x16xf32> to vector<16xf32>
          %add3A_183 = arith.addf %get3A_178, %get3A_182 : vector<16xf32>
          %swap3A_184 = arith.index_cast %squeeze3A_170 : i32 to index
          %swap3A_185 = arith.constant 0 : index
          %swap3A_186 = tpu.vector_load %arg7[%swap3A_184, %swap3A_185] {strides = array<i32>} : memref<128x128xf32, #tpu.memory_space<vmem>>, vector<1x16xf32>,
          %swap3A_187 = vector.shape_cast %swap3A_186 : vector<1x16xf32> to vector<16xf32>
          %swap3A_188 = vector.shape_cast %add3A_183 : vector<16xf32> to vector<1x16xf32>
          tpu.vector_store %arg7[%swap3A_184, %swap3A_185], %swap3A_188 {strides = array<i32>} : memref<128x128xf32, #tpu.memory_space<vmem>>, vector<1x16xf32>,
          %get3A_189 = arith.index_cast %squeeze3A_170 : i32 to index
          %get3A_190 = arith.constant 16 : index
          %get3A_191 = tpu.vector_load %arg7[%get3A_189, %get3A_190] {strides = array<i32>} : memref<128x128xf32, #tpu.memory_space<vmem>>, vector<1x16xf32>,
          %get3A_192 = vector.shape_cast %get3A_191 : vector<1x16xf32> to vector<16xf32>
          %get3A_193 = arith.index_cast %add3A_174 : i32 to index
          %get3A_194 = arith.constant 16 : index
          %get3A_195 = tpu.vector_load %arg6[%get3A_193, %get3A_194] {strides = array<i32>} : memref<256x128xf32, #tpu.memory_space<vmem>>, vector<1x16xf32>,
          %get3A_196 = vector.shape_cast %get3A_195 : vector<1x16xf32> to vector<16xf32>
          %add3A_197 = arith.addf %get3A_192, %get3A_196 : vector<16xf32>
          %swap3A_198 = arith.index_cast %squeeze3A_170 : i32 to index
          %swap3A_199 = arith.constant 16 : index
          %swap3A_200 = tpu.vector_load %arg7[%swap3A_198, %swap3A_199] {strides = array<i32>} : memref<128x128xf32, #tpu.memory_space<vmem>>, vector<1x16xf32>,
          %swap3A_201 = vector.shape_cast %swap3A_200 : vector<1x16xf32> to vector<16xf32>
          %swap3A_202 = vector.shape_cast %add3A_197 : vector<16xf32> to vector<1x16xf32>
          tpu.vector_store %arg7[%swap3A_198, %swap3A_199], %swap3A_202 {strides = array<i32>} : memref<128x128xf32, #tpu.memory_space<vmem>>, vector<1x16xf32>,
          %get3A_203 = arith.index_cast %squeeze3A_170 : i32 to index
          %get3A_204 = arith.constant 32 : index
          %get3A_205 = tpu.vector_load %arg7[%get3A_203, %get3A_204] {strides = array<i32>} : memref<128x128xf32, #tpu.memory_space<vmem>>, vector<1x16xf32>,
          %get3A_206 = vector.shape_cast %get3A_205 : vector<1x16xf32> to vector<16xf32>
          %get3A_207 = arith.index_cast %add3A_174 : i32 to index
          %get3A_208 = arith.constant 32 : index
          %get3A_209 = tpu.vector_load %arg6[%get3A_207, %get3A_208] {strides = array<i32>} : memref<256x128xf32, #tpu.memory_space<vmem>>, vector<1x16xf32>,
          %get3A_210 = vector.shape_cast %get3A_209 : vector<1x16xf32> to vector<16xf32>
          %add3A_211 = arith.addf %get3A_206, %get3A_210 : vector<16xf32>
          %swap3A_212 = arith.index_cast %squeeze3A_170 : i32 to index
          %swap3A_213 = arith.constant 32 : index
          %swap3A_214 = tpu.vector_load %arg7[%swap3A_212, %swap3A_213] {strides = array<i32>} : memref<128x128xf32, #tpu.memory_space<vmem>>, vector<1x16xf32>,
          %swap3A_215 = vector.shape_cast %swap3A_214 : vector<1x16xf32> to vector<16xf32>
          %swap3A_216 = vector.shape_cast %add3A_211 : vector<16xf32> to vector<1x16xf32>
          tpu.vector_store %arg7[%swap3A_212, %swap3A_213], %swap3A_216 {strides = array<i32>} : memref<128x128xf32, #tpu.memory_space<vmem>>, vector<1x16xf32>,
          %get3A_217 = arith.index_cast %squeeze3A_170 : i32 to index
          %get3A_218 = arith.constant 48 : index
          %get3A_219 = tpu.vector_load %arg7[%get3A_217, %get3A_218] {strides = array<i32>} : memref<128x128xf32, #tpu.memory_space<vmem>>, vector<1x16xf32>,
          %get3A_220 = vector.shape_cast %get3A_219 : vector<1x16xf32> to vector<16xf32>
          %get3A_221 = arith.index_cast %add3A_174 : i32 to index
          %get3A_222 = arith.constant 48 : index
          %get3A_223 = tpu.vector_load %arg6[%get3A_221, %get3A_222] {strides = array<i32>} : memref<256x128xf32, #tpu.memory_space<vmem>>, vector<1x16xf32>,
          %get3A_224 = vector.shape_cast %get3A_223 : vector<1x16xf32> to vector<16xf32>
          %add3A_225 = arith.addf %get3A_220, %get3A_224 : vector<16xf32>
          %swap3A_226 = arith.index_cast %squeeze3A_170 : i32 to index
          %swap3A_227 = arith.constant 48 : index
          %swap3A_228 = tpu.vector_load %arg7[%swap3A_226, %swap3A_227] {strides = array<i32>} : memref<128x128xf32, #tpu.memory_space<vmem>>, vector<1x16xf32>,
          %swap3A_229 = vector.shape_cast %swap3A_228 : vector<1x16xf32> to vector<16xf32>
          %swap3A_230 = vector.shape_cast %add3A_225 : vector<16xf32> to vector<1x16xf32>
          tpu.vector_store %arg7[%swap3A_226, %swap3A_227], %swap3A_230 {strides = array<i32>} : memref<128x128xf32, #tpu.memory_space<vmem>>, vector<1x16xf32>,
          %get3A_231 = arith.index_cast %squeeze3A_170 : i32 to index
          %get3A_232 = arith.constant 64 : index
          %get3A_233 = tpu.vector_load %arg7[%get3A_231, %get3A_232] {strides = array<i32>} : memref<128x128xf32, #tpu.memory_space<vmem>>, vector<1x16xf32>,
          %get3A_234 = vector.shape_cast %get3A_233 : vector<1x16xf32> to vector<16xf32>
          %get3A_235 = arith.index_cast %add3A_174 : i32 to index
          %get3A_236 = arith.constant 64 : index
          %get3A_237 = tpu.vector_load %arg6[%get3A_235, %get3A_236] {strides = array<i32>} : memref<256x128xf32, #tpu.memory_space<vmem>>, vector<1x16xf32>,
          %get3A_238 = vector.shape_cast %get3A_237 : vector<1x16xf32> to vector<16xf32>
          %add3A_239 = arith.addf %get3A_234, %get3A_238 : vector<16xf32>
          %swap3A_240 = arith.index_cast %squeeze3A_170 : i32 to index
          %swap3A_241 = arith.constant 64 : index
          %swap3A_242 = tpu.vector_load %arg7[%swap3A_240, %swap3A_241] {strides = array<i32>} : memref<128x128xf32, #tpu.memory_space<vmem>>, vector<1x16xf32>,
          %swap3A_243 = vector.shape_cast %swap3A_242 : vector<1x16xf32> to vector<16xf32>
          %swap3A_244 = vector.shape_cast %add3A_239 : vector<16xf32> to vector<1x16xf32>
          tpu.vector_store %arg7[%swap3A_240, %swap3A_241], %swap3A_244 {strides = array<i32>} : memref<128x128xf32, #tpu.memory_space<vmem>>, vector<1x16xf32>,
          %get3A_245 = arith.index_cast %squeeze3A_170 : i32 to index
          %get3A_246 = arith.constant 80 : index
          %get3A_247 = tpu.vector_load %arg7[%get3A_245, %get3A_246] {strides = array<i32>} : memref<128x128xf32, #tpu.memory_space<vmem>>, vector<1x16xf32>,
          %get3A_248 = vector.shape_cast %get3A_247 : vector<1x16xf32> to vector<16xf32>
          %get3A_249 = arith.index_cast %add3A_174 : i32 to index
          %get3A_250 = arith.constant 80 : index
          %get3A_251 = tpu.vector_load %arg6[%get3A_249, %get3A_250] {strides = array<i32>} : memref<256x128xf32, #tpu.memory_space<vmem>>, vector<1x16xf32>,
          %get3A_252 = vector.shape_cast %get3A_251 : vector<1x16xf32> to vector<16xf32>
          %add3A_253 = arith.addf %get3A_248, %get3A_252 : vector<16xf32>
          %swap3A_254 = arith.index_cast %squeeze3A_170 : i32 to index
          %swap3A_255 = arith.constant 80 : index
          %swap3A_256 = tpu.vector_load %arg7[%swap3A_254, %swap3A_255] {strides = array<i32>} : memref<128x128xf32, #tpu.memory_space<vmem>>, vector<1x16xf32>,
          %swap3A_257 = vector.shape_cast %swap3A_256 : vector<1x16xf32> to vector<16xf32>
          %swap3A_258 = vector.shape_cast %add3A_253 : vector<16xf32> to vector<1x16xf32>
          tpu.vector_store %arg7[%swap3A_254, %swap3A_255], %swap3A_258 {strides = array<i32>} : memref<128x128xf32, #tpu.memory_space<vmem>>, vector<1x16xf32>,
          %get3A_259 = arith.index_cast %squeeze3A_170 : i32 to index
          %get3A_260 = arith.constant 96 : index
          %get3A_261 = tpu.vector_load %arg7[%get3A_259, %get3A_260] {strides = array<i32>} : memref<128x128xf32, #tpu.memory_space<vmem>>, vector<1x16xf32>,
          %get3A_262 = vector.shape_cast %get3A_261 : vector<1x16xf32> to vector<16xf32>
          %get3A_263 = arith.index_cast %add3A_174 : i32 to index
          %get3A_264 = arith.constant 96 : index
          %get3A_265 = tpu.vector_load %arg6[%get3A_263, %get3A_264] {strides = array<i32>} : memref<256x128xf32, #tpu.memory_space<vmem>>, vector<1x16xf32>,
          %get3A_266 = vector.shape_cast %get3A_265 : vector<1x16xf32> to vector<16xf32>
          %add3A_267 = arith.addf %get3A_262, %get3A_266 : vector<16xf32>
          %swap3A_268 = arith.index_cast %squeeze3A_170 : i32 to index
          %swap3A_269 = arith.constant 96 : index
          %swap3A_270 = tpu.vector_load %arg7[%swap3A_268, %swap3A_269] {strides = array<i32>} : memref<128x128xf32, #tpu.memory_space<vmem>>, vector<1x16xf32>,
          %swap3A_271 = vector.shape_cast %swap3A_270 : vector<1x16xf32> to vector<16xf32>
          %swap3A_272 = vector.shape_cast %add3A_267 : vector<16xf32> to vector<1x16xf32>
          tpu.vector_store %arg7[%swap3A_268, %swap3A_269], %swap3A_272 {strides = array<i32>} : memref<128x128xf32, #tpu.memory_space<vmem>>, vector<1x16xf32>,
          %get3A_273 = arith.index_cast %squeeze3A_170 : i32 to index
          %get3A_274 = arith.constant 112 : index
          %get3A_275 = tpu.vector_load %arg7[%get3A_273, %get3A_274] {strides = array<i32>} : memref<128x128xf32, #tpu.memory_space<vmem>>, vector<1x16xf32>,
          %get3A_276 = vector.shape_cast %get3A_275 : vector<1x16xf32> to vector<16xf32>
          %get3A_277 = arith.index_cast %add3A_174 : i32 to index
          %get3A_278 = arith.constant 112 : index
          %get3A_279 = tpu.vector_load %arg6[%get3A_277, %get3A_278] {strides = array<i32>} : memref<256x128xf32, #tpu.memory_space<vmem>>, vector<1x16xf32>,
          %get3A_280 = vector.shape_cast %get3A_279 : vector<1x16xf32> to vector<16xf32>
          %add3A_281 = arith.addf %get3A_276, %get3A_280 : vector<16xf32>
          %swap3A_282 = arith.index_cast %squeeze3A_170 : i32 to index
          %swap3A_283 = arith.constant 112 : index
          %swap3A_284 = tpu.vector_load %arg7[%swap3A_282, %swap3A_283] {strides = array<i32>} : memref<128x128xf32, #tpu.memory_space<vmem>>, vector<1x16xf32>,
          %swap3A_285 = vector.shape_cast %swap3A_284 : vector<1x16xf32> to vector<16xf32>
          %swap3A_286 = vector.shape_cast %add3A_281 : vector<16xf32> to vector<1x16xf32>
          tpu.vector_store %arg7[%swap3A_282, %swap3A_283], %swap3A_286 {strides = array<i32>} : memref<128x128xf32, #tpu.memory_space<vmem>>, vector<1x16xf32>,
          %slice3A_287 = vector.extract_strided_slice %get3A_53 {offsets = [2], sizes = [1], strides = [1]} : vector<16xi32> to vector<1xi32>
          %squeeze3A_288 = vector.extract %slice3A_287[0] : i32 from vector<1xi32>
          %mul3A_289 = arith.constant 16 : i32
          %mul3A_290 = arith.muli %scan3A_49, %mul3A_289 : i32
          %add3A_291 = arith.constant 2 : i32
          %add3A_292 = arith.addi %mul3A_290, %add3A_291 : i32
          %get3A_293 = arith.index_cast %squeeze3A_288 : i32 to index
          %get3A_294 = arith.constant 0 : index
          %get3A_295 = tpu.vector_load %arg7[%get3A_293, %get3A_294] {strides = array<i32>} : memref<128x128xf32, #tpu.memory_space<vmem>>, vector<1x16xf32>,
          %get3A_296 = vector.shape_cast %get3A_295 : vector<1x16xf32> to vector<16xf32>
          %get3A_297 = arith.index_cast %add3A_292 : i32 to index
          %get3A_298 = arith.constant 0 : index
          %get3A_299 = tpu.vector_load %arg6[%get3A_297, %get3A_298] {strides = array<i32>} : memref<256x128xf32, #tpu.memory_space<vmem>>, vector<1x16xf32>,
          %get3A_300 = vector.shape_cast %get3A_299 : vector<1x16xf32> to vector<16xf32>
          %add3A_301 = arith.addf %get3A_296, %get3A_300 : vector<16xf32>
          %swap3A_302 = arith.index_cast %squeeze3A_288 : i32 to index
          %swap3A_303 = arith.constant 0 : index
          %swap3A_304 = tpu.vector_load %arg7[%swap3A_302, %swap3A_303] {strides = array<i32>} : memref<128x128xf32, #tpu.memory_space<vmem>>, vector<1x16xf32>,
          %swap3A_305 = vector.shape_cast %swap3A_304 : vector<1x16xf32> to vector<16xf32>
          %swap3A_306 = vector.shape_cast %add3A_301 : vector<16xf32> to vector<1x16xf32>
          tpu.vector_store %arg7[%swap3A_302, %swap3A_303], %swap3A_306 {strides = array<i32>} : memref<128x128xf32, #tpu.memory_space<vmem>>, vector<1x16xf32>,
          %get3A_307 = arith.index_cast %squeeze3A_288 : i32 to index
          %get3A_308 = arith.constant 16 : index
          %get3A_309 = tpu.vector_load %arg7[%get3A_307, %get3A_308] {strides = array<i32>} : memref<128x128xf32, #tpu.memory_space<vmem>>, vector<1x16xf32>,
          %get3A_310 = vector.shape_cast %get3A_309 : vector<1x16xf32> to vector<16xf32>
          %get3A_311 = arith.index_cast %add3A_292 : i32 to index
          %get3A_312 = arith.constant 16 : index
          %get3A_313 = tpu.vector_load %arg6[%get3A_311, %get3A_312] {strides = array<i32>} : memref<256x128xf32, #tpu.memory_space<vmem>>, vector<1x16xf32>,
          %get3A_314 = vector.shape_cast %get3A_313 : vector<1x16xf32> to vector<16xf32>
          %add3A_315 = arith.addf %get3A_310, %get3A_314 : vector<16xf32>
          %swap3A_316 = arith.index_cast %squeeze3A_288 : i32 to index
          %swap3A_317 = arith.constant 16 : index
          %swap3A_318 = tpu.vector_load %arg7[%swap3A_316, %swap3A_317] {strides = array<i32>} : memref<128x128xf32, #tpu.memory_space<vmem>>, vector<1x16xf32>,
          %swap3A_319 = vector.shape_cast %swap3A_318 : vector<1x16xf32> to vector<16xf32>
          %swap3A_320 = vector.shape_cast %add3A_315 : vector<16xf32> to vector<1x16xf32>
          tpu.vector_store %arg7[%swap3A_316, %swap3A_317], %swap3A_320 {strides = array<i32>} : memref<128x128xf32, #tpu.memory_space<vmem>>, vector<1x16xf32>,
          %get3A_321 = arith.index_cast %squeeze3A_288 : i32 to index
          %get3A_322 = arith.constant 32 : index
          %get3A_323 = tpu.vector_load %arg7[%get3A_321, %get3A_322] {strides = array<i32>} : memref<128x128xf32, #tpu.memory_space<vmem>>, vector<1x16xf32>,
          %get3A_324 = vector.shape_cast %get3A_323 : vector<1x16xf32> to vector<16xf32>
          %get3A_325 = arith.index_cast %add3A_292 : i32 to index
          %get3A_326 = arith.constant 32 : index
          %get3A_327 = tpu.vector_load %arg6[%get3A_325, %get3A_326] {strides = array<i32>} : memref<256x128xf32, #tpu.memory_space<vmem>>, vector<1x16xf32>,
          %get3A_328 = vector.shape_cast %get3A_327 : vector<1x16xf32> to vector<16xf32>
          %add3A_329 = arith.addf %get3A_324, %get3A_328 : vector<16xf32>
          %swap3A_330 = arith.index_cast %squeeze3A_288 : i32 to index
          %swap3A_331 = arith.constant 32 : index
          %swap3A_332 = tpu.vector_load %arg7[%swap3A_330, %swap3A_331] {strides = array<i32>} : memref<128x128xf32, #tpu.memory_space<vmem>>, vector<1x16xf32>,
          %swap3A_333 = vector.shape_cast %swap3A_332 : vector<1x16xf32> to vector<16xf32>
          %swap3A_334 = vector.shape_cast %add3A_329 : vector<16xf32> to vector<1x16xf32>
          tpu.vector_store %arg7[%swap3A_330, %swap3A_331], %swap3A_334 {strides = array<i32>} : memref<128x128xf32, #tpu.memory_space<vmem>>, vector<1x16xf32>,
          %get3A_335 = arith.index_cast %squeeze3A_288 : i32 to index
          %get3A_336 = arith.constant 48 : index
          %get3A_337 = tpu.vector_load %arg7[%get3A_335, %get3A_336] {strides = array<i32>} : memref<128x128xf32, #tpu.memory_space<vmem>>, vector<1x16xf32>,
          %get3A_338 = vector.shape_cast %get3A_337 : vector<1x16xf32> to vector<16xf32>
          %get3A_339 = arith.index_cast %add3A_292 : i32 to index
          %get3A_340 = arith.constant 48 : index
          %get3A_341 = tpu.vector_load %arg6[%get3A_339, %get3A_340] {strides = array<i32>} : memref<256x128xf32, #tpu.memory_space<vmem>>, vector<1x16xf32>,
          %get3A_342 = vector.shape_cast %get3A_341 : vector<1x16xf32> to vector<16xf32>
          %add3A_343 = arith.addf %get3A_338, %get3A_342 : vector<16xf32>
          %swap3A_344 = arith.index_cast %squeeze3A_288 : i32 to index
          %swap3A_345 = arith.constant 48 : index
          %swap3A_346 = tpu.vector_load %arg7[%swap3A_344, %swap3A_345] {strides = array<i32>} : memref<128x128xf32, #tpu.memory_space<vmem>>, vector<1x16xf32>,
          %swap3A_347 = vector.shape_cast %swap3A_346 : vector<1x16xf32> to vector<16xf32>
          %swap3A_348 = vector.shape_cast %add3A_343 : vector<16xf32> to vector<1x16xf32>
          tpu.vector_store %arg7[%swap3A_344, %swap3A_345], %swap3A_348 {strides = array<i32>} : memref<128x128xf32, #tpu.memory_space<vmem>>, vector<1x16xf32>,
          %get3A_349 = arith.index_cast %squeeze3A_288 : i32 to index
          %get3A_350 = arith.constant 64 : index
          %get3A_351 = tpu.vector_load %arg7[%get3A_349, %get3A_350] {strides = array<i32>} : memref<128x128xf32, #tpu.memory_space<vmem>>, vector<1x16xf32>,
          %get3A_352 = vector.shape_cast %get3A_351 : vector<1x16xf32> to vector<16xf32>
          %get3A_353 = arith.index_cast %add3A_292 : i32 to index
          %get3A_354 = arith.constant 64 : index
          %get3A_355 = tpu.vector_load %arg6[%get3A_353, %get3A_354] {strides = array<i32>} : memref<256x128xf32, #tpu.memory_space<vmem>>, vector<1x16xf32>,
          %get3A_356 = vector.shape_cast %get3A_355 : vector<1x16xf32> to vector<16xf32>
          %add3A_357 = arith.addf %get3A_352, %get3A_356 : vector<16xf32>
          %swap3A_358 = arith.index_cast %squeeze3A_288 : i32 to index
          %swap3A_359 = arith.constant 64 : index
          %swap3A_360 = tpu.vector_load %arg7[%swap3A_358, %swap3A_359] {strides = array<i32>} : memref<128x128xf32, #tpu.memory_space<vmem>>, vector<1x16xf32>,
          %swap3A_361 = vector.shape_cast %swap3A_360 : vector<1x16xf32> to vector<16xf32>
          %swap3A_362 = vector.shape_cast %add3A_357 : vector<16xf32> to vector<1x16xf32>
          tpu.vector_store %arg7[%swap3A_358, %swap3A_359], %swap3A_362 {strides = array<i32>} : memref<128x128xf32, #tpu.memory_space<vmem>>, vector<1x16xf32>,
          %get3A_363 = arith.index_cast %squeeze3A_288 : i32 to index
          %get3A_364 = arith.constant 80 : index
          %get3A_365 = tpu.vector_load %arg7[%get3A_363, %get3A_364] {strides = array<i32>} : memref<128x128xf32, #tpu.memory_space<vmem>>, vector<1x16xf32>,
          %get3A_366 = vector.shape_cast %get3A_365 : vector<1x16xf32> to vector<16xf32>
          %get3A_367 = arith.index_cast %add3A_292 : i32 to index
          %get3A_368 = arith.constant 80 : index
          %get3A_369 = tpu.vector_load %arg6[%get3A_367, %get3A_368] {strides = array<i32>} : memref<256x128xf32, #tpu.memory_space<vmem>>, vector<1x16xf32>,
          %get3A_370 = vector.shape_cast %get3A_369 : vector<1x16xf32> to vector<16xf32>
          %add3A_371 = arith.addf %get3A_366, %get3A_370 : vector<16xf32>
          %swap3A_372 = arith.index_cast %squeeze3A_288 : i32 to index
          %swap3A_373 = arith.constant 80 : index
          %swap3A_374 = tpu.vector_load %arg7[%swap3A_372, %swap3A_373] {strides = array<i32>} : memref<128x128xf32, #tpu.memory_space<vmem>>, vector<1x16xf32>,
          %swap3A_375 = vector.shape_cast %swap3A_374 : vector<1x16xf32> to vector<16xf32>
          %swap3A_376 = vector.shape_cast %add3A_371 : vector<16xf32> to vector<1x16xf32>
          tpu.vector_store %arg7[%swap3A_372, %swap3A_373], %swap3A_376 {strides = array<i32>} : memref<128x128xf32, #tpu.memory_space<vmem>>, vector<1x16xf32>,
          %get3A_377 = arith.index_cast %squeeze3A_288 : i32 to index
          %get3A_378 = arith.constant 96 : index
          %get3A_379 = tpu.vector_load %arg7[%get3A_377, %get3A_378] {strides = array<i32>} : memref<128x128xf32, #tpu.memory_space<vmem>>, vector<1x16xf32>,
          %get3A_380 = vector.shape_cast %get3A_379 : vector<1x16xf32> to vector<16xf32>
          %get3A_381 = arith.index_cast %add3A_292 : i32 to index
          %get3A_382 = arith.constant 96 : index
          %get3A_383 = tpu.vector_load %arg6[%get3A_381, %get3A_382] {strides = array<i32>} : memref<256x128xf32, #tpu.memory_space<vmem>>, vector<1x16xf32>,
          %get3A_384 = vector.shape_cast %get3A_383 : vector<1x16xf32> to vector<16xf32>
          %add3A_385 = arith.addf %get3A_380, %get3A_384 : vector<16xf32>
          %swap3A_386 = arith.index_cast %squeeze3A_288 : i32 to index
          %swap3A_387 = arith.constant 96 : index
          %swap3A_388 = tpu.vector_load %arg7[%swap3A_386, %swap3A_387] {strides = array<i32>} : memref<128x128xf32, #tpu.memory_space<vmem>>, vector<1x16xf32>,
          %swap3A_389 = vector.shape_cast %swap3A_388 : vector<1x16xf32> to vector<16xf32>
          %swap3A_390 = vector.shape_cast %add3A_385 : vector<16xf32> to vector<1x16xf32>
          tpu.vector_store %arg7[%swap3A_386, %swap3A_387], %swap3A_390 {strides = array<i32>} : memref<128x128xf32, #tpu.memory_space<vmem>>, vector<1x16xf32>,
          %get3A_391 = arith.index_cast %squeeze3A_288 : i32 to index
          %get3A_392 = arith.constant 112 : index
          %get3A_393 = tpu.vector_load %arg7[%get3A_391, %get3A_392] {strides = array<i32>} : memref<128x128xf32, #tpu.memory_space<vmem>>, vector<1x16xf32>,
          %get3A_394 = vector.shape_cast %get3A_393 : vector<1x16xf32> to vector<16xf32>
          %get3A_395 = arith.index_cast %add3A_292 : i32 to index
          %get3A_396 = arith.constant 112 : index
          %get3A_397 = tpu.vector_load %arg6[%get3A_395, %get3A_396] {strides = array<i32>} : memref<256x128xf32, #tpu.memory_space<vmem>>, vector<1x16xf32>,
          %get3A_398 = vector.shape_cast %get3A_397 : vector<1x16xf32> to vector<16xf32>
          %add3A_399 = arith.addf %get3A_394, %get3A_398 : vector<16xf32>
          %swap3A_400 = arith.index_cast %squeeze3A_288 : i32 to index
          %swap3A_401 = arith.constant 112 : index
          %swap3A_402 = tpu.vector_load %arg7[%swap3A_400, %swap3A_401] {strides = array<i32>} : memref<128x128xf32, #tpu.memory_space<vmem>>, vector<1x16xf32>,
          %swap3A_403 = vector.shape_cast %swap3A_402 : vector<1x16xf32> to vector<16xf32>
          %swap3A_404 = vector.shape_cast %add3A_399 : vector<16xf32> to vector<1x16xf32>
          tpu.vector_store %arg7[%swap3A_400, %swap3A_401], %swap3A_404 {strides = array<i32>} : memref<128x128xf32, #tpu.memory_space<vmem>>, vector<1x16xf32>,
          %slice3A_405 = vector.extract_strided_slice %get3A_53 {offsets = [3], sizes = [1], strides = [1]} : vector<16xi32> to vector<1xi32>
          %squeeze3A_406 = vector.extract %slice3A_405[0] : i32 from vector<1xi32>
          %mul3A_407 = arith.constant 16 : i32
          %mul3A_408 = arith.muli %scan3A_49, %mul3A_407 : i32
          %add3A_409 = arith.constant 3 : i32
          %add3A_410 = arith.addi %mul3A_408, %add3A_409 : i32
          %get3A_411 = arith.index_cast %squeeze3A_406 : i32 to index
          %get3A_412 = arith.constant 0 : index
          %get3A_413 = tpu.vector_load %arg7[%get3A_411, %get3A_412] {strides = array<i32>} : memref<128x128xf32, #tpu.memory_space<vmem>>, vector<1x16xf32>,
          %get3A_414 = vector.shape_cast %get3A_413 : vector<1x16xf32> to vector<16xf32>
          %get3A_415 = arith.index_cast %add3A_410 : i32 to index
          %get3A_416 = arith.constant 0 : index
          %get3A_417 = tpu.vector_load %arg6[%get3A_415, %get3A_416] {strides = array<i32>} : memref<256x128xf32, #tpu.memory_space<vmem>>, vector<1x16xf32>,
          %get3A_418 = vector.shape_cast %get3A_417 : vector<1x16xf32> to vector<16xf32>
          %add3A_419 = arith.addf %get3A_414, %get3A_418 : vector<16xf32>
          %swap3A_420 = arith.index_cast %squeeze3A_406 : i32 to index
          %swap3A_421 = arith.constant 0 : index
          %swap3A_422 = tpu.vector_load %arg7[%swap3A_420, %swap3A_421] {strides = array<i32>} : memref<128x128xf32, #tpu.memory_space<vmem>>, vector<1x16xf32>,
          %swap3A_423 = vector.shape_cast %swap3A_422 : vector<1x16xf32> to vector<16xf32>
          %swap3A_424 = vector.shape_cast %add3A_419 : vector<16xf32> to vector<1x16xf32>
          tpu.vector_store %arg7[%swap3A_420, %swap3A_421], %swap3A_424 {strides = array<i32>} : memref<128x128xf32, #tpu.memory_space<vmem>>, vector<1x16xf32>,
          %get3A_425 = arith.index_cast %squeeze3A_406 : i32 to index
          %get3A_426 = arith.constant 16 : index
          %get3A_427 = tpu.vector_load %arg7[%get3A_425, %get3A_426] {strides = array<i32>} : memref<128x128xf32, #tpu.memory_space<vmem>>, vector<1x16xf32>,
          %get3A_428 = vector.shape_cast %get3A_427 : vector<1x16xf32> to vector<16xf32>
          %get3A_429 = arith.index_cast %add3A_410 : i32 to index
          %get3A_430 = arith.constant 16 : index
          %get3A_431 = tpu.vector_load %arg6[%get3A_429, %get3A_430] {strides = array<i32>} : memref<256x128xf32, #tpu.memory_space<vmem>>, vector<1x16xf32>,
          %get3A_432 = vector.shape_cast %get3A_431 : vector<1x16xf32> to vector<16xf32>
          %add3A_433 = arith.addf %get3A_428, %get3A_432 : vector<16xf32>
          %swap3A_434 = arith.index_cast %squeeze3A_406 : i32 to index
          %swap3A_435 = arith.constant 16 : index
          %swap3A_436 = tpu.vector_load %arg7[%swap3A_434, %swap3A_435] {strides = array<i32>} : memref<128x128xf32, #tpu.memory_space<vmem>>, vector<1x16xf32>,
          %swap3A_437 = vector.shape_cast %swap3A_436 : vector<1x16xf32> to vector<16xf32>
          %swap3A_438 = vector.shape_cast %add3A_433 : vector<16xf32> to vector<1x16xf32>
          tpu.vector_store %arg7[%swap3A_434, %swap3A_435], %swap3A_438 {strides = array<i32>} : memref<128x128xf32, #tpu.memory_space<vmem>>, vector<1x16xf32>,
          %get3A_439 = arith.index_cast %squeeze3A_406 : i32 to index
          %get3A_440 = arith.constant 32 : index
          %get3A_441 = tpu.vector_load %arg7[%get3A_439, %get3A_440] {strides = array<i32>} : memref<128x128xf32, #tpu.memory_space<vmem>>, vector<1x16xf32>,
          %get3A_442 = vector.shape_cast %get3A_441 : vector<1x16xf32> to vector<16xf32>
          %get3A_443 = arith.index_cast %add3A_410 : i32 to index
          %get3A_444 = arith.constant 32 : index
          %get3A_445 = tpu.vector_load %arg6[%get3A_443, %get3A_444] {strides = array<i32>} : memref<256x128xf32, #tpu.memory_space<vmem>>, vector<1x16xf32>,
          %get3A_446 = vector.shape_cast %get3A_445 : vector<1x16xf32> to vector<16xf32>
          %add3A_447 = arith.addf %get3A_442, %get3A_446 : vector<16xf32>
          %swap3A_448 = arith.index_cast %squeeze3A_406 : i32 to index
          %swap3A_449 = arith.constant 32 : index
          %swap3A_450 = tpu.vector_load %arg7[%swap3A_448, %swap3A_449] {strides = array<i32>} : memref<128x128xf32, #tpu.memory_space<vmem>>, vector<1x16xf32>,
          %swap3A_451 = vector.shape_cast %swap3A_450 : vector<1x16xf32> to vector<16xf32>
          %swap3A_452 = vector.shape_cast %add3A_447 : vector<16xf32> to vector<1x16xf32>
          tpu.vector_store %arg7[%swap3A_448, %swap3A_449], %swap3A_452 {strides = array<i32>} : memref<128x128xf32, #tpu.memory_space<vmem>>, vector<1x16xf32>,
          %get3A_453 = arith.index_cast %squeeze3A_406 : i32 to index
          %get3A_454 = arith.constant 48 : index
          %get3A_455 = tpu.vector_load %arg7[%get3A_453, %get3A_454] {strides = array<i32>} : memref<128x128xf32, #tpu.memory_space<vmem>>, vector<1x16xf32>,
          %get3A_456 = vector.shape_cast %get3A_455 : vector<1x16xf32> to vector<16xf32>
          %get3A_457 = arith.index_cast %add3A_410 : i32 to index
          %get3A_458 = arith.constant 48 : index
          %get3A_459 = tpu.vector_load %arg6[%get3A_457, %get3A_458] {strides = array<i32>} : memref<256x128xf32, #tpu.memory_space<vmem>>, vector<1x16xf32>,
          %get3A_460 = vector.shape_cast %get3A_459 : vector<1x16xf32> to vector<16xf32>
          %add3A_461 = arith.addf %get3A_456, %get3A_460 : vector<16xf32>
          %swap3A_462 = arith.index_cast %squeeze3A_406 : i32 to index
          %swap3A_463 = arith.constant 48 : index
          %swap3A_464 = tpu.vector_load %arg7[%swap3A_462, %swap3A_463] {strides = array<i32>} : memref<128x128xf32, #tpu.memory_space<vmem>>, vector<1x16xf32>,
          %swap3A_465 = vector.shape_cast %swap3A_464 : vector<1x16xf32> to vector<16xf32>
          %swap3A_466 = vector.shape_cast %add3A_461 : vector<16xf32> to vector<1x16xf32>
          tpu.vector_store %arg7[%swap3A_462, %swap3A_463], %swap3A_466 {strides = array<i32>} : memref<128x128xf32, #tpu.memory_space<vmem>>, vector<1x16xf32>,
          %get3A_467 = arith.index_cast %squeeze3A_406 : i32 to index
          %get3A_468 = arith.constant 64 : index
          %get3A_469 = tpu.vector_load %arg7[%get3A_467, %get3A_468] {strides = array<i32>} : memref<128x128xf32, #tpu.memory_space<vmem>>, vector<1x16xf32>,
          %get3A_470 = vector.shape_cast %get3A_469 : vector<1x16xf32> to vector<16xf32>
          %get3A_471 = arith.index_cast %add3A_410 : i32 to index
          %get3A_472 = arith.constant 64 : index
          %get3A_473 = tpu.vector_load %arg6[%get3A_471, %get3A_472] {strides = array<i32>} : memref<256x128xf32, #tpu.memory_space<vmem>>, vector<1x16xf32>,
          %get3A_474 = vector.shape_cast %get3A_473 : vector<1x16xf32> to vector<16xf32>
          %add3A_475 = arith.addf %get3A_470, %get3A_474 : vector<16xf32>
          %swap3A_476 = arith.index_cast %squeeze3A_406 : i32 to index
          %swap3A_477 = arith.constant 64 : index
          %swap3A_478 = tpu.vector_load %arg7[%swap3A_476, %swap3A_477] {strides = array<i32>} : memref<128x128xf32, #tpu.memory_space<vmem>>, vector<1x16xf32>,
          %swap3A_479 = vector.shape_cast %swap3A_478 : vector<1x16xf32> to vector<16xf32>
          %swap3A_480 = vector.shape_cast %add3A_475 : vector<16xf32> to vector<1x16xf32>
          tpu.vector_store %arg7[%swap3A_476, %swap3A_477], %swap3A_480 {strides = array<i32>} : memref<128x128xf32, #tpu.memory_space<vmem>>, vector<1x16xf32>,
          %get3A_481 = arith.index_cast %squeeze3A_406 : i32 to index
          %get3A_482 = arith.constant 80 : index
          %get3A_483 = tpu.vector_load %arg7[%get3A_481, %get3A_482] {strides = array<i32>} : memref<128x128xf32, #tpu.memory_space<vmem>>, vector<1x16xf32>,
          %get3A_484 = vector.shape_cast %get3A_483 : vector<1x16xf32> to vector<16xf32>
          %get3A_485 = arith.index_cast %add3A_410 : i32 to index
          %get3A_486 = arith.constant 80 : index
          %get3A_487 = tpu.vector_load %arg6[%get3A_485, %get3A_486] {strides = array<i32>} : memref<256x128xf32, #tpu.memory_space<vmem>>, vector<1x16xf32>,
          %get3A_488 = vector.shape_cast %get3A_487 : vector<1x16xf32> to vector<16xf32>
          %add3A_489 = arith.addf %get3A_484, %get3A_488 : vector<16xf32>
          %swap3A_490 = arith.index_cast %squeeze3A_406 : i32 to index
          %swap3A_491 = arith.constant 80 : index
          %swap3A_492 = tpu.vector_load %arg7[%swap3A_490, %swap3A_491] {strides = array<i32>} : memref<128x128xf32, #tpu.memory_space<vmem>>, vector<1x16xf32>,
          %swap3A_493 = vector.shape_cast %swap3A_492 : vector<1x16xf32> to vector<16xf32>
          %swap3A_494 = vector.shape_cast %add3A_489 : vector<16xf32> to vector<1x16xf32>
          tpu.vector_store %arg7[%swap3A_490, %swap3A_491], %swap3A_494 {strides = array<i32>} : memref<128x128xf32, #tpu.memory_space<vmem>>, vector<1x16xf32>,
          %get3A_495 = arith.index_cast %squeeze3A_406 : i32 to index
          %get3A_496 = arith.constant 96 : index
          %get3A_497 = tpu.vector_load %arg7[%get3A_495, %get3A_496] {strides = array<i32>} : memref<128x128xf32, #tpu.memory_space<vmem>>, vector<1x16xf32>,
          %get3A_498 = vector.shape_cast %get3A_497 : vector<1x16xf32> to vector<16xf32>
          %get3A_499 = arith.index_cast %add3A_410 : i32 to index
          %get3A_500 = arith.constant 96 : index
          %get3A_501 = tpu.vector_load %arg6[%get3A_499, %get3A_500] {strides = array<i32>} : memref<256x128xf32, #tpu.memory_space<vmem>>, vector<1x16xf32>,
          %get3A_502 = vector.shape_cast %get3A_501 : vector<1x16xf32> to vector<16xf32>
          %add3A_503 = arith.addf %get3A_498, %get3A_502 : vector<16xf32>
          %swap3A_504 = arith.index_cast %squeeze3A_406 : i32 to index
          %swap3A_505 = arith.constant 96 : index
          %swap3A_506 = tpu.vector_load %arg7[%swap3A_504, %swap3A_505] {strides = array<i32>} : memref<128x128xf32, #tpu.memory_space<vmem>>, vector<1x16xf32>,
          %swap3A_507 = vector.shape_cast %swap3A_506 : vector<1x16xf32> to vector<16xf32>
          %swap3A_508 = vector.shape_cast %add3A_503 : vector<16xf32> to vector<1x16xf32>
          tpu.vector_store %arg7[%swap3A_504, %swap3A_505], %swap3A_508 {strides = array<i32>} : memref<128x128xf32, #tpu.memory_space<vmem>>, vector<1x16xf32>,
          %get3A_509 = arith.index_cast %squeeze3A_406 : i32 to index
          %get3A_510 = arith.constant 112 : index
          %get3A_511 = tpu.vector_load %arg7[%get3A_509, %get3A_510] {strides = array<i32>} : memref<128x128xf32, #tpu.memory_space<vmem>>, vector<1x16xf32>,
          %get3A_512 = vector.shape_cast %get3A_511 : vector<1x16xf32> to vector<16xf32>
          %get3A_513 = arith.index_cast %add3A_410 : i32 to index
          %get3A_514 = arith.constant 112 : index
          %get3A_515 = tpu.vector_load %arg6[%get3A_513, %get3A_514] {strides = array<i32>} : memref<256x128xf32, #tpu.memory_space<vmem>>, vector<1x16xf32>,
          %get3A_516 = vector.shape_cast %get3A_515 : vector<1x16xf32> to vector<16xf32>
          %add3A_517 = arith.addf %get3A_512, %get3A_516 : vector<16xf32>
          %swap3A_518 = arith.index_cast %squeeze3A_406 : i32 to index
          %swap3A_519 = arith.constant 112 : index
          %swap3A_520 = tpu.vector_load %arg7[%swap3A_518, %swap3A_519] {strides = array<i32>} : memref<128x128xf32, #tpu.memory_space<vmem>>, vector<1x16xf32>,
          %swap3A_521 = vector.shape_cast %swap3A_520 : vector<1x16xf32> to vector<16xf32>
          %swap3A_522 = vector.shape_cast %add3A_517 : vector<16xf32> to vector<1x16xf32>
          tpu.vector_store %arg7[%swap3A_518, %swap3A_519], %swap3A_522 {strides = array<i32>} : memref<128x128xf32, #tpu.memory_space<vmem>>, vector<1x16xf32>,
          %slice3A_523 = vector.extract_strided_slice %get3A_53 {offsets = [4], sizes = [1], strides = [1]} : vector<16xi32> to vector<1xi32>
          %squeeze3A_524 = vector.extract %slice3A_523[0] : i32 from vector<1xi32>
          %mul3A_525 = arith.constant 16 : i32
          %mul3A_526 = arith.muli %scan3A_49, %mul3A_525 : i32
          %add3A_527 = arith.constant 4 : i32
          %add3A_528 = arith.addi %mul3A_526, %add3A_527 : i32
          %get3A_529 = arith.index_cast %squeeze3A_524 : i32 to index
          %get3A_530 = arith.constant 0 : index
          %get3A_531 = tpu.vector_load %arg7[%get3A_529, %get3A_530] {strides = array<i32>} : memref<128x128xf32, #tpu.memory_space<vmem>>, vector<1x16xf32>,
          %get3A_532 = vector.shape_cast %get3A_531 : vector<1x16xf32> to vector<16xf32>
          %get3A_533 = arith.index_cast %add3A_528 : i32 to index
          %get3A_534 = arith.constant 0 : index
          %get3A_535 = tpu.vector_load %arg6[%get3A_533, %get3A_534] {strides = array<i32>} : memref<256x128xf32, #tpu.memory_space<vmem>>, vector<1x16xf32>,
          %get3A_536 = vector.shape_cast %get3A_535 : vector<1x16xf32> to vector<16xf32>
          %add3A_537 = arith.addf %get3A_532, %get3A_536 : vector<16xf32>
          %swap3A_538 = arith.index_cast %squeeze3A_524 : i32 to index
          %swap3A_539 = arith.constant 0 : index
          %swap3A_540 = tpu.vector_load %arg7[%swap3A_538, %swap3A_539] {strides = array<i32>} : memref<128x128xf32, #tpu.memory_space<vmem>>, vector<1x16xf32>,
          %swap3A_541 = vector.shape_cast %swap3A_540 : vector<1x16xf32> to vector<16xf32>
          %swap3A_542 = vector.shape_cast %add3A_537 : vector<16xf32> to vector<1x16xf32>
          tpu.vector_store %arg7[%swap3A_538, %swap3A_539], %swap3A_542 {strides = array<i32>} : memref<128x128xf32, #tpu.memory_space<vmem>>, vector<1x16xf32>,
          %get3A_543 = arith.index_cast %squeeze3A_524 : i32 to index
          %get3A_544 = arith.constant 16 : index
          %get3A_545 = tpu.vector_load %arg7[%get3A_543, %get3A_544] {strides = array<i32>} : memref<128x128xf32, #tpu.memory_space<vmem>>, vector<1x16xf32>,
          %get3A_546 = vector.shape_cast %get3A_545 : vector<1x16xf32> to vector<16xf32>
          %get3A_547 = arith.index_cast %add3A_528 : i32 to index
          %get3A_548 = arith.constant 16 : index
          %get3A_549 = tpu.vector_load %arg6[%get3A_547, %get3A_548] {strides = array<i32>} : memref<256x128xf32, #tpu.memory_space<vmem>>, vector<1x16xf32>,
          %get3A_550 = vector.shape_cast %get3A_549 : vector<1x16xf32> to vector<16xf32>
          %add3A_551 = arith.addf %get3A_546, %get3A_550 : vector<16xf32>
          %swap3A_552 = arith.index_cast %squeeze3A_524 : i32 to index
          %swap3A_553 = arith.constant 16 : index
          %swap3A_554 = tpu.vector_load %arg7[%swap3A_552, %swap3A_553] {strides = array<i32>} : memref<128x128xf32, #tpu.memory_space<vmem>>, vector<1x16xf32>,
          %swap3A_555 = vector.shape_cast %swap3A_554 : vector<1x16xf32> to vector<16xf32>
          %swap3A_556 = vector.shape_cast %add3A_551 : vector<16xf32> to vector<1x16xf32>
          tpu.vector_store %arg7[%swap3A_552, %swap3A_553], %swap3A_556 {strides = array<i32>} : memref<128x128xf32, #tpu.memory_space<vmem>>, vector<1x16xf32>,
          %get3A_557 = arith.index_cast %squeeze3A_524 : i32 to index
          %get3A_558 = arith.constant 32 : index
          %get3A_559 = tpu.vector_load %arg7[%get3A_557, %get3A_558] {strides = array<i32>} : memref<128x128xf32, #tpu.memory_space<vmem>>, vector<1x16xf32>,
          %get3A_560 = vector.shape_cast %get3A_559 : vector<1x16xf32> to vector<16xf32>
          %get3A_561 = arith.index_cast %add3A_528 : i32 to index
          %get3A_562 = arith.constant 32 : index
          %get3A_563 = tpu.vector_load %arg6[%get3A_561, %get3A_562] {strides = array<i32>} : memref<256x128xf32, #tpu.memory_space<vmem>>, vector<1x16xf32>,
          %get3A_564 = vector.shape_cast %get3A_563 : vector<1x16xf32> to vector<16xf32>
          %add3A_565 = arith.addf %get3A_560, %get3A_564 : vector<16xf32>
          %swap3A_566 = arith.index_cast %squeeze3A_524 : i32 to index
          %swap3A_567 = arith.constant 32 : index
          %swap3A_568 = tpu.vector_load %arg7[%swap3A_566, %swap3A_567] {strides = array<i32>} : memref<128x128xf32, #tpu.memory_space<vmem>>, vector<1x16xf32>,
          %swap3A_569 = vector.shape_cast %swap3A_568 : vector<1x16xf32> to vector<16xf32>
          %swap3A_570 = vector.shape_cast %add3A_565 : vector<16xf32> to vector<1x16xf32>
          tpu.vector_store %arg7[%swap3A_566, %swap3A_567], %swap3A_570 {strides = array<i32>} : memref<128x128xf32, #tpu.memory_space<vmem>>, vector<1x16xf32>,
          %get3A_571 = arith.index_cast %squeeze3A_524 : i32 to index
          %get3A_572 = arith.constant 48 : index
          %get3A_573 = tpu.vector_load %arg7[%get3A_571, %get3A_572] {strides = array<i32>} : memref<128x128xf32, #tpu.memory_space<vmem>>, vector<1x16xf32>,
          %get3A_574 = vector.shape_cast %get3A_573 : vector<1x16xf32> to vector<16xf32>
          %get3A_575 = arith.index_cast %add3A_528 : i32 to index
          %get3A_576 = arith.constant 48 : index
          %get3A_577 = tpu.vector_load %arg6[%get3A_575, %get3A_576] {strides = array<i32>} : memref<256x128xf32, #tpu.memory_space<vmem>>, vector<1x16xf32>,
          %get3A_578 = vector.shape_cast %get3A_577 : vector<1x16xf32> to vector<16xf32>
          %add3A_579 = arith.addf %get3A_574, %get3A_578 : vector<16xf32>
          %swap3A_580 = arith.index_cast %squeeze3A_524 : i32 to index
          %swap3A_581 = arith.constant 48 : index
          %swap3A_582 = tpu.vector_load %arg7[%swap3A_580, %swap3A_581] {strides = array<i32>} : memref<128x128xf32, #tpu.memory_space<vmem>>, vector<1x16xf32>,
          %swap3A_583 = vector.shape_cast %swap3A_582 : vector<1x16xf32> to vector<16xf32>
          %swap3A_584 = vector.shape_cast %add3A_579 : vector<16xf32> to vector<1x16xf32>
          tpu.vector_store %arg7[%swap3A_580, %swap3A_581], %swap3A_584 {strides = array<i32>} : memref<128x128xf32, #tpu.memory_space<vmem>>, vector<1x16xf32>,
          %get3A_585 = arith.index_cast %squeeze3A_524 : i32 to index
          %get3A_586 = arith.constant 64 : index
          %get3A_587 = tpu.vector_load %arg7[%get3A_585, %get3A_586] {strides = array<i32>} : memref<128x128xf32, #tpu.memory_space<vmem>>, vector<1x16xf32>,
          %get3A_588 = vector.shape_cast %get3A_587 : vector<1x16xf32> to vector<16xf32>
          %get3A_589 = arith.index_cast %add3A_528 : i32 to index
          %get3A_590 = arith.constant 64 : index
          %get3A_591 = tpu.vector_load %arg6[%get3A_589, %get3A_590] {strides = array<i32>} : memref<256x128xf32, #tpu.memory_space<vmem>>, vector<1x16xf32>,
          %get3A_592 = vector.shape_cast %get3A_591 : vector<1x16xf32> to vector<16xf32>
          %add3A_593 = arith.addf %get3A_588, %get3A_592 : vector<16xf32>
          %swap3A_594 = arith.index_cast %squeeze3A_524 : i32 to index
          %swap3A_595 = arith.constant 64 : index
          %swap3A_596 = tpu.vector_load %arg7[%swap3A_594, %swap3A_595] {strides = array<i32>} : memref<128x128xf32, #tpu.memory_space<vmem>>, vector<1x16xf32>,
          %swap3A_597 = vector.shape_cast %swap3A_596 : vector<1x16xf32> to vector<16xf32>
          %swap3A_598 = vector.shape_cast %add3A_593 : vector<16xf32> to vector<1x16xf32>
          tpu.vector_store %arg7[%swap3A_594, %swap3A_595], %swap3A_598 {strides = array<i32>} : memref<128x128xf32, #tpu.memory_space<vmem>>, vector<1x16xf32>,
          %get3A_599 = arith.index_cast %squeeze3A_524 : i32 to index
          %get3A_600 = arith.constant 80 : index
          %get3A_601 = tpu.vector_load %arg7[%get3A_599, %get3A_600] {strides = array<i32>} : memref<128x128xf32, #tpu.memory_space<vmem>>, vector<1x16xf32>,
          %get3A_602 = vector.shape_cast %get3A_601 : vector<1x16xf32> to vector<16xf32>
          %get3A_603 = arith.index_cast %add3A_528 : i32 to index
          %get3A_604 = arith.constant 80 : index
          %get3A_605 = tpu.vector_load %arg6[%get3A_603, %get3A_604] {strides = array<i32>} : memref<256x128xf32, #tpu.memory_space<vmem>>, vector<1x16xf32>,
          %get3A_606 = vector.shape_cast %get3A_605 : vector<1x16xf32> to vector<16xf32>
          %add3A_607 = arith.addf %get3A_602, %get3A_606 : vector<16xf32>
          %swap3A_608 = arith.index_cast %squeeze3A_524 : i32 to index
          %swap3A_609 = arith.constant 80 : index
          %swap3A_610 = tpu.vector_load %arg7[%swap3A_608, %swap3A_609] {strides = array<i32>} : memref<128x128xf32, #tpu.memory_space<vmem>>, vector<1x16xf32>,
          %swap3A_611 = vector.shape_cast %swap3A_610 : vector<1x16xf32> to vector<16xf32>
          %swap3A_612 = vector.shape_cast %add3A_607 : vector<16xf32> to vector<1x16xf32>
          tpu.vector_store %arg7[%swap3A_608, %swap3A_609], %swap3A_612 {strides = array<i32>} : memref<128x128xf32, #tpu.memory_space<vmem>>, vector<1x16xf32>,
          %get3A_613 = arith.index_cast %squeeze3A_524 : i32 to index
          %get3A_614 = arith.constant 96 : index
          %get3A_615 = tpu.vector_load %arg7[%get3A_613, %get3A_614] {strides = array<i32>} : memref<128x128xf32, #tpu.memory_space<vmem>>, vector<1x16xf32>,
          %get3A_616 = vector.shape_cast %get3A_615 : vector<1x16xf32> to vector<16xf32>
          %get3A_617 = arith.index_cast %add3A_528 : i32 to index
          %get3A_618 = arith.constant 96 : index
          %get3A_619 = tpu.vector_load %arg6[%get3A_617, %get3A_618] {strides = array<i32>} : memref<256x128xf32, #tpu.memory_space<vmem>>, vector<1x16xf32>,
          %get3A_620 = vector.shape_cast %get3A_619 : vector<1x16xf32> to vector<16xf32>
          %add3A_621 = arith.addf %get3A_616, %get3A_620 : vector<16xf32>
          %swap3A_622 = arith.index_cast %squeeze3A_524 : i32 to index
          %swap3A_623 = arith.constant 96 : index
          %swap3A_624 = tpu.vector_load %arg7[%swap3A_622, %swap3A_623] {strides = array<i32>} : memref<128x128xf32, #tpu.memory_space<vmem>>, vector<1x16xf32>,
          %swap3A_625 = vector.shape_cast %swap3A_624 : vector<1x16xf32> to vector<16xf32>
          %swap3A_626 = vector.shape_cast %add3A_621 : vector<16xf32> to vector<1x16xf32>
          tpu.vector_store %arg7[%swap3A_622, %swap3A_623], %swap3A_626 {strides = array<i32>} : memref<128x128xf32, #tpu.memory_space<vmem>>, vector<1x16xf32>,
          %get3A_627 = arith.index_cast %squeeze3A_524 : i32 to index
          %get3A_628 = arith.constant 112 : index
          %get3A_629 = tpu.vector_load %arg7[%get3A_627, %get3A_628] {strides = array<i32>} : memref<128x128xf32, #tpu.memory_space<vmem>>, vector<1x16xf32>,
          %get3A_630 = vector.shape_cast %get3A_629 : vector<1x16xf32> to vector<16xf32>
          %get3A_631 = arith.index_cast %add3A_528 : i32 to index
          %get3A_632 = arith.constant 112 : index
          %get3A_633 = tpu.vector_load %arg6[%get3A_631, %get3A_632] {strides = array<i32>} : memref<256x128xf32, #tpu.memory_space<vmem>>, vector<1x16xf32>,
          %get3A_634 = vector.shape_cast %get3A_633 : vector<1x16xf32> to vector<16xf32>
          %add3A_635 = arith.addf %get3A_630, %get3A_634 : vector<16xf32>
          %swap3A_636 = arith.index_cast %squeeze3A_524 : i32 to index
          %swap3A_637 = arith.constant 112 : index
          %swap3A_638 = tpu.vector_load %arg7[%swap3A_636, %swap3A_637] {strides = array<i32>} : memref<128x128xf32, #tpu.memory_space<vmem>>, vector<1x16xf32>,
          %swap3A_639 = vector.shape_cast %swap3A_638 : vector<1x16xf32> to vector<16xf32>
          %swap3A_640 = vector.shape_cast %add3A_635 : vector<16xf32> to vector<1x16xf32>
          tpu.vector_store %arg7[%swap3A_636, %swap3A_637], %swap3A_640 {strides = array<i32>} : memref<128x128xf32, #tpu.memory_space<vmem>>, vector<1x16xf32>,
          %slice3A_641 = vector.extract_strided_slice %get3A_53 {offsets = [5], sizes = [1], strides = [1]} : vector<16xi32> to vector<1xi32>
          %squeeze3A_642 = vector.extract %slice3A_641[0] : i32 from vector<1xi32>
          %mul3A_643 = arith.constant 16 : i32
          %mul3A_644 = arith.muli %scan3A_49, %mul3A_643 : i32
          %add3A_645 = arith.constant 5 : i32
          %add3A_646 = arith.addi %mul3A_644, %add3A_645 : i32
          %get3A_647 = arith.index_cast %squeeze3A_642 : i32 to index
          %get3A_648 = arith.constant 0 : index
          %get3A_649 = tpu.vector_load %arg7[%get3A_647, %get3A_648] {strides = array<i32>} : memref<128x128xf32, #tpu.memory_space<vmem>>, vector<1x16xf32>,
          %get3A_650 = vector.shape_cast %get3A_649 : vector<1x16xf32> to vector<16xf32>
          %get3A_651 = arith.index_cast %add3A_646 : i32 to index
          %get3A_652 = arith.constant 0 : index
          %get3A_653 = tpu.vector_load %arg6[%get3A_651, %get3A_652] {strides = array<i32>} : memref<256x128xf32, #tpu.memory_space<vmem>>, vector<1x16xf32>,
          %get3A_654 = vector.shape_cast %get3A_653 : vector<1x16xf32> to vector<16xf32>
          %add3A_655 = arith.addf %get3A_650, %get3A_654 : vector<16xf32>
          %swap3A_656 = arith.index_cast %squeeze3A_642 : i32 to index
          %swap3A_657 = arith.constant 0 : index
          %swap3A_658 = tpu.vector_load %arg7[%swap3A_656, %swap3A_657] {strides = array<i32>} : memref<128x128xf32, #tpu.memory_space<vmem>>, vector<1x16xf32>,
          %swap3A_659 = vector.shape_cast %swap3A_658 : vector<1x16xf32> to vector<16xf32>
          %swap3A_660 = vector.shape_cast %add3A_655 : vector<16xf32> to vector<1x16xf32>
          tpu.vector_store %arg7[%swap3A_656, %swap3A_657], %swap3A_660 {strides = array<i32>} : memref<128x128xf32, #tpu.memory_space<vmem>>, vector<1x16xf32>,
          %get3A_661 = arith.index_cast %squeeze3A_642 : i32 to index
          %get3A_662 = arith.constant 16 : index
          %get3A_663 = tpu.vector_load %arg7[%get3A_661, %get3A_662] {strides = array<i32>} : memref<128x128xf32, #tpu.memory_space<vmem>>, vector<1x16xf32>,
          %get3A_664 = vector.shape_cast %get3A_663 : vector<1x16xf32> to vector<16xf32>
          %get3A_665 = arith.index_cast %add3A_646 : i32 to index
          %get3A_666 = arith.constant 16 : index
          %get3A_667 = tpu.vector_load %arg6[%get3A_665, %get3A_666] {strides = array<i32>} : memref<256x128xf32, #tpu.memory_space<vmem>>, vector<1x16xf32>,
          %get3A_668 = vector.shape_cast %get3A_667 : vector<1x16xf32> to vector<16xf32>
          %add3A_669 = arith.addf %get3A_664, %get3A_668 : vector<16xf32>
          %swap3A_670 = arith.index_cast %squeeze3A_642 : i32 to index
          %swap3A_671 = arith.constant 16 : index
          %swap3A_672 = tpu.vector_load %arg7[%swap3A_670, %swap3A_671] {strides = array<i32>} : memref<128x128xf32, #tpu.memory_space<vmem>>, vector<1x16xf32>,
          %swap3A_673 = vector.shape_cast %swap3A_672 : vector<1x16xf32> to vector<16xf32>
          %swap3A_674 = vector.shape_cast %add3A_669 : vector<16xf32> to vector<1x16xf32>
          tpu.vector_store %arg7[%swap3A_670, %swap3A_671], %swap3A_674 {strides = array<i32>} : memref<128x128xf32, #tpu.memory_space<vmem>>, vector<1x16xf32>,
          %get3A_675 = arith.index_cast %squeeze3A_642 : i32 to index
          %get3A_676 = arith.constant 32 : index
          %get3A_677 = tpu.vector_load %arg7[%get3A_675, %get3A_676] {strides = array<i32>} : memref<128x128xf32, #tpu.memory_space<vmem>>, vector<1x16xf32>,
          %get3A_678 = vector.shape_cast %get3A_677 : vector<1x16xf32> to vector<16xf32>
          %get3A_679 = arith.index_cast %add3A_646 : i32 to index
          %get3A_680 = arith.constant 32 : index
          %get3A_681 = tpu.vector_load %arg6[%get3A_679, %get3A_680] {strides = array<i32>} : memref<256x128xf32, #tpu.memory_space<vmem>>, vector<1x16xf32>,
          %get3A_682 = vector.shape_cast %get3A_681 : vector<1x16xf32> to vector<16xf32>
          %add3A_683 = arith.addf %get3A_678, %get3A_682 : vector<16xf32>
          %swap3A_684 = arith.index_cast %squeeze3A_642 : i32 to index
          %swap3A_685 = arith.constant 32 : index
          %swap3A_686 = tpu.vector_load %arg7[%swap3A_684, %swap3A_685] {strides = array<i32>} : memref<128x128xf32, #tpu.memory_space<vmem>>, vector<1x16xf32>,
          %swap3A_687 = vector.shape_cast %swap3A_686 : vector<1x16xf32> to vector<16xf32>
          %swap3A_688 = vector.shape_cast %add3A_683 : vector<16xf32> to vector<1x16xf32>
          tpu.vector_store %arg7[%swap3A_684, %swap3A_685], %swap3A_688 {strides = array<i32>} : memref<128x128xf32, #tpu.memory_space<vmem>>, vector<1x16xf32>,
          %get3A_689 = arith.index_cast %squeeze3A_642 : i32 to index
          %get3A_690 = arith.constant 48 : index
          %get3A_691 = tpu.vector_load %arg7[%get3A_689, %get3A_690] {strides = array<i32>} : memref<128x128xf32, #tpu.memory_space<vmem>>, vector<1x16xf32>,
          %get3A_692 = vector.shape_cast %get3A_691 : vector<1x16xf32> to vector<16xf32>
          %get3A_693 = arith.index_cast %add3A_646 : i32 to index
          %get3A_694 = arith.constant 48 : index
          %get3A_695 = tpu.vector_load %arg6[%get3A_693, %get3A_694] {strides = array<i32>} : memref<256x128xf32, #tpu.memory_space<vmem>>, vector<1x16xf32>,
          %get3A_696 = vector.shape_cast %get3A_695 : vector<1x16xf32> to vector<16xf32>
          %add3A_697 = arith.addf %get3A_692, %get3A_696 : vector<16xf32>
          %swap3A_698 = arith.index_cast %squeeze3A_642 : i32 to index
          %swap3A_699 = arith.constant 48 : index
          %swap3A_700 = tpu.vector_load %arg7[%swap3A_698, %swap3A_699] {strides = array<i32>} : memref<128x128xf32, #tpu.memory_space<vmem>>, vector<1x16xf32>,
          %swap3A_701 = vector.shape_cast %swap3A_700 : vector<1x16xf32> to vector<16xf32>
          %swap3A_702 = vector.shape_cast %add3A_697 : vector<16xf32> to vector<1x16xf32>
          tpu.vector_store %arg7[%swap3A_698, %swap3A_699], %swap3A_702 {strides = array<i32>} : memref<128x128xf32, #tpu.memory_space<vmem>>, vector<1x16xf32>,
          %get3A_703 = arith.index_cast %squeeze3A_642 : i32 to index
          %get3A_704 = arith.constant 64 : index
          %get3A_705 = tpu.vector_load %arg7[%get3A_703, %get3A_704] {strides = array<i32>} : memref<128x128xf32, #tpu.memory_space<vmem>>, vector<1x16xf32>,
          %get3A_706 = vector.shape_cast %get3A_705 : vector<1x16xf32> to vector<16xf32>
          %get3A_707 = arith.index_cast %add3A_646 : i32 to index
          %get3A_708 = arith.constant 64 : index
          %get3A_709 = tpu.vector_load %arg6[%get3A_707, %get3A_708] {strides = array<i32>} : memref<256x128xf32, #tpu.memory_space<vmem>>, vector<1x16xf32>,
          %get3A_710 = vector.shape_cast %get3A_709 : vector<1x16xf32> to vector<16xf32>
          %add3A_711 = arith.addf %get3A_706, %get3A_710 : vector<16xf32>
          %swap3A_712 = arith.index_cast %squeeze3A_642 : i32 to index
          %swap3A_713 = arith.constant 64 : index
          %swap3A_714 = tpu.vector_load %arg7[%swap3A_712, %swap3A_713] {strides = array<i32>} : memref<128x128xf32, #tpu.memory_space<vmem>>, vector<1x16xf32>,
          %swap3A_715 = vector.shape_cast %swap3A_714 : vector<1x16xf32> to vector<16xf32>
          %swap3A_716 = vector.shape_cast %add3A_711 : vector<16xf32> to vector<1x16xf32>
          tpu.vector_store %arg7[%swap3A_712, %swap3A_713], %swap3A_716 {strides = array<i32>} : memref<128x128xf32, #tpu.memory_space<vmem>>, vector<1x16xf32>,
          %get3A_717 = arith.index_cast %squeeze3A_642 : i32 to index
          %get3A_718 = arith.constant 80 : index
          %get3A_719 = tpu.vector_load %arg7[%get3A_717, %get3A_718] {strides = array<i32>} : memref<128x128xf32, #tpu.memory_space<vmem>>, vector<1x16xf32>,
          %get3A_720 = vector.shape_cast %get3A_719 : vector<1x16xf32> to vector<16xf32>
          %get3A_721 = arith.index_cast %add3A_646 : i32 to index
          %get3A_722 = arith.constant 80 : index
          %get3A_723 = tpu.vector_load %arg6[%get3A_721, %get3A_722] {strides = array<i32>} : memref<256x128xf32, #tpu.memory_space<vmem>>, vector<1x16xf32>,
          %get3A_724 = vector.shape_cast %get3A_723 : vector<1x16xf32> to vector<16xf32>
          %add3A_725 = arith.addf %get3A_720, %get3A_724 : vector<16xf32>
          %swap3A_726 = arith.index_cast %squeeze3A_642 : i32 to index
          %swap3A_727 = arith.constant 80 : index
          %swap3A_728 = tpu.vector_load %arg7[%swap3A_726, %swap3A_727] {strides = array<i32>} : memref<128x128xf32, #tpu.memory_space<vmem>>, vector<1x16xf32>,
          %swap3A_729 = vector.shape_cast %swap3A_728 : vector<1x16xf32> to vector<16xf32>
          %swap3A_730 = vector.shape_cast %add3A_725 : vector<16xf32> to vector<1x16xf32>
          tpu.vector_store %arg7[%swap3A_726, %swap3A_727], %swap3A_730 {strides = array<i32>} : memref<128x128xf32, #tpu.memory_space<vmem>>, vector<1x16xf32>,
          %get3A_731 = arith.index_cast %squeeze3A_642 : i32 to index
          %get3A_732 = arith.constant 96 : index
          %get3A_733 = tpu.vector_load %arg7[%get3A_731, %get3A_732] {strides = array<i32>} : memref<128x128xf32, #tpu.memory_space<vmem>>, vector<1x16xf32>,
          %get3A_734 = vector.shape_cast %get3A_733 : vector<1x16xf32> to vector<16xf32>
          %get3A_735 = arith.index_cast %add3A_646 : i32 to index
          %get3A_736 = arith.constant 96 : index
          %get3A_737 = tpu.vector_load %arg6[%get3A_735, %get3A_736] {strides = array<i32>} : memref<256x128xf32, #tpu.memory_space<vmem>>, vector<1x16xf32>,
          %get3A_738 = vector.shape_cast %get3A_737 : vector<1x16xf32> to vector<16xf32>
          %add3A_739 = arith.addf %get3A_734, %get3A_738 : vector<16xf32>
          %swap3A_740 = arith.index_cast %squeeze3A_642 : i32 to index
          %swap3A_741 = arith.constant 96 : index
          %swap3A_742 = tpu.vector_load %arg7[%swap3A_740, %swap3A_741] {strides = array<i32>} : memref<128x128xf32, #tpu.memory_space<vmem>>, vector<1x16xf32>,
          %swap3A_743 = vector.shape_cast %swap3A_742 : vector<1x16xf32> to vector<16xf32>
          %swap3A_744 = vector.shape_cast %add3A_739 : vector<16xf32> to vector<1x16xf32>
          tpu.vector_store %arg7[%swap3A_740, %swap3A_741], %swap3A_744 {strides = array<i32>} : memref<128x128xf32, #tpu.memory_space<vmem>>, vector<1x16xf32>,
          %get3A_745 = arith.index_cast %squeeze3A_642 : i32 to index
          %get3A_746 = arith.constant 112 : index
          %get3A_747 = tpu.vector_load %arg7[%get3A_745, %get3A_746] {strides = array<i32>} : memref<128x128xf32, #tpu.memory_space<vmem>>, vector<1x16xf32>,
          %get3A_748 = vector.shape_cast %get3A_747 : vector<1x16xf32> to vector<16xf32>
          %get3A_749 = arith.index_cast %add3A_646 : i32 to index
          %get3A_750 = arith.constant 112 : index
          %get3A_751 = tpu.vector_load %arg6[%get3A_749, %get3A_750] {strides = array<i32>} : memref<256x128xf32, #tpu.memory_space<vmem>>, vector<1x16xf32>,
          %get3A_752 = vector.shape_cast %get3A_751 : vector<1x16xf32> to vector<16xf32>
          %add3A_753 = arith.addf %get3A_748, %get3A_752 : vector<16xf32>
          %swap3A_754 = arith.index_cast %squeeze3A_642 : i32 to index
          %swap3A_755 = arith.constant 112 : index
          %swap3A_756 = tpu.vector_load %arg7[%swap3A_754, %swap3A_755] {strides = array<i32>} : memref<128x128xf32, #tpu.memory_space<vmem>>, vector<1x16xf32>,
          %swap3A_757 = vector.shape_cast %swap3A_756 : vector<1x16xf32> to vector<16xf32>
          %swap3A_758 = vector.shape_cast %add3A_753 : vector<16xf32> to vector<1x16xf32>
          tpu.vector_store %arg7[%swap3A_754, %swap3A_755], %swap3A_758 {strides = array<i32>} : memref<128x128xf32, #tpu.memory_space<vmem>>, vector<1x16xf32>,
          %slice3A_759 = vector.extract_strided_slice %get3A_53 {offsets = [6], sizes = [1], strides = [1]} : vector<16xi32> to vector<1xi32>
          %squeeze3A_760 = vector.extract %slice3A_759[0] : i32 from vector<1xi32>
          %mul3A_761 = arith.constant 16 : i32
          %mul3A_762 = arith.muli %scan3A_49, %mul3A_761 : i32
          %add3A_763 = arith.constant 6 : i32
          %add3A_764 = arith.addi %mul3A_762, %add3A_763 : i32
          %get3A_765 = arith.index_cast %squeeze3A_760 : i32 to index
          %get3A_766 = arith.constant 0 : index
          %get3A_767 = tpu.vector_load %arg7[%get3A_765, %get3A_766] {strides = array<i32>} : memref<128x128xf32, #tpu.memory_space<vmem>>, vector<1x16xf32>,
          %get3A_768 = vector.shape_cast %get3A_767 : vector<1x16xf32> to vector<16xf32>
          %get3A_769 = arith.index_cast %add3A_764 : i32 to index
          %get3A_770 = arith.constant 0 : index
          %get3A_771 = tpu.vector_load %arg6[%get3A_769, %get3A_770] {strides = array<i32>} : memref<256x128xf32, #tpu.memory_space<vmem>>, vector<1x16xf32>,
          %get3A_772 = vector.shape_cast %get3A_771 : vector<1x16xf32> to vector<16xf32>
          %add3A_773 = arith.addf %get3A_768, %get3A_772 : vector<16xf32>
          %swap3A_774 = arith.index_cast %squeeze3A_760 : i32 to index
          %swap3A_775 = arith.constant 0 : index
          %swap3A_776 = tpu.vector_load %arg7[%swap3A_774, %swap3A_775] {strides = array<i32>} : memref<128x128xf32, #tpu.memory_space<vmem>>, vector<1x16xf32>,
          %swap3A_777 = vector.shape_cast %swap3A_776 : vector<1x16xf32> to vector<16xf32>
          %swap3A_778 = vector.shape_cast %add3A_773 : vector<16xf32> to vector<1x16xf32>
          tpu.vector_store %arg7[%swap3A_774, %swap3A_775], %swap3A_778 {strides = array<i32>} : memref<128x128xf32, #tpu.memory_space<vmem>>, vector<1x16xf32>,
          %get3A_779 = arith.index_cast %squeeze3A_760 : i32 to index
          %get3A_780 = arith.constant 16 : index
          %get3A_781 = tpu.vector_load %arg7[%get3A_779, %get3A_780] {strides = array<i32>} : memref<128x128xf32, #tpu.memory_space<vmem>>, vector<1x16xf32>,
          %get3A_782 = vector.shape_cast %get3A_781 : vector<1x16xf32> to vector<16xf32>
          %get3A_783 = arith.index_cast %add3A_764 : i32 to index
          %get3A_784 = arith.constant 16 : index
          %get3A_785 = tpu.vector_load %arg6[%get3A_783, %get3A_784] {strides = array<i32>} : memref<256x128xf32, #tpu.memory_space<vmem>>, vector<1x16xf32>,
          %get3A_786 = vector.shape_cast %get3A_785 : vector<1x16xf32> to vector<16xf32>
          %add3A_787 = arith.addf %get3A_782, %get3A_786 : vector<16xf32>
          %swap3A_788 = arith.index_cast %squeeze3A_760 : i32 to index
          %swap3A_789 = arith.constant 16 : index
          %swap3A_790 = tpu.vector_load %arg7[%swap3A_788, %swap3A_789] {strides = array<i32>} : memref<128x128xf32, #tpu.memory_space<vmem>>, vector<1x16xf32>,
          %swap3A_791 = vector.shape_cast %swap3A_790 : vector<1x16xf32> to vector<16xf32>
          %swap3A_792 = vector.shape_cast %add3A_787 : vector<16xf32> to vector<1x16xf32>
          tpu.vector_store %arg7[%swap3A_788, %swap3A_789], %swap3A_792 {strides = array<i32>} : memref<128x128xf32, #tpu.memory_space<vmem>>, vector<1x16xf32>,
          %get3A_793 = arith.index_cast %squeeze3A_760 : i32 to index
          %get3A_794 = arith.constant 32 : index
          %get3A_795 = tpu.vector_load %arg7[%get3A_793, %get3A_794] {strides = array<i32>} : memref<128x128xf32, #tpu.memory_space<vmem>>, vector<1x16xf32>,
          %get3A_796 = vector.shape_cast %get3A_795 : vector<1x16xf32> to vector<16xf32>
          %get3A_797 = arith.index_cast %add3A_764 : i32 to index
          %get3A_798 = arith.constant 32 : index
          %get3A_799 = tpu.vector_load %arg6[%get3A_797, %get3A_798] {strides = array<i32>} : memref<256x128xf32, #tpu.memory_space<vmem>>, vector<1x16xf32>,
          %get3A_800 = vector.shape_cast %get3A_799 : vector<1x16xf32> to vector<16xf32>
          %add3A_801 = arith.addf %get3A_796, %get3A_800 : vector<16xf32>
          %swap3A_802 = arith.index_cast %squeeze3A_760 : i32 to index
          %swap3A_803 = arith.constant 32 : index
          %swap3A_804 = tpu.vector_load %arg7[%swap3A_802, %swap3A_803] {strides = array<i32>} : memref<128x128xf32, #tpu.memory_space<vmem>>, vector<1x16xf32>,
          %swap3A_805 = vector.shape_cast %swap3A_804 : vector<1x16xf32> to vector<16xf32>
          %swap3A_806 = vector.shape_cast %add3A_801 : vector<16xf32> to vector<1x16xf32>
          tpu.vector_store %arg7[%swap3A_802, %swap3A_803], %swap3A_806 {strides = array<i32>} : memref<128x128xf32, #tpu.memory_space<vmem>>, vector<1x16xf32>,
          %get3A_807 = arith.index_cast %squeeze3A_760 : i32 to index
          %get3A_808 = arith.constant 48 : index
          %get3A_809 = tpu.vector_load %arg7[%get3A_807, %get3A_808] {strides = array<i32>} : memref<128x128xf32, #tpu.memory_space<vmem>>, vector<1x16xf32>,
          %get3A_810 = vector.shape_cast %get3A_809 : vector<1x16xf32> to vector<16xf32>
          %get3A_811 = arith.index_cast %add3A_764 : i32 to index
          %get3A_812 = arith.constant 48 : index
          %get3A_813 = tpu.vector_load %arg6[%get3A_811, %get3A_812] {strides = array<i32>} : memref<256x128xf32, #tpu.memory_space<vmem>>, vector<1x16xf32>,
          %get3A_814 = vector.shape_cast %get3A_813 : vector<1x16xf32> to vector<16xf32>
          %add3A_815 = arith.addf %get3A_810, %get3A_814 : vector<16xf32>
          %swap3A_816 = arith.index_cast %squeeze3A_760 : i32 to index
          %swap3A_817 = arith.constant 48 : index
          %swap3A_818 = tpu.vector_load %arg7[%swap3A_816, %swap3A_817] {strides = array<i32>} : memref<128x128xf32, #tpu.memory_space<vmem>>, vector<1x16xf32>,
          %swap3A_819 = vector.shape_cast %swap3A_818 : vector<1x16xf32> to vector<16xf32>
          %swap3A_820 = vector.shape_cast %add3A_815 : vector<16xf32> to vector<1x16xf32>
          tpu.vector_store %arg7[%swap3A_816, %swap3A_817], %swap3A_820 {strides = array<i32>} : memref<128x128xf32, #tpu.memory_space<vmem>>, vector<1x16xf32>,
          %get3A_821 = arith.index_cast %squeeze3A_760 : i32 to index
          %get3A_822 = arith.constant 64 : index
          %get3A_823 = tpu.vector_load %arg7[%get3A_821, %get3A_822] {strides = array<i32>} : memref<128x128xf32, #tpu.memory_space<vmem>>, vector<1x16xf32>,
          %get3A_824 = vector.shape_cast %get3A_823 : vector<1x16xf32> to vector<16xf32>
          %get3A_825 = arith.index_cast %add3A_764 : i32 to index
          %get3A_826 = arith.constant 64 : index
          %get3A_827 = tpu.vector_load %arg6[%get3A_825, %get3A_826] {strides = array<i32>} : memref<256x128xf32, #tpu.memory_space<vmem>>, vector<1x16xf32>,
          %get3A_828 = vector.shape_cast %get3A_827 : vector<1x16xf32> to vector<16xf32>
          %add3A_829 = arith.addf %get3A_824, %get3A_828 : vector<16xf32>
          %swap3A_830 = arith.index_cast %squeeze3A_760 : i32 to index
          %swap3A_831 = arith.constant 64 : index
          %swap3A_832 = tpu.vector_load %arg7[%swap3A_830, %swap3A_831] {strides = array<i32>} : memref<128x128xf32, #tpu.memory_space<vmem>>, vector<1x16xf32>,
          %swap3A_833 = vector.shape_cast %swap3A_832 : vector<1x16xf32> to vector<16xf32>
          %swap3A_834 = vector.shape_cast %add3A_829 : vector<16xf32> to vector<1x16xf32>
          tpu.vector_store %arg7[%swap3A_830, %swap3A_831], %swap3A_834 {strides = array<i32>} : memref<128x128xf32, #tpu.memory_space<vmem>>, vector<1x16xf32>,
          %get3A_835 = arith.index_cast %squeeze3A_760 : i32 to index
          %get3A_836 = arith.constant 80 : index
          %get3A_837 = tpu.vector_load %arg7[%get3A_835, %get3A_836] {strides = array<i32>} : memref<128x128xf32, #tpu.memory_space<vmem>>, vector<1x16xf32>,
          %get3A_838 = vector.shape_cast %get3A_837 : vector<1x16xf32> to vector<16xf32>
          %get3A_839 = arith.index_cast %add3A_764 : i32 to index
          %get3A_840 = arith.constant 80 : index
          %get3A_841 = tpu.vector_load %arg6[%get3A_839, %get3A_840] {strides = array<i32>} : memref<256x128xf32, #tpu.memory_space<vmem>>, vector<1x16xf32>,
          %get3A_842 = vector.shape_cast %get3A_841 : vector<1x16xf32> to vector<16xf32>
          %add3A_843 = arith.addf %get3A_838, %get3A_842 : vector<16xf32>
          %swap3A_844 = arith.index_cast %squeeze3A_760 : i32 to index
          %swap3A_845 = arith.constant 80 : index
          %swap3A_846 = tpu.vector_load %arg7[%swap3A_844, %swap3A_845] {strides = array<i32>} : memref<128x128xf32, #tpu.memory_space<vmem>>, vector<1x16xf32>,
          %swap3A_847 = vector.shape_cast %swap3A_846 : vector<1x16xf32> to vector<16xf32>
          %swap3A_848 = vector.shape_cast %add3A_843 : vector<16xf32> to vector<1x16xf32>
          tpu.vector_store %arg7[%swap3A_844, %swap3A_845], %swap3A_848 {strides = array<i32>} : memref<128x128xf32, #tpu.memory_space<vmem>>, vector<1x16xf32>,
          %get3A_849 = arith.index_cast %squeeze3A_760 : i32 to index
          %get3A_850 = arith.constant 96 : index
          %get3A_851 = tpu.vector_load %arg7[%get3A_849, %get3A_850] {strides = array<i32>} : memref<128x128xf32, #tpu.memory_space<vmem>>, vector<1x16xf32>,
          %get3A_852 = vector.shape_cast %get3A_851 : vector<1x16xf32> to vector<16xf32>
          %get3A_853 = arith.index_cast %add3A_764 : i32 to index
          %get3A_854 = arith.constant 96 : index
          %get3A_855 = tpu.vector_load %arg6[%get3A_853, %get3A_854] {strides = array<i32>} : memref<256x128xf32, #tpu.memory_space<vmem>>, vector<1x16xf32>,
          %get3A_856 = vector.shape_cast %get3A_855 : vector<1x16xf32> to vector<16xf32>
          %add3A_857 = arith.addf %get3A_852, %get3A_856 : vector<16xf32>
          %swap3A_858 = arith.index_cast %squeeze3A_760 : i32 to index
          %swap3A_859 = arith.constant 96 : index
          %swap3A_860 = tpu.vector_load %arg7[%swap3A_858, %swap3A_859] {strides = array<i32>} : memref<128x128xf32, #tpu.memory_space<vmem>>, vector<1x16xf32>,
          %swap3A_861 = vector.shape_cast %swap3A_860 : vector<1x16xf32> to vector<16xf32>
          %swap3A_862 = vector.shape_cast %add3A_857 : vector<16xf32> to vector<1x16xf32>
          tpu.vector_store %arg7[%swap3A_858, %swap3A_859], %swap3A_862 {strides = array<i32>} : memref<128x128xf32, #tpu.memory_space<vmem>>, vector<1x16xf32>,
          %get3A_863 = arith.index_cast %squeeze3A_760 : i32 to index
          %get3A_864 = arith.constant 112 : index
          %get3A_865 = tpu.vector_load %arg7[%get3A_863, %get3A_864] {strides = array<i32>} : memref<128x128xf32, #tpu.memory_space<vmem>>, vector<1x16xf32>,
          %get3A_866 = vector.shape_cast %get3A_865 : vector<1x16xf32> to vector<16xf32>
          %get3A_867 = arith.index_cast %add3A_764 : i32 to index
          %get3A_868 = arith.constant 112 : index
          %get3A_869 = tpu.vector_load %arg6[%get3A_867, %get3A_868] {strides = array<i32>} : memref<256x128xf32, #tpu.memory_space<vmem>>, vector<1x16xf32>,
          %get3A_870 = vector.shape_cast %get3A_869 : vector<1x16xf32> to vector<16xf32>
          %add3A_871 = arith.addf %get3A_866, %get3A_870 : vector<16xf32>
          %swap3A_872 = arith.index_cast %squeeze3A_760 : i32 to index
          %swap3A_873 = arith.constant 112 : index
          %swap3A_874 = tpu.vector_load %arg7[%swap3A_872, %swap3A_873] {strides = array<i32>} : memref<128x128xf32, #tpu.memory_space<vmem>>, vector<1x16xf32>,
          %swap3A_875 = vector.shape_cast %swap3A_874 : vector<1x16xf32> to vector<16xf32>
          %swap3A_876 = vector.shape_cast %add3A_871 : vector<16xf32> to vector<1x16xf32>
          tpu.vector_store %arg7[%swap3A_872, %swap3A_873], %swap3A_876 {strides = array<i32>} : memref<128x128xf32, #tpu.memory_space<vmem>>, vector<1x16xf32>,
          %slice3A_877 = vector.extract_strided_slice %get3A_53 {offsets = [7], sizes = [1], strides = [1]} : vector<16xi32> to vector<1xi32>
          %squeeze3A_878 = vector.extract %slice3A_877[0] : i32 from vector<1xi32>
          %mul3A_879 = arith.constant 16 : i32
          %mul3A_880 = arith.muli %scan3A_49, %mul3A_879 : i32
          %add3A_881 = arith.constant 7 : i32
          %add3A_882 = arith.addi %mul3A_880, %add3A_881 : i32
          %get3A_883 = arith.index_cast %squeeze3A_878 : i32 to index
          %get3A_884 = arith.constant 0 : index
          %get3A_885 = tpu.vector_load %arg7[%get3A_883, %get3A_884] {strides = array<i32>} : memref<128x128xf32, #tpu.memory_space<vmem>>, vector<1x16xf32>,
          %get3A_886 = vector.shape_cast %get3A_885 : vector<1x16xf32> to vector<16xf32>
          %get3A_887 = arith.index_cast %add3A_882 : i32 to index
          %get3A_888 = arith.constant 0 : index
          %get3A_889 = tpu.vector_load %arg6[%get3A_887, %get3A_888] {strides = array<i32>} : memref<256x128xf32, #tpu.memory_space<vmem>>, vector<1x16xf32>,
          %get3A_890 = vector.shape_cast %get3A_889 : vector<1x16xf32> to vector<16xf32>
          %add3A_891 = arith.addf %get3A_886, %get3A_890 : vector<16xf32>
          %swap3A_892 = arith.index_cast %squeeze3A_878 : i32 to index
          %swap3A_893 = arith.constant 0 : index
          %swap3A_894 = tpu.vector_load %arg7[%swap3A_892, %swap3A_893] {strides = array<i32>} : memref<128x128xf32, #tpu.memory_space<vmem>>, vector<1x16xf32>,
          %swap3A_895 = vector.shape_cast %swap3A_894 : vector<1x16xf32> to vector<16xf32>
          %swap3A_896 = vector.shape_cast %add3A_891 : vector<16xf32> to vector<1x16xf32>
          tpu.vector_store %arg7[%swap3A_892, %swap3A_893], %swap3A_896 {strides = array<i32>} : memref<128x128xf32, #tpu.memory_space<vmem>>, vector<1x16xf32>,
          %get3A_897 = arith.index_cast %squeeze3A_878 : i32 to index
          %get3A_898 = arith.constant 16 : index
          %get3A_899 = tpu.vector_load %arg7[%get3A_897, %get3A_898] {strides = array<i32>} : memref<128x128xf32, #tpu.memory_space<vmem>>, vector<1x16xf32>,
          %get3A_900 = vector.shape_cast %get3A_899 : vector<1x16xf32> to vector<16xf32>
          %get3A_901 = arith.index_cast %add3A_882 : i32 to index
          %get3A_902 = arith.constant 16 : index
          %get3A_903 = tpu.vector_load %arg6[%get3A_901, %get3A_902] {strides = array<i32>} : memref<256x128xf32, #tpu.memory_space<vmem>>, vector<1x16xf32>,
          %get3A_904 = vector.shape_cast %get3A_903 : vector<1x16xf32> to vector<16xf32>
          %add3A_905 = arith.addf %get3A_900, %get3A_904 : vector<16xf32>
          %swap3A_906 = arith.index_cast %squeeze3A_878 : i32 to index
          %swap3A_907 = arith.constant 16 : index
          %swap3A_908 = tpu.vector_load %arg7[%swap3A_906, %swap3A_907] {strides = array<i32>} : memref<128x128xf32, #tpu.memory_space<vmem>>, vector<1x16xf32>,
          %swap3A_909 = vector.shape_cast %swap3A_908 : vector<1x16xf32> to vector<16xf32>
          %swap3A_910 = vector.shape_cast %add3A_905 : vector<16xf32> to vector<1x16xf32>
          tpu.vector_store %arg7[%swap3A_906, %swap3A_907], %swap3A_910 {strides = array<i32>} : memref<128x128xf32, #tpu.memory_space<vmem>>, vector<1x16xf32>,
          %get3A_911 = arith.index_cast %squeeze3A_878 : i32 to index
          %get3A_912 = arith.constant 32 : index
          %get3A_913 = tpu.vector_load %arg7[%get3A_911, %get3A_912] {strides = array<i32>} : memref<128x128xf32, #tpu.memory_space<vmem>>, vector<1x16xf32>,
          %get3A_914 = vector.shape_cast %get3A_913 : vector<1x16xf32> to vector<16xf32>
          %get3A_915 = arith.index_cast %add3A_882 : i32 to index
          %get3A_916 = arith.constant 32 : index
          %get3A_917 = tpu.vector_load %arg6[%get3A_915, %get3A_916] {strides = array<i32>} : memref<256x128xf32, #tpu.memory_space<vmem>>, vector<1x16xf32>,
          %get3A_918 = vector.shape_cast %get3A_917 : vector<1x16xf32> to vector<16xf32>
          %add3A_919 = arith.addf %get3A_914, %get3A_918 : vector<16xf32>
          %swap3A_920 = arith.index_cast %squeeze3A_878 : i32 to index
          %swap3A_921 = arith.constant 32 : index
          %swap3A_922 = tpu.vector_load %arg7[%swap3A_920, %swap3A_921] {strides = array<i32>} : memref<128x128xf32, #tpu.memory_space<vmem>>, vector<1x16xf32>,
          %swap3A_923 = vector.shape_cast %swap3A_922 : vector<1x16xf32> to vector<16xf32>
          %swap3A_924 = vector.shape_cast %add3A_919 : vector<16xf32> to vector<1x16xf32>
          tpu.vector_store %arg7[%swap3A_920, %swap3A_921], %swap3A_924 {strides = array<i32>} : memref<128x128xf32, #tpu.memory_space<vmem>>, vector<1x16xf32>,
          %get3A_925 = arith.index_cast %squeeze3A_878 : i32 to index
          %get3A_926 = arith.constant 48 : index
          %get3A_927 = tpu.vector_load %arg7[%get3A_925, %get3A_926] {strides = array<i32>} : memref<128x128xf32, #tpu.memory_space<vmem>>, vector<1x16xf32>,
          %get3A_928 = vector.shape_cast %get3A_927 : vector<1x16xf32> to vector<16xf32>
          %get3A_929 = arith.index_cast %add3A_882 : i32 to index
          %get3A_930 = arith.constant 48 : index
          %get3A_931 = tpu.vector_load %arg6[%get3A_929, %get3A_930] {strides = array<i32>} : memref<256x128xf32, #tpu.memory_space<vmem>>, vector<1x16xf32>,
          %get3A_932 = vector.shape_cast %get3A_931 : vector<1x16xf32> to vector<16xf32>
          %add3A_933 = arith.addf %get3A_928, %get3A_932 : vector<16xf32>
          %swap3A_934 = arith.index_cast %squeeze3A_878 : i32 to index
          %swap3A_935 = arith.constant 48 : index
          %swap3A_936 = tpu.vector_load %arg7[%swap3A_934, %swap3A_935] {strides = array<i32>} : memref<128x128xf32, #tpu.memory_space<vmem>>, vector<1x16xf32>,
          %swap3A_937 = vector.shape_cast %swap3A_936 : vector<1x16xf32> to vector<16xf32>
          %swap3A_938 = vector.shape_cast %add3A_933 : vector<16xf32> to vector<1x16xf32>
          tpu.vector_store %arg7[%swap3A_934, %swap3A_935], %swap3A_938 {strides = array<i32>} : memref<128x128xf32, #tpu.memory_space<vmem>>, vector<1x16xf32>,
          %get3A_939 = arith.index_cast %squeeze3A_878 : i32 to index
          %get3A_940 = arith.constant 64 : index
          %get3A_941 = tpu.vector_load %arg7[%get3A_939, %get3A_940] {strides = array<i32>} : memref<128x128xf32, #tpu.memory_space<vmem>>, vector<1x16xf32>,
          %get3A_942 = vector.shape_cast %get3A_941 : vector<1x16xf32> to vector<16xf32>
          %get3A_943 = arith.index_cast %add3A_882 : i32 to index
          %get3A_944 = arith.constant 64 : index
          %get3A_945 = tpu.vector_load %arg6[%get3A_943, %get3A_944] {strides = array<i32>} : memref<256x128xf32, #tpu.memory_space<vmem>>, vector<1x16xf32>,
          %get3A_946 = vector.shape_cast %get3A_945 : vector<1x16xf32> to vector<16xf32>
          %add3A_947 = arith.addf %get3A_942, %get3A_946 : vector<16xf32>
          %swap3A_948 = arith.index_cast %squeeze3A_878 : i32 to index
          %swap3A_949 = arith.constant 64 : index
          %swap3A_950 = tpu.vector_load %arg7[%swap3A_948, %swap3A_949] {strides = array<i32>} : memref<128x128xf32, #tpu.memory_space<vmem>>, vector<1x16xf32>,
          %swap3A_951 = vector.shape_cast %swap3A_950 : vector<1x16xf32> to vector<16xf32>
          %swap3A_952 = vector.shape_cast %add3A_947 : vector<16xf32> to vector<1x16xf32>
          tpu.vector_store %arg7[%swap3A_948, %swap3A_949], %swap3A_952 {strides = array<i32>} : memref<128x128xf32, #tpu.memory_space<vmem>>, vector<1x16xf32>,
          %get3A_953 = arith.index_cast %squeeze3A_878 : i32 to index
          %get3A_954 = arith.constant 80 : index
          %get3A_955 = tpu.vector_load %arg7[%get3A_953, %get3A_954] {strides = array<i32>} : memref<128x128xf32, #tpu.memory_space<vmem>>, vector<1x16xf32>,
          %get3A_956 = vector.shape_cast %get3A_955 : vector<1x16xf32> to vector<16xf32>
          %get3A_957 = arith.index_cast %add3A_882 : i32 to index
          %get3A_958 = arith.constant 80 : index
          %get3A_959 = tpu.vector_load %arg6[%get3A_957, %get3A_958] {strides = array<i32>} : memref<256x128xf32, #tpu.memory_space<vmem>>, vector<1x16xf32>,
          %get3A_960 = vector.shape_cast %get3A_959 : vector<1x16xf32> to vector<16xf32>
          %add3A_961 = arith.addf %get3A_956, %get3A_960 : vector<16xf32>
          %swap3A_962 = arith.index_cast %squeeze3A_878 : i32 to index
          %swap3A_963 = arith.constant 80 : index
          %swap3A_964 = tpu.vector_load %arg7[%swap3A_962, %swap3A_963] {strides = array<i32>} : memref<128x128xf32, #tpu.memory_space<vmem>>, vector<1x16xf32>,
          %swap3A_965 = vector.shape_cast %swap3A_964 : vector<1x16xf32> to vector<16xf32>
          %swap3A_966 = vector.shape_cast %add3A_961 : vector<16xf32> to vector<1x16xf32>
          tpu.vector_store %arg7[%swap3A_962, %swap3A_963], %swap3A_966 {strides = array<i32>} : memref<128x128xf32, #tpu.memory_space<vmem>>, vector<1x16xf32>,
          %get3A_967 = arith.index_cast %squeeze3A_878 : i32 to index
          %get3A_968 = arith.constant 96 : index
          %get3A_969 = tpu.vector_load %arg7[%get3A_967, %get3A_968] {strides = array<i32>} : memref<128x128xf32, #tpu.memory_space<vmem>>, vector<1x16xf32>,
          %get3A_970 = vector.shape_cast %get3A_969 : vector<1x16xf32> to vector<16xf32>
          %get3A_971 = arith.index_cast %add3A_882 : i32 to index
          %get3A_972 = arith.constant 96 : index
          %get3A_973 = tpu.vector_load %arg6[%get3A_971, %get3A_972] {strides = array<i32>} : memref<256x128xf32, #tpu.memory_space<vmem>>, vector<1x16xf32>,
          %get3A_974 = vector.shape_cast %get3A_973 : vector<1x16xf32> to vector<16xf32>
          %add3A_975 = arith.addf %get3A_970, %get3A_974 : vector<16xf32>
          %swap3A_976 = arith.index_cast %squeeze3A_878 : i32 to index
          %swap3A_977 = arith.constant 96 : index
          %swap3A_978 = tpu.vector_load %arg7[%swap3A_976, %swap3A_977] {strides = array<i32>} : memref<128x128xf32, #tpu.memory_space<vmem>>, vector<1x16xf32>,
          %swap3A_979 = vector.shape_cast %swap3A_978 : vector<1x16xf32> to vector<16xf32>
          %swap3A_980 = vector.shape_cast %add3A_975 : vector<16xf32> to vector<1x16xf32>
          tpu.vector_store %arg7[%swap3A_976, %swap3A_977], %swap3A_980 {strides = array<i32>} : memref<128x128xf32, #tpu.memory_space<vmem>>, vector<1x16xf32>,
          %get3A_981 = arith.index_cast %squeeze3A_878 : i32 to index
          %get3A_982 = arith.constant 112 : index
          %get3A_983 = tpu.vector_load %arg7[%get3A_981, %get3A_982] {strides = array<i32>} : memref<128x128xf32, #tpu.memory_space<vmem>>, vector<1x16xf32>,
          %get3A_984 = vector.shape_cast %get3A_983 : vector<1x16xf32> to vector<16xf32>
          %get3A_985 = arith.index_cast %add3A_882 : i32 to index
          %get3A_986 = arith.constant 112 : index
          %get3A_987 = tpu.vector_load %arg6[%get3A_985, %get3A_986] {strides = array<i32>} : memref<256x128xf32, #tpu.memory_space<vmem>>, vector<1x16xf32>,
          %get3A_988 = vector.shape_cast %get3A_987 : vector<1x16xf32> to vector<16xf32>
          %add3A_989 = arith.addf %get3A_984, %get3A_988 : vector<16xf32>
          %swap3A_990 = arith.index_cast %squeeze3A_878 : i32 to index
          %swap3A_991 = arith.constant 112 : index
          %swap3A_992 = tpu.vector_load %arg7[%swap3A_990, %swap3A_991] {strides = array<i32>} : memref<128x128xf32, #tpu.memory_space<vmem>>, vector<1x16xf32>,
          %swap3A_993 = vector.shape_cast %swap3A_992 : vector<1x16xf32> to vector<16xf32>
          %swap3A_994 = vector.shape_cast %add3A_989 : vector<16xf32> to vector<1x16xf32>
          tpu.vector_store %arg7[%swap3A_990, %swap3A_991], %swap3A_994 {strides = array<i32>} : memref<128x128xf32, #tpu.memory_space<vmem>>, vector<1x16xf32>,
          %slice3A_995 = vector.extract_strided_slice %get3A_53 {offsets = [8], sizes = [1], strides = [1]} : vector<16xi32> to vector<1xi32>
          %squeeze3A_996 = vector.extract %slice3A_995[0] : i32 from vector<1xi32>
          %mul3A_997 = arith.constant 16 : i32
          %mul3A_998 = arith.muli %scan3A_49, %mul3A_997 : i32
          %add3A_999 = arith.constant 8 : i32
          %add3A_1000 = arith.addi %mul3A_998, %add3A_999 : i32
          %get3A_1001 = arith.index_cast %squeeze3A_996 : i32 to index
          %get3A_1002 = arith.constant 0 : index
          %get3A_1003 = tpu.vector_load %arg7[%get3A_1001, %get3A_1002] {strides = array<i32>} : memref<128x128xf32, #tpu.memory_space<vmem>>, vector<1x16xf32>,
          %get3A_1004 = vector.shape_cast %get3A_1003 : vector<1x16xf32> to vector<16xf32>
          %get3A_1005 = arith.index_cast %add3A_1000 : i32 to index
          %get3A_1006 = arith.constant 0 : index
          %get3A_1007 = tpu.vector_load %arg6[%get3A_1005, %get3A_1006] {strides = array<i32>} : memref<256x128xf32, #tpu.memory_space<vmem>>, vector<1x16xf32>,
          %get3A_1008 = vector.shape_cast %get3A_1007 : vector<1x16xf32> to vector<16xf32>
          %add3A_1009 = arith.addf %get3A_1004, %get3A_1008 : vector<16xf32>
          %swap3A_1010 = arith.index_cast %squeeze3A_996 : i32 to index
          %swap3A_1011 = arith.constant 0 : index
          %swap3A_1012 = tpu.vector_load %arg7[%swap3A_1010, %swap3A_1011] {strides = array<i32>} : memref<128x128xf32, #tpu.memory_space<vmem>>, vector<1x16xf32>,
          %swap3A_1013 = vector.shape_cast %swap3A_1012 : vector<1x16xf32> to vector<16xf32>
          %swap3A_1014 = vector.shape_cast %add3A_1009 : vector<16xf32> to vector<1x16xf32>
          tpu.vector_store %arg7[%swap3A_1010, %swap3A_1011], %swap3A_1014 {strides = array<i32>} : memref<128x128xf32, #tpu.memory_space<vmem>>, vector<1x16xf32>,
          %get3A_1015 = arith.index_cast %squeeze3A_996 : i32 to index
          %get3A_1016 = arith.constant 16 : index
          %get3A_1017 = tpu.vector_load %arg7[%get3A_1015, %get3A_1016] {strides = array<i32>} : memref<128x128xf32, #tpu.memory_space<vmem>>, vector<1x16xf32>,
          %get3A_1018 = vector.shape_cast %get3A_1017 : vector<1x16xf32> to vector<16xf32>
          %get3A_1019 = arith.index_cast %add3A_1000 : i32 to index
          %get3A_1020 = arith.constant 16 : index
          %get3A_1021 = tpu.vector_load %arg6[%get3A_1019, %get3A_1020] {strides = array<i32>} : memref<256x128xf32, #tpu.memory_space<vmem>>, vector<1x16xf32>,
          %get3A_1022 = vector.shape_cast %get3A_1021 : vector<1x16xf32> to vector<16xf32>
          %add3A_1023 = arith.addf %get3A_1018, %get3A_1022 : vector<16xf32>
          %swap3A_1024 = arith.index_cast %squeeze3A_996 : i32 to index
          %swap3A_1025 = arith.constant 16 : index
          %swap3A_1026 = tpu.vector_load %arg7[%swap3A_1024, %swap3A_1025] {strides = array<i32>} : memref<128x128xf32, #tpu.memory_space<vmem>>, vector<1x16xf32>,
          %swap3A_1027 = vector.shape_cast %swap3A_1026 : vector<1x16xf32> to vector<16xf32>
          %swap3A_1028 = vector.shape_cast %add3A_1023 : vector<16xf32> to vector<1x16xf32>
          tpu.vector_store %arg7[%swap3A_1024, %swap3A_1025], %swap3A_1028 {strides = array<i32>} : memref<128x128xf32, #tpu.memory_space<vmem>>, vector<1x16xf32>,
          %get3A_1029 = arith.index_cast %squeeze3A_996 : i32 to index
          %get3A_1030 = arith.constant 32 : index
          %get3A_1031 = tpu.vector_load %arg7[%get3A_1029, %get3A_1030] {strides = array<i32>} : memref<128x128xf32, #tpu.memory_space<vmem>>, vector<1x16xf32>,
          %get3A_1032 = vector.shape_cast %get3A_1031 : vector<1x16xf32> to vector<16xf32>
          %get3A_1033 = arith.index_cast %add3A_1000 : i32 to index
          %get3A_1034 = arith.constant 32 : index
          %get3A_1035 = tpu.vector_load %arg6[%get3A_1033, %get3A_1034] {strides = array<i32>} : memref<256x128xf32, #tpu.memory_space<vmem>>, vector<1x16xf32>,
          %get3A_1036 = vector.shape_cast %get3A_1035 : vector<1x16xf32> to vector<16xf32>
          %add3A_1037 = arith.addf %get3A_1032, %get3A_1036 : vector<16xf32>
          %swap3A_1038 = arith.index_cast %squeeze3A_996 : i32 to index
          %swap3A_1039 = arith.constant 32 : index
          %swap3A_1040 = tpu.vector_load %arg7[%swap3A_1038, %swap3A_1039] {strides = array<i32>} : memref<128x128xf32, #tpu.memory_space<vmem>>, vector<1x16xf32>,
          %swap3A_1041 = vector.shape_cast %swap3A_1040 : vector<1x16xf32> to vector<16xf32>
          %swap3A_1042 = vector.shape_cast %add3A_1037 : vector<16xf32> to vector<1x16xf32>
          tpu.vector_store %arg7[%swap3A_1038, %swap3A_1039], %swap3A_1042 {strides = array<i32>} : memref<128x128xf32, #tpu.memory_space<vmem>>, vector<1x16xf32>,
          %get3A_1043 = arith.index_cast %squeeze3A_996 : i32 to index
          %get3A_1044 = arith.constant 48 : index
          %get3A_1045 = tpu.vector_load %arg7[%get3A_1043, %get3A_1044] {strides = array<i32>} : memref<128x128xf32, #tpu.memory_space<vmem>>, vector<1x16xf32>,
          %get3A_1046 = vector.shape_cast %get3A_1045 : vector<1x16xf32> to vector<16xf32>
          %get3A_1047 = arith.index_cast %add3A_1000 : i32 to index
          %get3A_1048 = arith.constant 48 : index
          %get3A_1049 = tpu.vector_load %arg6[%get3A_1047, %get3A_1048] {strides = array<i32>} : memref<256x128xf32, #tpu.memory_space<vmem>>, vector<1x16xf32>,
          %get3A_1050 = vector.shape_cast %get3A_1049 : vector<1x16xf32> to vector<16xf32>
          %add3A_1051 = arith.addf %get3A_1046, %get3A_1050 : vector<16xf32>
          %swap3A_1052 = arith.index_cast %squeeze3A_996 : i32 to index
          %swap3A_1053 = arith.constant 48 : index
          %swap3A_1054 = tpu.vector_load %arg7[%swap3A_1052, %swap3A_1053] {strides = array<i32>} : memref<128x128xf32, #tpu.memory_space<vmem>>, vector<1x16xf32>,
          %swap3A_1055 = vector.shape_cast %swap3A_1054 : vector<1x16xf32> to vector<16xf32>
          %swap3A_1056 = vector.shape_cast %add3A_1051 : vector<16xf32> to vector<1x16xf32>
          tpu.vector_store %arg7[%swap3A_1052, %swap3A_1053], %swap3A_1056 {strides = array<i32>} : memref<128x128xf32, #tpu.memory_space<vmem>>, vector<1x16xf32>,
          %get3A_1057 = arith.index_cast %squeeze3A_996 : i32 to index
          %get3A_1058 = arith.constant 64 : index
          %get3A_1059 = tpu.vector_load %arg7[%get3A_1057, %get3A_1058] {strides = array<i32>} : memref<128x128xf32, #tpu.memory_space<vmem>>, vector<1x16xf32>,
          %get3A_1060 = vector.shape_cast %get3A_1059 : vector<1x16xf32> to vector<16xf32>
          %get3A_1061 = arith.index_cast %add3A_1000 : i32 to index
          %get3A_1062 = arith.constant 64 : index
          %get3A_1063 = tpu.vector_load %arg6[%get3A_1061, %get3A_1062] {strides = array<i32>} : memref<256x128xf32, #tpu.memory_space<vmem>>, vector<1x16xf32>,
          %get3A_1064 = vector.shape_cast %get3A_1063 : vector<1x16xf32> to vector<16xf32>
          %add3A_1065 = arith.addf %get3A_1060, %get3A_1064 : vector<16xf32>
          %swap3A_1066 = arith.index_cast %squeeze3A_996 : i32 to index
          %swap3A_1067 = arith.constant 64 : index
          %swap3A_1068 = tpu.vector_load %arg7[%swap3A_1066, %swap3A_1067] {strides = array<i32>} : memref<128x128xf32, #tpu.memory_space<vmem>>, vector<1x16xf32>,
          %swap3A_1069 = vector.shape_cast %swap3A_1068 : vector<1x16xf32> to vector<16xf32>
          %swap3A_1070 = vector.shape_cast %add3A_1065 : vector<16xf32> to vector<1x16xf32>
          tpu.vector_store %arg7[%swap3A_1066, %swap3A_1067], %swap3A_1070 {strides = array<i32>} : memref<128x128xf32, #tpu.memory_space<vmem>>, vector<1x16xf32>,
          %get3A_1071 = arith.index_cast %squeeze3A_996 : i32 to index
          %get3A_1072 = arith.constant 80 : index
          %get3A_1073 = tpu.vector_load %arg7[%get3A_1071, %get3A_1072] {strides = array<i32>} : memref<128x128xf32, #tpu.memory_space<vmem>>, vector<1x16xf32>,
          %get3A_1074 = vector.shape_cast %get3A_1073 : vector<1x16xf32> to vector<16xf32>
          %get3A_1075 = arith.index_cast %add3A_1000 : i32 to index
          %get3A_1076 = arith.constant 80 : index
          %get3A_1077 = tpu.vector_load %arg6[%get3A_1075, %get3A_1076] {strides = array<i32>} : memref<256x128xf32, #tpu.memory_space<vmem>>, vector<1x16xf32>,
          %get3A_1078 = vector.shape_cast %get3A_1077 : vector<1x16xf32> to vector<16xf32>
          %add3A_1079 = arith.addf %get3A_1074, %get3A_1078 : vector<16xf32>
          %swap3A_1080 = arith.index_cast %squeeze3A_996 : i32 to index
          %swap3A_1081 = arith.constant 80 : index
          %swap3A_1082 = tpu.vector_load %arg7[%swap3A_1080, %swap3A_1081] {strides = array<i32>} : memref<128x128xf32, #tpu.memory_space<vmem>>, vector<1x16xf32>,
          %swap3A_1083 = vector.shape_cast %swap3A_1082 : vector<1x16xf32> to vector<16xf32>
          %swap3A_1084 = vector.shape_cast %add3A_1079 : vector<16xf32> to vector<1x16xf32>
          tpu.vector_store %arg7[%swap3A_1080, %swap3A_1081], %swap3A_1084 {strides = array<i32>} : memref<128x128xf32, #tpu.memory_space<vmem>>, vector<1x16xf32>,
          %get3A_1085 = arith.index_cast %squeeze3A_996 : i32 to index
          %get3A_1086 = arith.constant 96 : index
          %get3A_1087 = tpu.vector_load %arg7[%get3A_1085, %get3A_1086] {strides = array<i32>} : memref<128x128xf32, #tpu.memory_space<vmem>>, vector<1x16xf32>,
          %get3A_1088 = vector.shape_cast %get3A_1087 : vector<1x16xf32> to vector<16xf32>
          %get3A_1089 = arith.index_cast %add3A_1000 : i32 to index
          %get3A_1090 = arith.constant 96 : index
          %get3A_1091 = tpu.vector_load %arg6[%get3A_1089, %get3A_1090] {strides = array<i32>} : memref<256x128xf32, #tpu.memory_space<vmem>>, vector<1x16xf32>,
          %get3A_1092 = vector.shape_cast %get3A_1091 : vector<1x16xf32> to vector<16xf32>
          %add3A_1093 = arith.addf %get3A_1088, %get3A_1092 : vector<16xf32>
          %swap3A_1094 = arith.index_cast %squeeze3A_996 : i32 to index
          %swap3A_1095 = arith.constant 96 : index
          %swap3A_1096 = tpu.vector_load %arg7[%swap3A_1094, %swap3A_1095] {strides = array<i32>} : memref<128x128xf32, #tpu.memory_space<vmem>>, vector<1x16xf32>,
          %swap3A_1097 = vector.shape_cast %swap3A_1096 : vector<1x16xf32> to vector<16xf32>
          %swap3A_1098 = vector.shape_cast %add3A_1093 : vector<16xf32> to vector<1x16xf32>
          tpu.vector_store %arg7[%swap3A_1094, %swap3A_1095], %swap3A_1098 {strides = array<i32>} : memref<128x128xf32, #tpu.memory_space<vmem>>, vector<1x16xf32>,
          %get3A_1099 = arith.index_cast %squeeze3A_996 : i32 to index
          %get3A_1100 = arith.constant 112 : index
          %get3A_1101 = tpu.vector_load %arg7[%get3A_1099, %get3A_1100] {strides = array<i32>} : memref<128x128xf32, #tpu.memory_space<vmem>>, vector<1x16xf32>,
          %get3A_1102 = vector.shape_cast %get3A_1101 : vector<1x16xf32> to vector<16xf32>
          %get3A_1103 = arith.index_cast %add3A_1000 : i32 to index
          %get3A_1104 = arith.constant 112 : index
          %get3A_1105 = tpu.vector_load %arg6[%get3A_1103, %get3A_1104] {strides = array<i32>} : memref<256x128xf32, #tpu.memory_space<vmem>>, vector<1x16xf32>,
          %get3A_1106 = vector.shape_cast %get3A_1105 : vector<1x16xf32> to vector<16xf32>
          %add3A_1107 = arith.addf %get3A_1102, %get3A_1106 : vector<16xf32>
          %swap3A_1108 = arith.index_cast %squeeze3A_996 : i32 to index
          %swap3A_1109 = arith.constant 112 : index
          %swap3A_1110 = tpu.vector_load %arg7[%swap3A_1108, %swap3A_1109] {strides = array<i32>} : memref<128x128xf32, #tpu.memory_space<vmem>>, vector<1x16xf32>,
          %swap3A_1111 = vector.shape_cast %swap3A_1110 : vector<1x16xf32> to vector<16xf32>
          %swap3A_1112 = vector.shape_cast %add3A_1107 : vector<16xf32> to vector<1x16xf32>
          tpu.vector_store %arg7[%swap3A_1108, %swap3A_1109], %swap3A_1112 {strides = array<i32>} : memref<128x128xf32, #tpu.memory_space<vmem>>, vector<1x16xf32>,
          %slice3A_1113 = vector.extract_strided_slice %get3A_53 {offsets = [9], sizes = [1], strides = [1]} : vector<16xi32> to vector<1xi32>
          %squeeze3A_1114 = vector.extract %slice3A_1113[0] : i32 from vector<1xi32>
          %mul3A_1115 = arith.constant 16 : i32
          %mul3A_1116 = arith.muli %scan3A_49, %mul3A_1115 : i32
          %add3A_1117 = arith.constant 9 : i32
          %add3A_1118 = arith.addi %mul3A_1116, %add3A_1117 : i32
          %get3A_1119 = arith.index_cast %squeeze3A_1114 : i32 to index
          %get3A_1120 = arith.constant 0 : index
          %get3A_1121 = tpu.vector_load %arg7[%get3A_1119, %get3A_1120] {strides = array<i32>} : memref<128x128xf32, #tpu.memory_space<vmem>>, vector<1x16xf32>,
          %get3A_1122 = vector.shape_cast %get3A_1121 : vector<1x16xf32> to vector<16xf32>
          %get3A_1123 = arith.index_cast %add3A_1118 : i32 to index
          %get3A_1124 = arith.constant 0 : index
          %get3A_1125 = tpu.vector_load %arg6[%get3A_1123, %get3A_1124] {strides = array<i32>} : memref<256x128xf32, #tpu.memory_space<vmem>>, vector<1x16xf32>,
          %get3A_1126 = vector.shape_cast %get3A_1125 : vector<1x16xf32> to vector<16xf32>
          %add3A_1127 = arith.addf %get3A_1122, %get3A_1126 : vector<16xf32>
          %swap3A_1128 = arith.index_cast %squeeze3A_1114 : i32 to index
          %swap3A_1129 = arith.constant 0 : index
          %swap3A_1130 = tpu.vector_load %arg7[%swap3A_1128, %swap3A_1129] {strides = array<i32>} : memref<128x128xf32, #tpu.memory_space<vmem>>, vector<1x16xf32>,
          %swap3A_1131 = vector.shape_cast %swap3A_1130 : vector<1x16xf32> to vector<16xf32>
          %swap3A_1132 = vector.shape_cast %add3A_1127 : vector<16xf32> to vector<1x16xf32>
          tpu.vector_store %arg7[%swap3A_1128, %swap3A_1129], %swap3A_1132 {strides = array<i32>} : memref<128x128xf32, #tpu.memory_space<vmem>>, vector<1x16xf32>,
          %get3A_1133 = arith.index_cast %squeeze3A_1114 : i32 to index
          %get3A_1134 = arith.constant 16 : index
          %get3A_1135 = tpu.vector_load %arg7[%get3A_1133, %get3A_1134] {strides = array<i32>} : memref<128x128xf32, #tpu.memory_space<vmem>>, vector<1x16xf32>,
          %get3A_1136 = vector.shape_cast %get3A_1135 : vector<1x16xf32> to vector<16xf32>
          %get3A_1137 = arith.index_cast %add3A_1118 : i32 to index
          %get3A_1138 = arith.constant 16 : index
          %get3A_1139 = tpu.vector_load %arg6[%get3A_1137, %get3A_1138] {strides = array<i32>} : memref<256x128xf32, #tpu.memory_space<vmem>>, vector<1x16xf32>,
          %get3A_1140 = vector.shape_cast %get3A_1139 : vector<1x16xf32> to vector<16xf32>
          %add3A_1141 = arith.addf %get3A_1136, %get3A_1140 : vector<16xf32>
          %swap3A_1142 = arith.index_cast %squeeze3A_1114 : i32 to index
          %swap3A_1143 = arith.constant 16 : index
          %swap3A_1144 = tpu.vector_load %arg7[%swap3A_1142, %swap3A_1143] {strides = array<i32>} : memref<128x128xf32, #tpu.memory_space<vmem>>, vector<1x16xf32>,
          %swap3A_1145 = vector.shape_cast %swap3A_1144 : vector<1x16xf32> to vector<16xf32>
          %swap3A_1146 = vector.shape_cast %add3A_1141 : vector<16xf32> to vector<1x16xf32>
          tpu.vector_store %arg7[%swap3A_1142, %swap3A_1143], %swap3A_1146 {strides = array<i32>} : memref<128x128xf32, #tpu.memory_space<vmem>>, vector<1x16xf32>,
          %get3A_1147 = arith.index_cast %squeeze3A_1114 : i32 to index
          %get3A_1148 = arith.constant 32 : index
          %get3A_1149 = tpu.vector_load %arg7[%get3A_1147, %get3A_1148] {strides = array<i32>} : memref<128x128xf32, #tpu.memory_space<vmem>>, vector<1x16xf32>,
          %get3A_1150 = vector.shape_cast %get3A_1149 : vector<1x16xf32> to vector<16xf32>
          %get3A_1151 = arith.index_cast %add3A_1118 : i32 to index
          %get3A_1152 = arith.constant 32 : index
          %get3A_1153 = tpu.vector_load %arg6[%get3A_1151, %get3A_1152] {strides = array<i32>} : memref<256x128xf32, #tpu.memory_space<vmem>>, vector<1x16xf32>,
          %get3A_1154 = vector.shape_cast %get3A_1153 : vector<1x16xf32> to vector<16xf32>
          %add3A_1155 = arith.addf %get3A_1150, %get3A_1154 : vector<16xf32>
          %swap3A_1156 = arith.index_cast %squeeze3A_1114 : i32 to index
          %swap3A_1157 = arith.constant 32 : index
          %swap3A_1158 = tpu.vector_load %arg7[%swap3A_1156, %swap3A_1157] {strides = array<i32>} : memref<128x128xf32, #tpu.memory_space<vmem>>, vector<1x16xf32>,
          %swap3A_1159 = vector.shape_cast %swap3A_1158 : vector<1x16xf32> to vector<16xf32>
          %swap3A_1160 = vector.shape_cast %add3A_1155 : vector<16xf32> to vector<1x16xf32>
          tpu.vector_store %arg7[%swap3A_1156, %swap3A_1157], %swap3A_1160 {strides = array<i32>} : memref<128x128xf32, #tpu.memory_space<vmem>>, vector<1x16xf32>,
          %get3A_1161 = arith.index_cast %squeeze3A_1114 : i32 to index
          %get3A_1162 = arith.constant 48 : index
          %get3A_1163 = tpu.vector_load %arg7[%get3A_1161, %get3A_1162] {strides = array<i32>} : memref<128x128xf32, #tpu.memory_space<vmem>>, vector<1x16xf32>,
          %get3A_1164 = vector.shape_cast %get3A_1163 : vector<1x16xf32> to vector<16xf32>
          %get3A_1165 = arith.index_cast %add3A_1118 : i32 to index
          %get3A_1166 = arith.constant 48 : index
          %get3A_1167 = tpu.vector_load %arg6[%get3A_1165, %get3A_1166] {strides = array<i32>} : memref<256x128xf32, #tpu.memory_space<vmem>>, vector<1x16xf32>,
          %get3A_1168 = vector.shape_cast %get3A_1167 : vector<1x16xf32> to vector<16xf32>
          %add3A_1169 = arith.addf %get3A_1164, %get3A_1168 : vector<16xf32>
          %swap3A_1170 = arith.index_cast %squeeze3A_1114 : i32 to index
          %swap3A_1171 = arith.constant 48 : index
          %swap3A_1172 = tpu.vector_load %arg7[%swap3A_1170, %swap3A_1171] {strides = array<i32>} : memref<128x128xf32, #tpu.memory_space<vmem>>, vector<1x16xf32>,
          %swap3A_1173 = vector.shape_cast %swap3A_1172 : vector<1x16xf32> to vector<16xf32>
          %swap3A_1174 = vector.shape_cast %add3A_1169 : vector<16xf32> to vector<1x16xf32>
          tpu.vector_store %arg7[%swap3A_1170, %swap3A_1171], %swap3A_1174 {strides = array<i32>} : memref<128x128xf32, #tpu.memory_space<vmem>>, vector<1x16xf32>,
          %get3A_1175 = arith.index_cast %squeeze3A_1114 : i32 to index
          %get3A_1176 = arith.constant 64 : index
          %get3A_1177 = tpu.vector_load %arg7[%get3A_1175, %get3A_1176] {strides = array<i32>} : memref<128x128xf32, #tpu.memory_space<vmem>>, vector<1x16xf32>,
          %get3A_1178 = vector.shape_cast %get3A_1177 : vector<1x16xf32> to vector<16xf32>
          %get3A_1179 = arith.index_cast %add3A_1118 : i32 to index
          %get3A_1180 = arith.constant 64 : index
          %get3A_1181 = tpu.vector_load %arg6[%get3A_1179, %get3A_1180] {strides = array<i32>} : memref<256x128xf32, #tpu.memory_space<vmem>>, vector<1x16xf32>,
          %get3A_1182 = vector.shape_cast %get3A_1181 : vector<1x16xf32> to vector<16xf32>
          %add3A_1183 = arith.addf %get3A_1178, %get3A_1182 : vector<16xf32>
          %swap3A_1184 = arith.index_cast %squeeze3A_1114 : i32 to index
          %swap3A_1185 = arith.constant 64 : index
          %swap3A_1186 = tpu.vector_load %arg7[%swap3A_1184, %swap3A_1185] {strides = array<i32>} : memref<128x128xf32, #tpu.memory_space<vmem>>, vector<1x16xf32>,
          %swap3A_1187 = vector.shape_cast %swap3A_1186 : vector<1x16xf32> to vector<16xf32>
          %swap3A_1188 = vector.shape_cast %add3A_1183 : vector<16xf32> to vector<1x16xf32>
          tpu.vector_store %arg7[%swap3A_1184, %swap3A_1185], %swap3A_1188 {strides = array<i32>} : memref<128x128xf32, #tpu.memory_space<vmem>>, vector<1x16xf32>,
          %get3A_1189 = arith.index_cast %squeeze3A_1114 : i32 to index
          %get3A_1190 = arith.constant 80 : index
          %get3A_1191 = tpu.vector_load %arg7[%get3A_1189, %get3A_1190] {strides = array<i32>} : memref<128x128xf32, #tpu.memory_space<vmem>>, vector<1x16xf32>,
          %get3A_1192 = vector.shape_cast %get3A_1191 : vector<1x16xf32> to vector<16xf32>
          %get3A_1193 = arith.index_cast %add3A_1118 : i32 to index
          %get3A_1194 = arith.constant 80 : index
          %get3A_1195 = tpu.vector_load %arg6[%get3A_1193, %get3A_1194] {strides = array<i32>} : memref<256x128xf32, #tpu.memory_space<vmem>>, vector<1x16xf32>,
          %get3A_1196 = vector.shape_cast %get3A_1195 : vector<1x16xf32> to vector<16xf32>
          %add3A_1197 = arith.addf %get3A_1192, %get3A_1196 : vector<16xf32>
          %swap3A_1198 = arith.index_cast %squeeze3A_1114 : i32 to index
          %swap3A_1199 = arith.constant 80 : index
          %swap3A_1200 = tpu.vector_load %arg7[%swap3A_1198, %swap3A_1199] {strides = array<i32>} : memref<128x128xf32, #tpu.memory_space<vmem>>, vector<1x16xf32>,
          %swap3A_1201 = vector.shape_cast %swap3A_1200 : vector<1x16xf32> to vector<16xf32>
          %swap3A_1202 = vector.shape_cast %add3A_1197 : vector<16xf32> to vector<1x16xf32>
          tpu.vector_store %arg7[%swap3A_1198, %swap3A_1199], %swap3A_1202 {strides = array<i32>} : memref<128x128xf32, #tpu.memory_space<vmem>>, vector<1x16xf32>,
          %get3A_1203 = arith.index_cast %squeeze3A_1114 : i32 to index
          %get3A_1204 = arith.constant 96 : index
          %get3A_1205 = tpu.vector_load %arg7[%get3A_1203, %get3A_1204] {strides = array<i32>} : memref<128x128xf32, #tpu.memory_space<vmem>>, vector<1x16xf32>,
          %get3A_1206 = vector.shape_cast %get3A_1205 : vector<1x16xf32> to vector<16xf32>
          %get3A_1207 = arith.index_cast %add3A_1118 : i32 to index
          %get3A_1208 = arith.constant 96 : index
          %get3A_1209 = tpu.vector_load %arg6[%get3A_1207, %get3A_1208] {strides = array<i32>} : memref<256x128xf32, #tpu.memory_space<vmem>>, vector<1x16xf32>,
          %get3A_1210 = vector.shape_cast %get3A_1209 : vector<1x16xf32> to vector<16xf32>
          %add3A_1211 = arith.addf %get3A_1206, %get3A_1210 : vector<16xf32>
          %swap3A_1212 = arith.index_cast %squeeze3A_1114 : i32 to index
          %swap3A_1213 = arith.constant 96 : index
          %swap3A_1214 = tpu.vector_load %arg7[%swap3A_1212, %swap3A_1213] {strides = array<i32>} : memref<128x128xf32, #tpu.memory_space<vmem>>, vector<1x16xf32>,
          %swap3A_1215 = vector.shape_cast %swap3A_1214 : vector<1x16xf32> to vector<16xf32>
          %swap3A_1216 = vector.shape_cast %add3A_1211 : vector<16xf32> to vector<1x16xf32>
          tpu.vector_store %arg7[%swap3A_1212, %swap3A_1213], %swap3A_1216 {strides = array<i32>} : memref<128x128xf32, #tpu.memory_space<vmem>>, vector<1x16xf32>,
          %get3A_1217 = arith.index_cast %squeeze3A_1114 : i32 to index
          %get3A_1218 = arith.constant 112 : index
          %get3A_1219 = tpu.vector_load %arg7[%get3A_1217, %get3A_1218] {strides = array<i32>} : memref<128x128xf32, #tpu.memory_space<vmem>>, vector<1x16xf32>,
          %get3A_1220 = vector.shape_cast %get3A_1219 : vector<1x16xf32> to vector<16xf32>
          %get3A_1221 = arith.index_cast %add3A_1118 : i32 to index
          %get3A_1222 = arith.constant 112 : index
          %get3A_1223 = tpu.vector_load %arg6[%get3A_1221, %get3A_1222] {strides = array<i32>} : memref<256x128xf32, #tpu.memory_space<vmem>>, vector<1x16xf32>,
          %get3A_1224 = vector.shape_cast %get3A_1223 : vector<1x16xf32> to vector<16xf32>
          %add3A_1225 = arith.addf %get3A_1220, %get3A_1224 : vector<16xf32>
          %swap3A_1226 = arith.index_cast %squeeze3A_1114 : i32 to index
          %swap3A_1227 = arith.constant 112 : index
          %swap3A_1228 = tpu.vector_load %arg7[%swap3A_1226, %swap3A_1227] {strides = array<i32>} : memref<128x128xf32, #tpu.memory_space<vmem>>, vector<1x16xf32>,
          %swap3A_1229 = vector.shape_cast %swap3A_1228 : vector<1x16xf32> to vector<16xf32>
          %swap3A_1230 = vector.shape_cast %add3A_1225 : vector<16xf32> to vector<1x16xf32>
          tpu.vector_store %arg7[%swap3A_1226, %swap3A_1227], %swap3A_1230 {strides = array<i32>} : memref<128x128xf32, #tpu.memory_space<vmem>>, vector<1x16xf32>,
          %slice3A_1231 = vector.extract_strided_slice %get3A_53 {offsets = [10], sizes = [1], strides = [1]} : vector<16xi32> to vector<1xi32>
          %squeeze3A_1232 = vector.extract %slice3A_1231[0] : i32 from vector<1xi32>
          %mul3A_1233 = arith.constant 16 : i32
          %mul3A_1234 = arith.muli %scan3A_49, %mul3A_1233 : i32
          %add3A_1235 = arith.constant 10 : i32
          %add3A_1236 = arith.addi %mul3A_1234, %add3A_1235 : i32
          %get3A_1237 = arith.index_cast %squeeze3A_1232 : i32 to index
          %get3A_1238 = arith.constant 0 : index
          %get3A_1239 = tpu.vector_load %arg7[%get3A_1237, %get3A_1238] {strides = array<i32>} : memref<128x128xf32, #tpu.memory_space<vmem>>, vector<1x16xf32>,
          %get3A_1240 = vector.shape_cast %get3A_1239 : vector<1x16xf32> to vector<16xf32>
          %get3A_1241 = arith.index_cast %add3A_1236 : i32 to index
          %get3A_1242 = arith.constant 0 : index
          %get3A_1243 = tpu.vector_load %arg6[%get3A_1241, %get3A_1242] {strides = array<i32>} : memref<256x128xf32, #tpu.memory_space<vmem>>, vector<1x16xf32>,
          %get3A_1244 = vector.shape_cast %get3A_1243 : vector<1x16xf32> to vector<16xf32>
          %add3A_1245 = arith.addf %get3A_1240, %get3A_1244 : vector<16xf32>
          %swap3A_1246 = arith.index_cast %squeeze3A_1232 : i32 to index
          %swap3A_1247 = arith.constant 0 : index
          %swap3A_1248 = tpu.vector_load %arg7[%swap3A_1246, %swap3A_1247] {strides = array<i32>} : memref<128x128xf32, #tpu.memory_space<vmem>>, vector<1x16xf32>,
          %swap3A_1249 = vector.shape_cast %swap3A_1248 : vector<1x16xf32> to vector<16xf32>
          %swap3A_1250 = vector.shape_cast %add3A_1245 : vector<16xf32> to vector<1x16xf32>
          tpu.vector_store %arg7[%swap3A_1246, %swap3A_1247], %swap3A_1250 {strides = array<i32>} : memref<128x128xf32, #tpu.memory_space<vmem>>, vector<1x16xf32>,
          %get3A_1251 = arith.index_cast %squeeze3A_1232 : i32 to index
          %get3A_1252 = arith.constant 16 : index
          %get3A_1253 = tpu.vector_load %arg7[%get3A_1251, %get3A_1252] {strides = array<i32>} : memref<128x128xf32, #tpu.memory_space<vmem>>, vector<1x16xf32>,
          %get3A_1254 = vector.shape_cast %get3A_1253 : vector<1x16xf32> to vector<16xf32>
          %get3A_1255 = arith.index_cast %add3A_1236 : i32 to index
          %get3A_1256 = arith.constant 16 : index
          %get3A_1257 = tpu.vector_load %arg6[%get3A_1255, %get3A_1256] {strides = array<i32>} : memref<256x128xf32, #tpu.memory_space<vmem>>, vector<1x16xf32>,
          %get3A_1258 = vector.shape_cast %get3A_1257 : vector<1x16xf32> to vector<16xf32>
          %add3A_1259 = arith.addf %get3A_1254, %get3A_1258 : vector<16xf32>
          %swap3A_1260 = arith.index_cast %squeeze3A_1232 : i32 to index
          %swap3A_1261 = arith.constant 16 : index
          %swap3A_1262 = tpu.vector_load %arg7[%swap3A_1260, %swap3A_1261] {strides = array<i32>} : memref<128x128xf32, #tpu.memory_space<vmem>>, vector<1x16xf32>,
          %swap3A_1263 = vector.shape_cast %swap3A_1262 : vector<1x16xf32> to vector<16xf32>
          %swap3A_1264 = vector.shape_cast %add3A_1259 : vector<16xf32> to vector<1x16xf32>
          tpu.vector_store %arg7[%swap3A_1260, %swap3A_1261], %swap3A_1264 {strides = array<i32>} : memref<128x128xf32, #tpu.memory_space<vmem>>, vector<1x16xf32>,
          %get3A_1265 = arith.index_cast %squeeze3A_1232 : i32 to index
          %get3A_1266 = arith.constant 32 : index
          %get3A_1267 = tpu.vector_load %arg7[%get3A_1265, %get3A_1266] {strides = array<i32>} : memref<128x128xf32, #tpu.memory_space<vmem>>, vector<1x16xf32>,
          %get3A_1268 = vector.shape_cast %get3A_1267 : vector<1x16xf32> to vector<16xf32>
          %get3A_1269 = arith.index_cast %add3A_1236 : i32 to index
          %get3A_1270 = arith.constant 32 : index
          %get3A_1271 = tpu.vector_load %arg6[%get3A_1269, %get3A_1270] {strides = array<i32>} : memref<256x128xf32, #tpu.memory_space<vmem>>, vector<1x16xf32>,
          %get3A_1272 = vector.shape_cast %get3A_1271 : vector<1x16xf32> to vector<16xf32>
          %add3A_1273 = arith.addf %get3A_1268, %get3A_1272 : vector<16xf32>
          %swap3A_1274 = arith.index_cast %squeeze3A_1232 : i32 to index
          %swap3A_1275 = arith.constant 32 : index
          %swap3A_1276 = tpu.vector_load %arg7[%swap3A_1274, %swap3A_1275] {strides = array<i32>} : memref<128x128xf32, #tpu.memory_space<vmem>>, vector<1x16xf32>,
          %swap3A_1277 = vector.shape_cast %swap3A_1276 : vector<1x16xf32> to vector<16xf32>
          %swap3A_1278 = vector.shape_cast %add3A_1273 : vector<16xf32> to vector<1x16xf32>
          tpu.vector_store %arg7[%swap3A_1274, %swap3A_1275], %swap3A_1278 {strides = array<i32>} : memref<128x128xf32, #tpu.memory_space<vmem>>, vector<1x16xf32>,
          %get3A_1279 = arith.index_cast %squeeze3A_1232 : i32 to index
          %get3A_1280 = arith.constant 48 : index
          %get3A_1281 = tpu.vector_load %arg7[%get3A_1279, %get3A_1280] {strides = array<i32>} : memref<128x128xf32, #tpu.memory_space<vmem>>, vector<1x16xf32>,
          %get3A_1282 = vector.shape_cast %get3A_1281 : vector<1x16xf32> to vector<16xf32>
          %get3A_1283 = arith.index_cast %add3A_1236 : i32 to index
          %get3A_1284 = arith.constant 48 : index
          %get3A_1285 = tpu.vector_load %arg6[%get3A_1283, %get3A_1284] {strides = array<i32>} : memref<256x128xf32, #tpu.memory_space<vmem>>, vector<1x16xf32>,
          %get3A_1286 = vector.shape_cast %get3A_1285 : vector<1x16xf32> to vector<16xf32>
          %add3A_1287 = arith.addf %get3A_1282, %get3A_1286 : vector<16xf32>
          %swap3A_1288 = arith.index_cast %squeeze3A_1232 : i32 to index
          %swap3A_1289 = arith.constant 48 : index
          %swap3A_1290 = tpu.vector_load %arg7[%swap3A_1288, %swap3A_1289] {strides = array<i32>} : memref<128x128xf32, #tpu.memory_space<vmem>>, vector<1x16xf32>,
          %swap3A_1291 = vector.shape_cast %swap3A_1290 : vector<1x16xf32> to vector<16xf32>
          %swap3A_1292 = vector.shape_cast %add3A_1287 : vector<16xf32> to vector<1x16xf32>
          tpu.vector_store %arg7[%swap3A_1288, %swap3A_1289], %swap3A_1292 {strides = array<i32>} : memref<128x128xf32, #tpu.memory_space<vmem>>, vector<1x16xf32>,
          %get3A_1293 = arith.index_cast %squeeze3A_1232 : i32 to index
          %get3A_1294 = arith.constant 64 : index
          %get3A_1295 = tpu.vector_load %arg7[%get3A_1293, %get3A_1294] {strides = array<i32>} : memref<128x128xf32, #tpu.memory_space<vmem>>, vector<1x16xf32>,
          %get3A_1296 = vector.shape_cast %get3A_1295 : vector<1x16xf32> to vector<16xf32>
          %get3A_1297 = arith.index_cast %add3A_1236 : i32 to index
          %get3A_1298 = arith.constant 64 : index
          %get3A_1299 = tpu.vector_load %arg6[%get3A_1297, %get3A_1298] {strides = array<i32>} : memref<256x128xf32, #tpu.memory_space<vmem>>, vector<1x16xf32>,
          %get3A_1300 = vector.shape_cast %get3A_1299 : vector<1x16xf32> to vector<16xf32>
          %add3A_1301 = arith.addf %get3A_1296, %get3A_1300 : vector<16xf32>
          %swap3A_1302 = arith.index_cast %squeeze3A_1232 : i32 to index
          %swap3A_1303 = arith.constant 64 : index
          %swap3A_1304 = tpu.vector_load %arg7[%swap3A_1302, %swap3A_1303] {strides = array<i32>} : memref<128x128xf32, #tpu.memory_space<vmem>>, vector<1x16xf32>,
          %swap3A_1305 = vector.shape_cast %swap3A_1304 : vector<1x16xf32> to vector<16xf32>
          %swap3A_1306 = vector.shape_cast %add3A_1301 : vector<16xf32> to vector<1x16xf32>
          tpu.vector_store %arg7[%swap3A_1302, %swap3A_1303], %swap3A_1306 {strides = array<i32>} : memref<128x128xf32, #tpu.memory_space<vmem>>, vector<1x16xf32>,
          %get3A_1307 = arith.index_cast %squeeze3A_1232 : i32 to index
          %get3A_1308 = arith.constant 80 : index
          %get3A_1309 = tpu.vector_load %arg7[%get3A_1307, %get3A_1308] {strides = array<i32>} : memref<128x128xf32, #tpu.memory_space<vmem>>, vector<1x16xf32>,
          %get3A_1310 = vector.shape_cast %get3A_1309 : vector<1x16xf32> to vector<16xf32>
          %get3A_1311 = arith.index_cast %add3A_1236 : i32 to index
          %get3A_1312 = arith.constant 80 : index
          %get3A_1313 = tpu.vector_load %arg6[%get3A_1311, %get3A_1312] {strides = array<i32>} : memref<256x128xf32, #tpu.memory_space<vmem>>, vector<1x16xf32>,
          %get3A_1314 = vector.shape_cast %get3A_1313 : vector<1x16xf32> to vector<16xf32>
          %add3A_1315 = arith.addf %get3A_1310, %get3A_1314 : vector<16xf32>
          %swap3A_1316 = arith.index_cast %squeeze3A_1232 : i32 to index
          %swap3A_1317 = arith.constant 80 : index
          %swap3A_1318 = tpu.vector_load %arg7[%swap3A_1316, %swap3A_1317] {strides = array<i32>} : memref<128x128xf32, #tpu.memory_space<vmem>>, vector<1x16xf32>,
          %swap3A_1319 = vector.shape_cast %swap3A_1318 : vector<1x16xf32> to vector<16xf32>
          %swap3A_1320 = vector.shape_cast %add3A_1315 : vector<16xf32> to vector<1x16xf32>
          tpu.vector_store %arg7[%swap3A_1316, %swap3A_1317], %swap3A_1320 {strides = array<i32>} : memref<128x128xf32, #tpu.memory_space<vmem>>, vector<1x16xf32>,
          %get3A_1321 = arith.index_cast %squeeze3A_1232 : i32 to index
          %get3A_1322 = arith.constant 96 : index
          %get3A_1323 = tpu.vector_load %arg7[%get3A_1321, %get3A_1322] {strides = array<i32>} : memref<128x128xf32, #tpu.memory_space<vmem>>, vector<1x16xf32>,
          %get3A_1324 = vector.shape_cast %get3A_1323 : vector<1x16xf32> to vector<16xf32>
          %get3A_1325 = arith.index_cast %add3A_1236 : i32 to index
          %get3A_1326 = arith.constant 96 : index
          %get3A_1327 = tpu.vector_load %arg6[%get3A_1325, %get3A_1326] {strides = array<i32>} : memref<256x128xf32, #tpu.memory_space<vmem>>, vector<1x16xf32>,
          %get3A_1328 = vector.shape_cast %get3A_1327 : vector<1x16xf32> to vector<16xf32>
          %add3A_1329 = arith.addf %get3A_1324, %get3A_1328 : vector<16xf32>
          %swap3A_1330 = arith.index_cast %squeeze3A_1232 : i32 to index
          %swap3A_1331 = arith.constant 96 : index
          %swap3A_1332 = tpu.vector_load %arg7[%swap3A_1330, %swap3A_1331] {strides = array<i32>} : memref<128x128xf32, #tpu.memory_space<vmem>>, vector<1x16xf32>,
          %swap3A_1333 = vector.shape_cast %swap3A_1332 : vector<1x16xf32> to vector<16xf32>
          %swap3A_1334 = vector.shape_cast %add3A_1329 : vector<16xf32> to vector<1x16xf32>
          tpu.vector_store %arg7[%swap3A_1330, %swap3A_1331], %swap3A_1334 {strides = array<i32>} : memref<128x128xf32, #tpu.memory_space<vmem>>, vector<1x16xf32>,
          %get3A_1335 = arith.index_cast %squeeze3A_1232 : i32 to index
          %get3A_1336 = arith.constant 112 : index
          %get3A_1337 = tpu.vector_load %arg7[%get3A_1335, %get3A_1336] {strides = array<i32>} : memref<128x128xf32, #tpu.memory_space<vmem>>, vector<1x16xf32>,
          %get3A_1338 = vector.shape_cast %get3A_1337 : vector<1x16xf32> to vector<16xf32>
          %get3A_1339 = arith.index_cast %add3A_1236 : i32 to index
          %get3A_1340 = arith.constant 112 : index
          %get3A_1341 = tpu.vector_load %arg6[%get3A_1339, %get3A_1340] {strides = array<i32>} : memref<256x128xf32, #tpu.memory_space<vmem>>, vector<1x16xf32>,
          %get3A_1342 = vector.shape_cast %get3A_1341 : vector<1x16xf32> to vector<16xf32>
          %add3A_1343 = arith.addf %get3A_1338, %get3A_1342 : vector<16xf32>
          %swap3A_1344 = arith.index_cast %squeeze3A_1232 : i32 to index
          %swap3A_1345 = arith.constant 112 : index
          %swap3A_1346 = tpu.vector_load %arg7[%swap3A_1344, %swap3A_1345] {strides = array<i32>} : memref<128x128xf32, #tpu.memory_space<vmem>>, vector<1x16xf32>,
          %swap3A_1347 = vector.shape_cast %swap3A_1346 : vector<1x16xf32> to vector<16xf32>
          %swap3A_1348 = vector.shape_cast %add3A_1343 : vector<16xf32> to vector<1x16xf32>
          tpu.vector_store %arg7[%swap3A_1344, %swap3A_1345], %swap3A_1348 {strides = array<i32>} : memref<128x128xf32, #tpu.memory_space<vmem>>, vector<1x16xf32>,
          %slice3A_1349 = vector.extract_strided_slice %get3A_53 {offsets = [11], sizes = [1], strides = [1]} : vector<16xi32> to vector<1xi32>
          %squeeze3A_1350 = vector.extract %slice3A_1349[0] : i32 from vector<1xi32>
          %mul3A_1351 = arith.constant 16 : i32
          %mul3A_1352 = arith.muli %scan3A_49, %mul3A_1351 : i32
          %add3A_1353 = arith.constant 11 : i32
          %add3A_1354 = arith.addi %mul3A_1352, %add3A_1353 : i32
          %get3A_1355 = arith.index_cast %squeeze3A_1350 : i32 to index
          %get3A_1356 = arith.constant 0 : index
          %get3A_1357 = tpu.vector_load %arg7[%get3A_1355, %get3A_1356] {strides = array<i32>} : memref<128x128xf32, #tpu.memory_space<vmem>>, vector<1x16xf32>,
          %get3A_1358 = vector.shape_cast %get3A_1357 : vector<1x16xf32> to vector<16xf32>
          %get3A_1359 = arith.index_cast %add3A_1354 : i32 to index
          %get3A_1360 = arith.constant 0 : index
          %get3A_1361 = tpu.vector_load %arg6[%get3A_1359, %get3A_1360] {strides = array<i32>} : memref<256x128xf32, #tpu.memory_space<vmem>>, vector<1x16xf32>,
          %get3A_1362 = vector.shape_cast %get3A_1361 : vector<1x16xf32> to vector<16xf32>
          %add3A_1363 = arith.addf %get3A_1358, %get3A_1362 : vector<16xf32>
          %swap3A_1364 = arith.index_cast %squeeze3A_1350 : i32 to index
          %swap3A_1365 = arith.constant 0 : index
          %swap3A_1366 = tpu.vector_load %arg7[%swap3A_1364, %swap3A_1365] {strides = array<i32>} : memref<128x128xf32, #tpu.memory_space<vmem>>, vector<1x16xf32>,
          %swap3A_1367 = vector.shape_cast %swap3A_1366 : vector<1x16xf32> to vector<16xf32>
          %swap3A_1368 = vector.shape_cast %add3A_1363 : vector<16xf32> to vector<1x16xf32>
          tpu.vector_store %arg7[%swap3A_1364, %swap3A_1365], %swap3A_1368 {strides = array<i32>} : memref<128x128xf32, #tpu.memory_space<vmem>>, vector<1x16xf32>,
          %get3A_1369 = arith.index_cast %squeeze3A_1350 : i32 to index
          %get3A_1370 = arith.constant 16 : index
          %get3A_1371 = tpu.vector_load %arg7[%get3A_1369, %get3A_1370] {strides = array<i32>} : memref<128x128xf32, #tpu.memory_space<vmem>>, vector<1x16xf32>,
          %get3A_1372 = vector.shape_cast %get3A_1371 : vector<1x16xf32> to vector<16xf32>
          %get3A_1373 = arith.index_cast %add3A_1354 : i32 to index
          %get3A_1374 = arith.constant 16 : index
          %get3A_1375 = tpu.vector_load %arg6[%get3A_1373, %get3A_1374] {strides = array<i32>} : memref<256x128xf32, #tpu.memory_space<vmem>>, vector<1x16xf32>,
          %get3A_1376 = vector.shape_cast %get3A_1375 : vector<1x16xf32> to vector<16xf32>
          %add3A_1377 = arith.addf %get3A_1372, %get3A_1376 : vector<16xf32>
          %swap3A_1378 = arith.index_cast %squeeze3A_1350 : i32 to index
          %swap3A_1379 = arith.constant 16 : index
          %swap3A_1380 = tpu.vector_load %arg7[%swap3A_1378, %swap3A_1379] {strides = array<i32>} : memref<128x128xf32, #tpu.memory_space<vmem>>, vector<1x16xf32>,
          %swap3A_1381 = vector.shape_cast %swap3A_1380 : vector<1x16xf32> to vector<16xf32>
          %swap3A_1382 = vector.shape_cast %add3A_1377 : vector<16xf32> to vector<1x16xf32>
          tpu.vector_store %arg7[%swap3A_1378, %swap3A_1379], %swap3A_1382 {strides = array<i32>} : memref<128x128xf32, #tpu.memory_space<vmem>>, vector<1x16xf32>,
          %get3A_1383 = arith.index_cast %squeeze3A_1350 : i32 to index
          %get3A_1384 = arith.constant 32 : index
          %get3A_1385 = tpu.vector_load %arg7[%get3A_1383, %get3A_1384] {strides = array<i32>} : memref<128x128xf32, #tpu.memory_space<vmem>>, vector<1x16xf32>,
          %get3A_1386 = vector.shape_cast %get3A_1385 : vector<1x16xf32> to vector<16xf32>
          %get3A_1387 = arith.index_cast %add3A_1354 : i32 to index
          %get3A_1388 = arith.constant 32 : index
          %get3A_1389 = tpu.vector_load %arg6[%get3A_1387, %get3A_1388] {strides = array<i32>} : memref<256x128xf32, #tpu.memory_space<vmem>>, vector<1x16xf32>,
          %get3A_1390 = vector.shape_cast %get3A_1389 : vector<1x16xf32> to vector<16xf32>
          %add3A_1391 = arith.addf %get3A_1386, %get3A_1390 : vector<16xf32>
          %swap3A_1392 = arith.index_cast %squeeze3A_1350 : i32 to index
          %swap3A_1393 = arith.constant 32 : index
          %swap3A_1394 = tpu.vector_load %arg7[%swap3A_1392, %swap3A_1393] {strides = array<i32>} : memref<128x128xf32, #tpu.memory_space<vmem>>, vector<1x16xf32>,
          %swap3A_1395 = vector.shape_cast %swap3A_1394 : vector<1x16xf32> to vector<16xf32>
          %swap3A_1396 = vector.shape_cast %add3A_1391 : vector<16xf32> to vector<1x16xf32>
          tpu.vector_store %arg7[%swap3A_1392, %swap3A_1393], %swap3A_1396 {strides = array<i32>} : memref<128x128xf32, #tpu.memory_space<vmem>>, vector<1x16xf32>,
          %get3A_1397 = arith.index_cast %squeeze3A_1350 : i32 to index
          %get3A_1398 = arith.constant 48 : index
          %get3A_1399 = tpu.vector_load %arg7[%get3A_1397, %get3A_1398] {strides = array<i32>} : memref<128x128xf32, #tpu.memory_space<vmem>>, vector<1x16xf32>,
          %get3A_1400 = vector.shape_cast %get3A_1399 : vector<1x16xf32> to vector<16xf32>
          %get3A_1401 = arith.index_cast %add3A_1354 : i32 to index
          %get3A_1402 = arith.constant 48 : index
          %get3A_1403 = tpu.vector_load %arg6[%get3A_1401, %get3A_1402] {strides = array<i32>} : memref<256x128xf32, #tpu.memory_space<vmem>>, vector<1x16xf32>,
          %get3A_1404 = vector.shape_cast %get3A_1403 : vector<1x16xf32> to vector<16xf32>
          %add3A_1405 = arith.addf %get3A_1400, %get3A_1404 : vector<16xf32>
          %swap3A_1406 = arith.index_cast %squeeze3A_1350 : i32 to index
          %swap3A_1407 = arith.constant 48 : index
          %swap3A_1408 = tpu.vector_load %arg7[%swap3A_1406, %swap3A_1407] {strides = array<i32>} : memref<128x128xf32, #tpu.memory_space<vmem>>, vector<1x16xf32>,
          %swap3A_1409 = vector.shape_cast %swap3A_1408 : vector<1x16xf32> to vector<16xf32>
          %swap3A_1410 = vector.shape_cast %add3A_1405 : vector<16xf32> to vector<1x16xf32>
          tpu.vector_store %arg7[%swap3A_1406, %swap3A_1407], %swap3A_1410 {strides = array<i32>} : memref<128x128xf32, #tpu.memory_space<vmem>>, vector<1x16xf32>,
          %get3A_1411 = arith.index_cast %squeeze3A_1350 : i32 to index
          %get3A_1412 = arith.constant 64 : index
          %get3A_1413 = tpu.vector_load %arg7[%get3A_1411, %get3A_1412] {strides = array<i32>} : memref<128x128xf32, #tpu.memory_space<vmem>>, vector<1x16xf32>,
          %get3A_1414 = vector.shape_cast %get3A_1413 : vector<1x16xf32> to vector<16xf32>
          %get3A_1415 = arith.index_cast %add3A_1354 : i32 to index
          %get3A_1416 = arith.constant 64 : index
          %get3A_1417 = tpu.vector_load %arg6[%get3A_1415, %get3A_1416] {strides = array<i32>} : memref<256x128xf32, #tpu.memory_space<vmem>>, vector<1x16xf32>,
          %get3A_1418 = vector.shape_cast %get3A_1417 : vector<1x16xf32> to vector<16xf32>
          %add3A_1419 = arith.addf %get3A_1414, %get3A_1418 : vector<16xf32>
          %swap3A_1420 = arith.index_cast %squeeze3A_1350 : i32 to index
          %swap3A_1421 = arith.constant 64 : index
          %swap3A_1422 = tpu.vector_load %arg7[%swap3A_1420, %swap3A_1421] {strides = array<i32>} : memref<128x128xf32, #tpu.memory_space<vmem>>, vector<1x16xf32>,
          %swap3A_1423 = vector.shape_cast %swap3A_1422 : vector<1x16xf32> to vector<16xf32>
          %swap3A_1424 = vector.shape_cast %add3A_1419 : vector<16xf32> to vector<1x16xf32>
          tpu.vector_store %arg7[%swap3A_1420, %swap3A_1421], %swap3A_1424 {strides = array<i32>} : memref<128x128xf32, #tpu.memory_space<vmem>>, vector<1x16xf32>,
          %get3A_1425 = arith.index_cast %squeeze3A_1350 : i32 to index
          %get3A_1426 = arith.constant 80 : index
          %get3A_1427 = tpu.vector_load %arg7[%get3A_1425, %get3A_1426] {strides = array<i32>} : memref<128x128xf32, #tpu.memory_space<vmem>>, vector<1x16xf32>,
          %get3A_1428 = vector.shape_cast %get3A_1427 : vector<1x16xf32> to vector<16xf32>
          %get3A_1429 = arith.index_cast %add3A_1354 : i32 to index
          %get3A_1430 = arith.constant 80 : index
          %get3A_1431 = tpu.vector_load %arg6[%get3A_1429, %get3A_1430] {strides = array<i32>} : memref<256x128xf32, #tpu.memory_space<vmem>>, vector<1x16xf32>,
          %get3A_1432 = vector.shape_cast %get3A_1431 : vector<1x16xf32> to vector<16xf32>
          %add3A_1433 = arith.addf %get3A_1428, %get3A_1432 : vector<16xf32>
          %swap3A_1434 = arith.index_cast %squeeze3A_1350 : i32 to index
          %swap3A_1435 = arith.constant 80 : index
          %swap3A_1436 = tpu.vector_load %arg7[%swap3A_1434, %swap3A_1435] {strides = array<i32>} : memref<128x128xf32, #tpu.memory_space<vmem>>, vector<1x16xf32>,
          %swap3A_1437 = vector.shape_cast %swap3A_1436 : vector<1x16xf32> to vector<16xf32>
          %swap3A_1438 = vector.shape_cast %add3A_1433 : vector<16xf32> to vector<1x16xf32>
          tpu.vector_store %arg7[%swap3A_1434, %swap3A_1435], %swap3A_1438 {strides = array<i32>} : memref<128x128xf32, #tpu.memory_space<vmem>>, vector<1x16xf32>,
          %get3A_1439 = arith.index_cast %squeeze3A_1350 : i32 to index
          %get3A_1440 = arith.constant 96 : index
          %get3A_1441 = tpu.vector_load %arg7[%get3A_1439, %get3A_1440] {strides = array<i32>} : memref<128x128xf32, #tpu.memory_space<vmem>>, vector<1x16xf32>,
          %get3A_1442 = vector.shape_cast %get3A_1441 : vector<1x16xf32> to vector<16xf32>
          %get3A_1443 = arith.index_cast %add3A_1354 : i32 to index
          %get3A_1444 = arith.constant 96 : index
          %get3A_1445 = tpu.vector_load %arg6[%get3A_1443, %get3A_1444] {strides = array<i32>} : memref<256x128xf32, #tpu.memory_space<vmem>>, vector<1x16xf32>,
          %get3A_1446 = vector.shape_cast %get3A_1445 : vector<1x16xf32> to vector<16xf32>
          %add3A_1447 = arith.addf %get3A_1442, %get3A_1446 : vector<16xf32>
          %swap3A_1448 = arith.index_cast %squeeze3A_1350 : i32 to index
          %swap3A_1449 = arith.constant 96 : index
          %swap3A_1450 = tpu.vector_load %arg7[%swap3A_1448, %swap3A_1449] {strides = array<i32>} : memref<128x128xf32, #tpu.memory_space<vmem>>, vector<1x16xf32>,
          %swap3A_1451 = vector.shape_cast %swap3A_1450 : vector<1x16xf32> to vector<16xf32>
          %swap3A_1452 = vector.shape_cast %add3A_1447 : vector<16xf32> to vector<1x16xf32>
          tpu.vector_store %arg7[%swap3A_1448, %swap3A_1449], %swap3A_1452 {strides = array<i32>} : memref<128x128xf32, #tpu.memory_space<vmem>>, vector<1x16xf32>,
          %get3A_1453 = arith.index_cast %squeeze3A_1350 : i32 to index
          %get3A_1454 = arith.constant 112 : index
          %get3A_1455 = tpu.vector_load %arg7[%get3A_1453, %get3A_1454] {strides = array<i32>} : memref<128x128xf32, #tpu.memory_space<vmem>>, vector<1x16xf32>,
          %get3A_1456 = vector.shape_cast %get3A_1455 : vector<1x16xf32> to vector<16xf32>
          %get3A_1457 = arith.index_cast %add3A_1354 : i32 to index
          %get3A_1458 = arith.constant 112 : index
          %get3A_1459 = tpu.vector_load %arg6[%get3A_1457, %get3A_1458] {strides = array<i32>} : memref<256x128xf32, #tpu.memory_space<vmem>>, vector<1x16xf32>,
          %get3A_1460 = vector.shape_cast %get3A_1459 : vector<1x16xf32> to vector<16xf32>
          %add3A_1461 = arith.addf %get3A_1456, %get3A_1460 : vector<16xf32>
          %swap3A_1462 = arith.index_cast %squeeze3A_1350 : i32 to index
          %swap3A_1463 = arith.constant 112 : index
          %swap3A_1464 = tpu.vector_load %arg7[%swap3A_1462, %swap3A_1463] {strides = array<i32>} : memref<128x128xf32, #tpu.memory_space<vmem>>, vector<1x16xf32>,
          %swap3A_1465 = vector.shape_cast %swap3A_1464 : vector<1x16xf32> to vector<16xf32>
          %swap3A_1466 = vector.shape_cast %add3A_1461 : vector<16xf32> to vector<1x16xf32>
          tpu.vector_store %arg7[%swap3A_1462, %swap3A_1463], %swap3A_1466 {strides = array<i32>} : memref<128x128xf32, #tpu.memory_space<vmem>>, vector<1x16xf32>,
          %slice3A_1467 = vector.extract_strided_slice %get3A_53 {offsets = [12], sizes = [1], strides = [1]} : vector<16xi32> to vector<1xi32>
          %squeeze3A_1468 = vector.extract %slice3A_1467[0] : i32 from vector<1xi32>
          %mul3A_1469 = arith.constant 16 : i32
          %mul3A_1470 = arith.muli %scan3A_49, %mul3A_1469 : i32
          %add3A_1471 = arith.constant 12 : i32
          %add3A_1472 = arith.addi %mul3A_1470, %add3A_1471 : i32
          %get3A_1473 = arith.index_cast %squeeze3A_1468 : i32 to index
          %get3A_1474 = arith.constant 0 : index
          %get3A_1475 = tpu.vector_load %arg7[%get3A_1473, %get3A_1474] {strides = array<i32>} : memref<128x128xf32, #tpu.memory_space<vmem>>, vector<1x16xf32>,
          %get3A_1476 = vector.shape_cast %get3A_1475 : vector<1x16xf32> to vector<16xf32>
          %get3A_1477 = arith.index_cast %add3A_1472 : i32 to index
          %get3A_1478 = arith.constant 0 : index
          %get3A_1479 = tpu.vector_load %arg6[%get3A_1477, %get3A_1478] {strides = array<i32>} : memref<256x128xf32, #tpu.memory_space<vmem>>, vector<1x16xf32>,
          %get3A_1480 = vector.shape_cast %get3A_1479 : vector<1x16xf32> to vector<16xf32>
          %add3A_1481 = arith.addf %get3A_1476, %get3A_1480 : vector<16xf32>
          %swap3A_1482 = arith.index_cast %squeeze3A_1468 : i32 to index
          %swap3A_1483 = arith.constant 0 : index
          %swap3A_1484 = tpu.vector_load %arg7[%swap3A_1482, %swap3A_1483] {strides = array<i32>} : memref<128x128xf32, #tpu.memory_space<vmem>>, vector<1x16xf32>,
          %swap3A_1485 = vector.shape_cast %swap3A_1484 : vector<1x16xf32> to vector<16xf32>
          %swap3A_1486 = vector.shape_cast %add3A_1481 : vector<16xf32> to vector<1x16xf32>
          tpu.vector_store %arg7[%swap3A_1482, %swap3A_1483], %swap3A_1486 {strides = array<i32>} : memref<128x128xf32, #tpu.memory_space<vmem>>, vector<1x16xf32>,
          %get3A_1487 = arith.index_cast %squeeze3A_1468 : i32 to index
          %get3A_1488 = arith.constant 16 : index
          %get3A_1489 = tpu.vector_load %arg7[%get3A_1487, %get3A_1488] {strides = array<i32>} : memref<128x128xf32, #tpu.memory_space<vmem>>, vector<1x16xf32>,
          %get3A_1490 = vector.shape_cast %get3A_1489 : vector<1x16xf32> to vector<16xf32>
          %get3A_1491 = arith.index_cast %add3A_1472 : i32 to index
          %get3A_1492 = arith.constant 16 : index
          %get3A_1493 = tpu.vector_load %arg6[%get3A_1491, %get3A_1492] {strides = array<i32>} : memref<256x128xf32, #tpu.memory_space<vmem>>, vector<1x16xf32>,
          %get3A_1494 = vector.shape_cast %get3A_1493 : vector<1x16xf32> to vector<16xf32>
          %add3A_1495 = arith.addf %get3A_1490, %get3A_1494 : vector<16xf32>
          %swap3A_1496 = arith.index_cast %squeeze3A_1468 : i32 to index
          %swap3A_1497 = arith.constant 16 : index
          %swap3A_1498 = tpu.vector_load %arg7[%swap3A_1496, %swap3A_1497] {strides = array<i32>} : memref<128x128xf32, #tpu.memory_space<vmem>>, vector<1x16xf32>,
          %swap3A_1499 = vector.shape_cast %swap3A_1498 : vector<1x16xf32> to vector<16xf32>
          %swap3A_1500 = vector.shape_cast %add3A_1495 : vector<16xf32> to vector<1x16xf32>
          tpu.vector_store %arg7[%swap3A_1496, %swap3A_1497], %swap3A_1500 {strides = array<i32>} : memref<128x128xf32, #tpu.memory_space<vmem>>, vector<1x16xf32>,
          %get3A_1501 = arith.index_cast %squeeze3A_1468 : i32 to index
          %get3A_1502 = arith.constant 32 : index
          %get3A_1503 = tpu.vector_load %arg7[%get3A_1501, %get3A_1502] {strides = array<i32>} : memref<128x128xf32, #tpu.memory_space<vmem>>, vector<1x16xf32>,
          %get3A_1504 = vector.shape_cast %get3A_1503 : vector<1x16xf32> to vector<16xf32>
          %get3A_1505 = arith.index_cast %add3A_1472 : i32 to index
          %get3A_1506 = arith.constant 32 : index
          %get3A_1507 = tpu.vector_load %arg6[%get3A_1505, %get3A_1506] {strides = array<i32>} : memref<256x128xf32, #tpu.memory_space<vmem>>, vector<1x16xf32>,
          %get3A_1508 = vector.shape_cast %get3A_1507 : vector<1x16xf32> to vector<16xf32>
          %add3A_1509 = arith.addf %get3A_1504, %get3A_1508 : vector<16xf32>
          %swap3A_1510 = arith.index_cast %squeeze3A_1468 : i32 to index
          %swap3A_1511 = arith.constant 32 : index
          %swap3A_1512 = tpu.vector_load %arg7[%swap3A_1510, %swap3A_1511] {strides = array<i32>} : memref<128x128xf32, #tpu.memory_space<vmem>>, vector<1x16xf32>,
          %swap3A_1513 = vector.shape_cast %swap3A_1512 : vector<1x16xf32> to vector<16xf32>
          %swap3A_1514 = vector.shape_cast %add3A_1509 : vector<16xf32> to vector<1x16xf32>
          tpu.vector_store %arg7[%swap3A_1510, %swap3A_1511], %swap3A_1514 {strides = array<i32>} : memref<128x128xf32, #tpu.memory_space<vmem>>, vector<1x16xf32>,
          %get3A_1515 = arith.index_cast %squeeze3A_1468 : i32 to index
          %get3A_1516 = arith.constant 48 : index
          %get3A_1517 = tpu.vector_load %arg7[%get3A_1515, %get3A_1516] {strides = array<i32>} : memref<128x128xf32, #tpu.memory_space<vmem>>, vector<1x16xf32>,
          %get3A_1518 = vector.shape_cast %get3A_1517 : vector<1x16xf32> to vector<16xf32>
          %get3A_1519 = arith.index_cast %add3A_1472 : i32 to index
          %get3A_1520 = arith.constant 48 : index
          %get3A_1521 = tpu.vector_load %arg6[%get3A_1519, %get3A_1520] {strides = array<i32>} : memref<256x128xf32, #tpu.memory_space<vmem>>, vector<1x16xf32>,
          %get3A_1522 = vector.shape_cast %get3A_1521 : vector<1x16xf32> to vector<16xf32>
          %add3A_1523 = arith.addf %get3A_1518, %get3A_1522 : vector<16xf32>
          %swap3A_1524 = arith.index_cast %squeeze3A_1468 : i32 to index
          %swap3A_1525 = arith.constant 48 : index
          %swap3A_1526 = tpu.vector_load %arg7[%swap3A_1524, %swap3A_1525] {strides = array<i32>} : memref<128x128xf32, #tpu.memory_space<vmem>>, vector<1x16xf32>,
          %swap3A_1527 = vector.shape_cast %swap3A_1526 : vector<1x16xf32> to vector<16xf32>
          %swap3A_1528 = vector.shape_cast %add3A_1523 : vector<16xf32> to vector<1x16xf32>
          tpu.vector_store %arg7[%swap3A_1524, %swap3A_1525], %swap3A_1528 {strides = array<i32>} : memref<128x128xf32, #tpu.memory_space<vmem>>, vector<1x16xf32>,
          %get3A_1529 = arith.index_cast %squeeze3A_1468 : i32 to index
          %get3A_1530 = arith.constant 64 : index
          %get3A_1531 = tpu.vector_load %arg7[%get3A_1529, %get3A_1530] {strides = array<i32>} : memref<128x128xf32, #tpu.memory_space<vmem>>, vector<1x16xf32>,
          %get3A_1532 = vector.shape_cast %get3A_1531 : vector<1x16xf32> to vector<16xf32>
          %get3A_1533 = arith.index_cast %add3A_1472 : i32 to index
          %get3A_1534 = arith.constant 64 : index
          %get3A_1535 = tpu.vector_load %arg6[%get3A_1533, %get3A_1534] {strides = array<i32>} : memref<256x128xf32, #tpu.memory_space<vmem>>, vector<1x16xf32>,
          %get3A_1536 = vector.shape_cast %get3A_1535 : vector<1x16xf32> to vector<16xf32>
          %add3A_1537 = arith.addf %get3A_1532, %get3A_1536 : vector<16xf32>
          %swap3A_1538 = arith.index_cast %squeeze3A_1468 : i32 to index
          %swap3A_1539 = arith.constant 64 : index
          %swap3A_1540 = tpu.vector_load %arg7[%swap3A_1538, %swap3A_1539] {strides = array<i32>} : memref<128x128xf32, #tpu.memory_space<vmem>>, vector<1x16xf32>,
          %swap3A_1541 = vector.shape_cast %swap3A_1540 : vector<1x16xf32> to vector<16xf32>
          %swap3A_1542 = vector.shape_cast %add3A_1537 : vector<16xf32> to vector<1x16xf32>
          tpu.vector_store %arg7[%swap3A_1538, %swap3A_1539], %swap3A_1542 {strides = array<i32>} : memref<128x128xf32, #tpu.memory_space<vmem>>, vector<1x16xf32>,
          %get3A_1543 = arith.index_cast %squeeze3A_1468 : i32 to index
          %get3A_1544 = arith.constant 80 : index
          %get3A_1545 = tpu.vector_load %arg7[%get3A_1543, %get3A_1544] {strides = array<i32>} : memref<128x128xf32, #tpu.memory_space<vmem>>, vector<1x16xf32>,
          %get3A_1546 = vector.shape_cast %get3A_1545 : vector<1x16xf32> to vector<16xf32>
          %get3A_1547 = arith.index_cast %add3A_1472 : i32 to index
          %get3A_1548 = arith.constant 80 : index
          %get3A_1549 = tpu.vector_load %arg6[%get3A_1547, %get3A_1548] {strides = array<i32>} : memref<256x128xf32, #tpu.memory_space<vmem>>, vector<1x16xf32>,
          %get3A_1550 = vector.shape_cast %get3A_1549 : vector<1x16xf32> to vector<16xf32>
          %add3A_1551 = arith.addf %get3A_1546, %get3A_1550 : vector<16xf32>
          %swap3A_1552 = arith.index_cast %squeeze3A_1468 : i32 to index
          %swap3A_1553 = arith.constant 80 : index
          %swap3A_1554 = tpu.vector_load %arg7[%swap3A_1552, %swap3A_1553] {strides = array<i32>} : memref<128x128xf32, #tpu.memory_space<vmem>>, vector<1x16xf32>,
          %swap3A_1555 = vector.shape_cast %swap3A_1554 : vector<1x16xf32> to vector<16xf32>
          %swap3A_1556 = vector.shape_cast %add3A_1551 : vector<16xf32> to vector<1x16xf32>
          tpu.vector_store %arg7[%swap3A_1552, %swap3A_1553], %swap3A_1556 {strides = array<i32>} : memref<128x128xf32, #tpu.memory_space<vmem>>, vector<1x16xf32>,
          %get3A_1557 = arith.index_cast %squeeze3A_1468 : i32 to index
          %get3A_1558 = arith.constant 96 : index
          %get3A_1559 = tpu.vector_load %arg7[%get3A_1557, %get3A_1558] {strides = array<i32>} : memref<128x128xf32, #tpu.memory_space<vmem>>, vector<1x16xf32>,
          %get3A_1560 = vector.shape_cast %get3A_1559 : vector<1x16xf32> to vector<16xf32>
          %get3A_1561 = arith.index_cast %add3A_1472 : i32 to index
          %get3A_1562 = arith.constant 96 : index
          %get3A_1563 = tpu.vector_load %arg6[%get3A_1561, %get3A_1562] {strides = array<i32>} : memref<256x128xf32, #tpu.memory_space<vmem>>, vector<1x16xf32>,
          %get3A_1564 = vector.shape_cast %get3A_1563 : vector<1x16xf32> to vector<16xf32>
          %add3A_1565 = arith.addf %get3A_1560, %get3A_1564 : vector<16xf32>
          %swap3A_1566 = arith.index_cast %squeeze3A_1468 : i32 to index
          %swap3A_1567 = arith.constant 96 : index
          %swap3A_1568 = tpu.vector_load %arg7[%swap3A_1566, %swap3A_1567] {strides = array<i32>} : memref<128x128xf32, #tpu.memory_space<vmem>>, vector<1x16xf32>,
          %swap3A_1569 = vector.shape_cast %swap3A_1568 : vector<1x16xf32> to vector<16xf32>
          %swap3A_1570 = vector.shape_cast %add3A_1565 : vector<16xf32> to vector<1x16xf32>
          tpu.vector_store %arg7[%swap3A_1566, %swap3A_1567], %swap3A_1570 {strides = array<i32>} : memref<128x128xf32, #tpu.memory_space<vmem>>, vector<1x16xf32>,
          %get3A_1571 = arith.index_cast %squeeze3A_1468 : i32 to index
          %get3A_1572 = arith.constant 112 : index
          %get3A_1573 = tpu.vector_load %arg7[%get3A_1571, %get3A_1572] {strides = array<i32>} : memref<128x128xf32, #tpu.memory_space<vmem>>, vector<1x16xf32>,
          %get3A_1574 = vector.shape_cast %get3A_1573 : vector<1x16xf32> to vector<16xf32>
          %get3A_1575 = arith.index_cast %add3A_1472 : i32 to index
          %get3A_1576 = arith.constant 112 : index
          %get3A_1577 = tpu.vector_load %arg6[%get3A_1575, %get3A_1576] {strides = array<i32>} : memref<256x128xf32, #tpu.memory_space<vmem>>, vector<1x16xf32>,
          %get3A_1578 = vector.shape_cast %get3A_1577 : vector<1x16xf32> to vector<16xf32>
          %add3A_1579 = arith.addf %get3A_1574, %get3A_1578 : vector<16xf32>
          %swap3A_1580 = arith.index_cast %squeeze3A_1468 : i32 to index
          %swap3A_1581 = arith.constant 112 : index
          %swap3A_1582 = tpu.vector_load %arg7[%swap3A_1580, %swap3A_1581] {strides = array<i32>} : memref<128x128xf32, #tpu.memory_space<vmem>>, vector<1x16xf32>,
          %swap3A_1583 = vector.shape_cast %swap3A_1582 : vector<1x16xf32> to vector<16xf32>
          %swap3A_1584 = vector.shape_cast %add3A_1579 : vector<16xf32> to vector<1x16xf32>
          tpu.vector_store %arg7[%swap3A_1580, %swap3A_1581], %swap3A_1584 {strides = array<i32>} : memref<128x128xf32, #tpu.memory_space<vmem>>, vector<1x16xf32>,
          %slice3A_1585 = vector.extract_strided_slice %get3A_53 {offsets = [13], sizes = [1], strides = [1]} : vector<16xi32> to vector<1xi32>
          %squeeze3A_1586 = vector.extract %slice3A_1585[0] : i32 from vector<1xi32>
          %mul3A_1587 = arith.constant 16 : i32
          %mul3A_1588 = arith.muli %scan3A_49, %mul3A_1587 : i32
          %add3A_1589 = arith.constant 13 : i32
          %add3A_1590 = arith.addi %mul3A_1588, %add3A_1589 : i32
          %get3A_1591 = arith.index_cast %squeeze3A_1586 : i32 to index
          %get3A_1592 = arith.constant 0 : index
          %get3A_1593 = tpu.vector_load %arg7[%get3A_1591, %get3A_1592] {strides = array<i32>} : memref<128x128xf32, #tpu.memory_space<vmem>>, vector<1x16xf32>,
          %get3A_1594 = vector.shape_cast %get3A_1593 : vector<1x16xf32> to vector<16xf32>
          %get3A_1595 = arith.index_cast %add3A_1590 : i32 to index
          %get3A_1596 = arith.constant 0 : index
          %get3A_1597 = tpu.vector_load %arg6[%get3A_1595, %get3A_1596] {strides = array<i32>} : memref<256x128xf32, #tpu.memory_space<vmem>>, vector<1x16xf32>,
          %get3A_1598 = vector.shape_cast %get3A_1597 : vector<1x16xf32> to vector<16xf32>
          %add3A_1599 = arith.addf %get3A_1594, %get3A_1598 : vector<16xf32>
          %swap3A_1600 = arith.index_cast %squeeze3A_1586 : i32 to index
          %swap3A_1601 = arith.constant 0 : index
          %swap3A_1602 = tpu.vector_load %arg7[%swap3A_1600, %swap3A_1601] {strides = array<i32>} : memref<128x128xf32, #tpu.memory_space<vmem>>, vector<1x16xf32>,
          %swap3A_1603 = vector.shape_cast %swap3A_1602 : vector<1x16xf32> to vector<16xf32>
          %swap3A_1604 = vector.shape_cast %add3A_1599 : vector<16xf32> to vector<1x16xf32>
          tpu.vector_store %arg7[%swap3A_1600, %swap3A_1601], %swap3A_1604 {strides = array<i32>} : memref<128x128xf32, #tpu.memory_space<vmem>>, vector<1x16xf32>,
          %get3A_1605 = arith.index_cast %squeeze3A_1586 : i32 to index
          %get3A_1606 = arith.constant 16 : index
          %get3A_1607 = tpu.vector_load %arg7[%get3A_1605, %get3A_1606] {strides = array<i32>} : memref<128x128xf32, #tpu.memory_space<vmem>>, vector<1x16xf32>,
          %get3A_1608 = vector.shape_cast %get3A_1607 : vector<1x16xf32> to vector<16xf32>
          %get3A_1609 = arith.index_cast %add3A_1590 : i32 to index
          %get3A_1610 = arith.constant 16 : index
          %get3A_1611 = tpu.vector_load %arg6[%get3A_1609, %get3A_1610] {strides = array<i32>} : memref<256x128xf32, #tpu.memory_space<vmem>>, vector<1x16xf32>,
          %get3A_1612 = vector.shape_cast %get3A_1611 : vector<1x16xf32> to vector<16xf32>
          %add3A_1613 = arith.addf %get3A_1608, %get3A_1612 : vector<16xf32>
          %swap3A_1614 = arith.index_cast %squeeze3A_1586 : i32 to index
          %swap3A_1615 = arith.constant 16 : index
          %swap3A_1616 = tpu.vector_load %arg7[%swap3A_1614, %swap3A_1615] {strides = array<i32>} : memref<128x128xf32, #tpu.memory_space<vmem>>, vector<1x16xf32>,
          %swap3A_1617 = vector.shape_cast %swap3A_1616 : vector<1x16xf32> to vector<16xf32>
          %swap3A_1618 = vector.shape_cast %add3A_1613 : vector<16xf32> to vector<1x16xf32>
          tpu.vector_store %arg7[%swap3A_1614, %swap3A_1615], %swap3A_1618 {strides = array<i32>} : memref<128x128xf32, #tpu.memory_space<vmem>>, vector<1x16xf32>,
          %get3A_1619 = arith.index_cast %squeeze3A_1586 : i32 to index
          %get3A_1620 = arith.constant 32 : index
          %get3A_1621 = tpu.vector_load %arg7[%get3A_1619, %get3A_1620] {strides = array<i32>} : memref<128x128xf32, #tpu.memory_space<vmem>>, vector<1x16xf32>,
          %get3A_1622 = vector.shape_cast %get3A_1621 : vector<1x16xf32> to vector<16xf32>
          %get3A_1623 = arith.index_cast %add3A_1590 : i32 to index
          %get3A_1624 = arith.constant 32 : index
          %get3A_1625 = tpu.vector_load %arg6[%get3A_1623, %get3A_1624] {strides = array<i32>} : memref<256x128xf32, #tpu.memory_space<vmem>>, vector<1x16xf32>,
          %get3A_1626 = vector.shape_cast %get3A_1625 : vector<1x16xf32> to vector<16xf32>
          %add3A_1627 = arith.addf %get3A_1622, %get3A_1626 : vector<16xf32>
          %swap3A_1628 = arith.index_cast %squeeze3A_1586 : i32 to index
          %swap3A_1629 = arith.constant 32 : index
          %swap3A_1630 = tpu.vector_load %arg7[%swap3A_1628, %swap3A_1629] {strides = array<i32>} : memref<128x128xf32, #tpu.memory_space<vmem>>, vector<1x16xf32>,
          %swap3A_1631 = vector.shape_cast %swap3A_1630 : vector<1x16xf32> to vector<16xf32>
          %swap3A_1632 = vector.shape_cast %add3A_1627 : vector<16xf32> to vector<1x16xf32>
          tpu.vector_store %arg7[%swap3A_1628, %swap3A_1629], %swap3A_1632 {strides = array<i32>} : memref<128x128xf32, #tpu.memory_space<vmem>>, vector<1x16xf32>,
          %get3A_1633 = arith.index_cast %squeeze3A_1586 : i32 to index
          %get3A_1634 = arith.constant 48 : index
          %get3A_1635 = tpu.vector_load %arg7[%get3A_1633, %get3A_1634] {strides = array<i32>} : memref<128x128xf32, #tpu.memory_space<vmem>>, vector<1x16xf32>,
          %get3A_1636 = vector.shape_cast %get3A_1635 : vector<1x16xf32> to vector<16xf32>
          %get3A_1637 = arith.index_cast %add3A_1590 : i32 to index
          %get3A_1638 = arith.constant 48 : index
          %get3A_1639 = tpu.vector_load %arg6[%get3A_1637, %get3A_1638] {strides = array<i32>} : memref<256x128xf32, #tpu.memory_space<vmem>>, vector<1x16xf32>,
          %get3A_1640 = vector.shape_cast %get3A_1639 : vector<1x16xf32> to vector<16xf32>
          %add3A_1641 = arith.addf %get3A_1636, %get3A_1640 : vector<16xf32>
          %swap3A_1642 = arith.index_cast %squeeze3A_1586 : i32 to index
          %swap3A_1643 = arith.constant 48 : index
          %swap3A_1644 = tpu.vector_load %arg7[%swap3A_1642, %swap3A_1643] {strides = array<i32>} : memref<128x128xf32, #tpu.memory_space<vmem>>, vector<1x16xf32>,
          %swap3A_1645 = vector.shape_cast %swap3A_1644 : vector<1x16xf32> to vector<16xf32>
          %swap3A_1646 = vector.shape_cast %add3A_1641 : vector<16xf32> to vector<1x16xf32>
          tpu.vector_store %arg7[%swap3A_1642, %swap3A_1643], %swap3A_1646 {strides = array<i32>} : memref<128x128xf32, #tpu.memory_space<vmem>>, vector<1x16xf32>,
          %get3A_1647 = arith.index_cast %squeeze3A_1586 : i32 to index
          %get3A_1648 = arith.constant 64 : index
          %get3A_1649 = tpu.vector_load %arg7[%get3A_1647, %get3A_1648] {strides = array<i32>} : memref<128x128xf32, #tpu.memory_space<vmem>>, vector<1x16xf32>,
          %get3A_1650 = vector.shape_cast %get3A_1649 : vector<1x16xf32> to vector<16xf32>
          %get3A_1651 = arith.index_cast %add3A_1590 : i32 to index
          %get3A_1652 = arith.constant 64 : index
          %get3A_1653 = tpu.vector_load %arg6[%get3A_1651, %get3A_1652] {strides = array<i32>} : memref<256x128xf32, #tpu.memory_space<vmem>>, vector<1x16xf32>,
          %get3A_1654 = vector.shape_cast %get3A_1653 : vector<1x16xf32> to vector<16xf32>
          %add3A_1655 = arith.addf %get3A_1650, %get3A_1654 : vector<16xf32>
          %swap3A_1656 = arith.index_cast %squeeze3A_1586 : i32 to index
          %swap3A_1657 = arith.constant 64 : index
          %swap3A_1658 = tpu.vector_load %arg7[%swap3A_1656, %swap3A_1657] {strides = array<i32>} : memref<128x128xf32, #tpu.memory_space<vmem>>, vector<1x16xf32>,
          %swap3A_1659 = vector.shape_cast %swap3A_1658 : vector<1x16xf32> to vector<16xf32>
          %swap3A_1660 = vector.shape_cast %add3A_1655 : vector<16xf32> to vector<1x16xf32>
          tpu.vector_store %arg7[%swap3A_1656, %swap3A_1657], %swap3A_1660 {strides = array<i32>} : memref<128x128xf32, #tpu.memory_space<vmem>>, vector<1x16xf32>,
          %get3A_1661 = arith.index_cast %squeeze3A_1586 : i32 to index
          %get3A_1662 = arith.constant 80 : index
          %get3A_1663 = tpu.vector_load %arg7[%get3A_1661, %get3A_1662] {strides = array<i32>} : memref<128x128xf32, #tpu.memory_space<vmem>>, vector<1x16xf32>,
          %get3A_1664 = vector.shape_cast %get3A_1663 : vector<1x16xf32> to vector<16xf32>
          %get3A_1665 = arith.index_cast %add3A_1590 : i32 to index
          %get3A_1666 = arith.constant 80 : index
          %get3A_1667 = tpu.vector_load %arg6[%get3A_1665, %get3A_1666] {strides = array<i32>} : memref<256x128xf32, #tpu.memory_space<vmem>>, vector<1x16xf32>,
          %get3A_1668 = vector.shape_cast %get3A_1667 : vector<1x16xf32> to vector<16xf32>
          %add3A_1669 = arith.addf %get3A_1664, %get3A_1668 : vector<16xf32>
          %swap3A_1670 = arith.index_cast %squeeze3A_1586 : i32 to index
          %swap3A_1671 = arith.constant 80 : index
          %swap3A_1672 = tpu.vector_load %arg7[%swap3A_1670, %swap3A_1671] {strides = array<i32>} : memref<128x128xf32, #tpu.memory_space<vmem>>, vector<1x16xf32>,
          %swap3A_1673 = vector.shape_cast %swap3A_1672 : vector<1x16xf32> to vector<16xf32>
          %swap3A_1674 = vector.shape_cast %add3A_1669 : vector<16xf32> to vector<1x16xf32>
          tpu.vector_store %arg7[%swap3A_1670, %swap3A_1671], %swap3A_1674 {strides = array<i32>} : memref<128x128xf32, #tpu.memory_space<vmem>>, vector<1x16xf32>,
          %get3A_1675 = arith.index_cast %squeeze3A_1586 : i32 to index
          %get3A_1676 = arith.constant 96 : index
          %get3A_1677 = tpu.vector_load %arg7[%get3A_1675, %get3A_1676] {strides = array<i32>} : memref<128x128xf32, #tpu.memory_space<vmem>>, vector<1x16xf32>,
          %get3A_1678 = vector.shape_cast %get3A_1677 : vector<1x16xf32> to vector<16xf32>
          %get3A_1679 = arith.index_cast %add3A_1590 : i32 to index
          %get3A_1680 = arith.constant 96 : index
          %get3A_1681 = tpu.vector_load %arg6[%get3A_1679, %get3A_1680] {strides = array<i32>} : memref<256x128xf32, #tpu.memory_space<vmem>>, vector<1x16xf32>,
          %get3A_1682 = vector.shape_cast %get3A_1681 : vector<1x16xf32> to vector<16xf32>
          %add3A_1683 = arith.addf %get3A_1678, %get3A_1682 : vector<16xf32>
          %swap3A_1684 = arith.index_cast %squeeze3A_1586 : i32 to index
          %swap3A_1685 = arith.constant 96 : index
          %swap3A_1686 = tpu.vector_load %arg7[%swap3A_1684, %swap3A_1685] {strides = array<i32>} : memref<128x128xf32, #tpu.memory_space<vmem>>, vector<1x16xf32>,
          %swap3A_1687 = vector.shape_cast %swap3A_1686 : vector<1x16xf32> to vector<16xf32>
          %swap3A_1688 = vector.shape_cast %add3A_1683 : vector<16xf32> to vector<1x16xf32>
          tpu.vector_store %arg7[%swap3A_1684, %swap3A_1685], %swap3A_1688 {strides = array<i32>} : memref<128x128xf32, #tpu.memory_space<vmem>>, vector<1x16xf32>,
          %get3A_1689 = arith.index_cast %squeeze3A_1586 : i32 to index
          %get3A_1690 = arith.constant 112 : index
          %get3A_1691 = tpu.vector_load %arg7[%get3A_1689, %get3A_1690] {strides = array<i32>} : memref<128x128xf32, #tpu.memory_space<vmem>>, vector<1x16xf32>,
          %get3A_1692 = vector.shape_cast %get3A_1691 : vector<1x16xf32> to vector<16xf32>
          %get3A_1693 = arith.index_cast %add3A_1590 : i32 to index
          %get3A_1694 = arith.constant 112 : index
          %get3A_1695 = tpu.vector_load %arg6[%get3A_1693, %get3A_1694] {strides = array<i32>} : memref<256x128xf32, #tpu.memory_space<vmem>>, vector<1x16xf32>,
          %get3A_1696 = vector.shape_cast %get3A_1695 : vector<1x16xf32> to vector<16xf32>
          %add3A_1697 = arith.addf %get3A_1692, %get3A_1696 : vector<16xf32>
          %swap3A_1698 = arith.index_cast %squeeze3A_1586 : i32 to index
          %swap3A_1699 = arith.constant 112 : index
          %swap3A_1700 = tpu.vector_load %arg7[%swap3A_1698, %swap3A_1699] {strides = array<i32>} : memref<128x128xf32, #tpu.memory_space<vmem>>, vector<1x16xf32>,
          %swap3A_1701 = vector.shape_cast %swap3A_1700 : vector<1x16xf32> to vector<16xf32>
          %swap3A_1702 = vector.shape_cast %add3A_1697 : vector<16xf32> to vector<1x16xf32>
          tpu.vector_store %arg7[%swap3A_1698, %swap3A_1699], %swap3A_1702 {strides = array<i32>} : memref<128x128xf32, #tpu.memory_space<vmem>>, vector<1x16xf32>,
          %slice3A_1703 = vector.extract_strided_slice %get3A_53 {offsets = [14], sizes = [1], strides = [1]} : vector<16xi32> to vector<1xi32>
          %squeeze3A_1704 = vector.extract %slice3A_1703[0] : i32 from vector<1xi32>
          %mul3A_1705 = arith.constant 16 : i32
          %mul3A_1706 = arith.muli %scan3A_49, %mul3A_1705 : i32
          %add3A_1707 = arith.constant 14 : i32
          %add3A_1708 = arith.addi %mul3A_1706, %add3A_1707 : i32
          %get3A_1709 = arith.index_cast %squeeze3A_1704 : i32 to index
          %get3A_1710 = arith.constant 0 : index
          %get3A_1711 = tpu.vector_load %arg7[%get3A_1709, %get3A_1710] {strides = array<i32>} : memref<128x128xf32, #tpu.memory_space<vmem>>, vector<1x16xf32>,
          %get3A_1712 = vector.shape_cast %get3A_1711 : vector<1x16xf32> to vector<16xf32>
          %get3A_1713 = arith.index_cast %add3A_1708 : i32 to index
          %get3A_1714 = arith.constant 0 : index
          %get3A_1715 = tpu.vector_load %arg6[%get3A_1713, %get3A_1714] {strides = array<i32>} : memref<256x128xf32, #tpu.memory_space<vmem>>, vector<1x16xf32>,
          %get3A_1716 = vector.shape_cast %get3A_1715 : vector<1x16xf32> to vector<16xf32>
          %add3A_1717 = arith.addf %get3A_1712, %get3A_1716 : vector<16xf32>
          %swap3A_1718 = arith.index_cast %squeeze3A_1704 : i32 to index
          %swap3A_1719 = arith.constant 0 : index
          %swap3A_1720 = tpu.vector_load %arg7[%swap3A_1718, %swap3A_1719] {strides = array<i32>} : memref<128x128xf32, #tpu.memory_space<vmem>>, vector<1x16xf32>,
          %swap3A_1721 = vector.shape_cast %swap3A_1720 : vector<1x16xf32> to vector<16xf32>
          %swap3A_1722 = vector.shape_cast %add3A_1717 : vector<16xf32> to vector<1x16xf32>
          tpu.vector_store %arg7[%swap3A_1718, %swap3A_1719], %swap3A_1722 {strides = array<i32>} : memref<128x128xf32, #tpu.memory_space<vmem>>, vector<1x16xf32>,
          %get3A_1723 = arith.index_cast %squeeze3A_1704 : i32 to index
          %get3A_1724 = arith.constant 16 : index
          %get3A_1725 = tpu.vector_load %arg7[%get3A_1723, %get3A_1724] {strides = array<i32>} : memref<128x128xf32, #tpu.memory_space<vmem>>, vector<1x16xf32>,
          %get3A_1726 = vector.shape_cast %get3A_1725 : vector<1x16xf32> to vector<16xf32>
          %get3A_1727 = arith.index_cast %add3A_1708 : i32 to index
          %get3A_1728 = arith.constant 16 : index
          %get3A_1729 = tpu.vector_load %arg6[%get3A_1727, %get3A_1728] {strides = array<i32>} : memref<256x128xf32, #tpu.memory_space<vmem>>, vector<1x16xf32>,
          %get3A_1730 = vector.shape_cast %get3A_1729 : vector<1x16xf32> to vector<16xf32>
          %add3A_1731 = arith.addf %get3A_1726, %get3A_1730 : vector<16xf32>
          %swap3A_1732 = arith.index_cast %squeeze3A_1704 : i32 to index
          %swap3A_1733 = arith.constant 16 : index
          %swap3A_1734 = tpu.vector_load %arg7[%swap3A_1732, %swap3A_1733] {strides = array<i32>} : memref<128x128xf32, #tpu.memory_space<vmem>>, vector<1x16xf32>,
          %swap3A_1735 = vector.shape_cast %swap3A_1734 : vector<1x16xf32> to vector<16xf32>
          %swap3A_1736 = vector.shape_cast %add3A_1731 : vector<16xf32> to vector<1x16xf32>
          tpu.vector_store %arg7[%swap3A_1732, %swap3A_1733], %swap3A_1736 {strides = array<i32>} : memref<128x128xf32, #tpu.memory_space<vmem>>, vector<1x16xf32>,
          %get3A_1737 = arith.index_cast %squeeze3A_1704 : i32 to index
          %get3A_1738 = arith.constant 32 : index
          %get3A_1739 = tpu.vector_load %arg7[%get3A_1737, %get3A_1738] {strides = array<i32>} : memref<128x128xf32, #tpu.memory_space<vmem>>, vector<1x16xf32>,
          %get3A_1740 = vector.shape_cast %get3A_1739 : vector<1x16xf32> to vector<16xf32>
          %get3A_1741 = arith.index_cast %add3A_1708 : i32 to index
          %get3A_1742 = arith.constant 32 : index
          %get3A_1743 = tpu.vector_load %arg6[%get3A_1741, %get3A_1742] {strides = array<i32>} : memref<256x128xf32, #tpu.memory_space<vmem>>, vector<1x16xf32>,
          %get3A_1744 = vector.shape_cast %get3A_1743 : vector<1x16xf32> to vector<16xf32>
          %add3A_1745 = arith.addf %get3A_1740, %get3A_1744 : vector<16xf32>
          %swap3A_1746 = arith.index_cast %squeeze3A_1704 : i32 to index
          %swap3A_1747 = arith.constant 32 : index
          %swap3A_1748 = tpu.vector_load %arg7[%swap3A_1746, %swap3A_1747] {strides = array<i32>} : memref<128x128xf32, #tpu.memory_space<vmem>>, vector<1x16xf32>,
          %swap3A_1749 = vector.shape_cast %swap3A_1748 : vector<1x16xf32> to vector<16xf32>
          %swap3A_1750 = vector.shape_cast %add3A_1745 : vector<16xf32> to vector<1x16xf32>
          tpu.vector_store %arg7[%swap3A_1746, %swap3A_1747], %swap3A_1750 {strides = array<i32>} : memref<128x128xf32, #tpu.memory_space<vmem>>, vector<1x16xf32>,
          %get3A_1751 = arith.index_cast %squeeze3A_1704 : i32 to index
          %get3A_1752 = arith.constant 48 : index
          %get3A_1753 = tpu.vector_load %arg7[%get3A_1751, %get3A_1752] {strides = array<i32>} : memref<128x128xf32, #tpu.memory_space<vmem>>, vector<1x16xf32>,
          %get3A_1754 = vector.shape_cast %get3A_1753 : vector<1x16xf32> to vector<16xf32>
          %get3A_1755 = arith.index_cast %add3A_1708 : i32 to index
          %get3A_1756 = arith.constant 48 : index
          %get3A_1757 = tpu.vector_load %arg6[%get3A_1755, %get3A_1756] {strides = array<i32>} : memref<256x128xf32, #tpu.memory_space<vmem>>, vector<1x16xf32>,
          %get3A_1758 = vector.shape_cast %get3A_1757 : vector<1x16xf32> to vector<16xf32>
          %add3A_1759 = arith.addf %get3A_1754, %get3A_1758 : vector<16xf32>
          %swap3A_1760 = arith.index_cast %squeeze3A_1704 : i32 to index
          %swap3A_1761 = arith.constant 48 : index
          %swap3A_1762 = tpu.vector_load %arg7[%swap3A_1760, %swap3A_1761] {strides = array<i32>} : memref<128x128xf32, #tpu.memory_space<vmem>>, vector<1x16xf32>,
          %swap3A_1763 = vector.shape_cast %swap3A_1762 : vector<1x16xf32> to vector<16xf32>
          %swap3A_1764 = vector.shape_cast %add3A_1759 : vector<16xf32> to vector<1x16xf32>
          tpu.vector_store %arg7[%swap3A_1760, %swap3A_1761], %swap3A_1764 {strides = array<i32>} : memref<128x128xf32, #tpu.memory_space<vmem>>, vector<1x16xf32>,
          %get3A_1765 = arith.index_cast %squeeze3A_1704 : i32 to index
          %get3A_1766 = arith.constant 64 : index
          %get3A_1767 = tpu.vector_load %arg7[%get3A_1765, %get3A_1766] {strides = array<i32>} : memref<128x128xf32, #tpu.memory_space<vmem>>, vector<1x16xf32>,
          %get3A_1768 = vector.shape_cast %get3A_1767 : vector<1x16xf32> to vector<16xf32>
          %get3A_1769 = arith.index_cast %add3A_1708 : i32 to index
          %get3A_1770 = arith.constant 64 : index
          %get3A_1771 = tpu.vector_load %arg6[%get3A_1769, %get3A_1770] {strides = array<i32>} : memref<256x128xf32, #tpu.memory_space<vmem>>, vector<1x16xf32>,
          %get3A_1772 = vector.shape_cast %get3A_1771 : vector<1x16xf32> to vector<16xf32>
          %add3A_1773 = arith.addf %get3A_1768, %get3A_1772 : vector<16xf32>
          %swap3A_1774 = arith.index_cast %squeeze3A_1704 : i32 to index
          %swap3A_1775 = arith.constant 64 : index
          %swap3A_1776 = tpu.vector_load %arg7[%swap3A_1774, %swap3A_1775] {strides = array<i32>} : memref<128x128xf32, #tpu.memory_space<vmem>>, vector<1x16xf32>,
          %swap3A_1777 = vector.shape_cast %swap3A_1776 : vector<1x16xf32> to vector<16xf32>
          %swap3A_1778 = vector.shape_cast %add3A_1773 : vector<16xf32> to vector<1x16xf32>
          tpu.vector_store %arg7[%swap3A_1774, %swap3A_1775], %swap3A_1778 {strides = array<i32>} : memref<128x128xf32, #tpu.memory_space<vmem>>, vector<1x16xf32>,
          %get3A_1779 = arith.index_cast %squeeze3A_1704 : i32 to index
          %get3A_1780 = arith.constant 80 : index
          %get3A_1781 = tpu.vector_load %arg7[%get3A_1779, %get3A_1780] {strides = array<i32>} : memref<128x128xf32, #tpu.memory_space<vmem>>, vector<1x16xf32>,
          %get3A_1782 = vector.shape_cast %get3A_1781 : vector<1x16xf32> to vector<16xf32>
          %get3A_1783 = arith.index_cast %add3A_1708 : i32 to index
          %get3A_1784 = arith.constant 80 : index
          %get3A_1785 = tpu.vector_load %arg6[%get3A_1783, %get3A_1784] {strides = array<i32>} : memref<256x128xf32, #tpu.memory_space<vmem>>, vector<1x16xf32>,
          %get3A_1786 = vector.shape_cast %get3A_1785 : vector<1x16xf32> to vector<16xf32>
          %add3A_1787 = arith.addf %get3A_1782, %get3A_1786 : vector<16xf32>
          %swap3A_1788 = arith.index_cast %squeeze3A_1704 : i32 to index
          %swap3A_1789 = arith.constant 80 : index
          %swap3A_1790 = tpu.vector_load %arg7[%swap3A_1788, %swap3A_1789] {strides = array<i32>} : memref<128x128xf32, #tpu.memory_space<vmem>>, vector<1x16xf32>,
          %swap3A_1791 = vector.shape_cast %swap3A_1790 : vector<1x16xf32> to vector<16xf32>
          %swap3A_1792 = vector.shape_cast %add3A_1787 : vector<16xf32> to vector<1x16xf32>
          tpu.vector_store %arg7[%swap3A_1788, %swap3A_1789], %swap3A_1792 {strides = array<i32>} : memref<128x128xf32, #tpu.memory_space<vmem>>, vector<1x16xf32>,
          %get3A_1793 = arith.index_cast %squeeze3A_1704 : i32 to index
          %get3A_1794 = arith.constant 96 : index
          %get3A_1795 = tpu.vector_load %arg7[%get3A_1793, %get3A_1794] {strides = array<i32>} : memref<128x128xf32, #tpu.memory_space<vmem>>, vector<1x16xf32>,
          %get3A_1796 = vector.shape_cast %get3A_1795 : vector<1x16xf32> to vector<16xf32>
          %get3A_1797 = arith.index_cast %add3A_1708 : i32 to index
          %get3A_1798 = arith.constant 96 : index
          %get3A_1799 = tpu.vector_load %arg6[%get3A_1797, %get3A_1798] {strides = array<i32>} : memref<256x128xf32, #tpu.memory_space<vmem>>, vector<1x16xf32>,
          %get3A_1800 = vector.shape_cast %get3A_1799 : vector<1x16xf32> to vector<16xf32>
          %add3A_1801 = arith.addf %get3A_1796, %get3A_1800 : vector<16xf32>
          %swap3A_1802 = arith.index_cast %squeeze3A_1704 : i32 to index
          %swap3A_1803 = arith.constant 96 : index
          %swap3A_1804 = tpu.vector_load %arg7[%swap3A_1802, %swap3A_1803] {strides = array<i32>} : memref<128x128xf32, #tpu.memory_space<vmem>>, vector<1x16xf32>,
          %swap3A_1805 = vector.shape_cast %swap3A_1804 : vector<1x16xf32> to vector<16xf32>
          %swap3A_1806 = vector.shape_cast %add3A_1801 : vector<16xf32> to vector<1x16xf32>
          tpu.vector_store %arg7[%swap3A_1802, %swap3A_1803], %swap3A_1806 {strides = array<i32>} : memref<128x128xf32, #tpu.memory_space<vmem>>, vector<1x16xf32>,
          %get3A_1807 = arith.index_cast %squeeze3A_1704 : i32 to index
          %get3A_1808 = arith.constant 112 : index
          %get3A_1809 = tpu.vector_load %arg7[%get3A_1807, %get3A_1808] {strides = array<i32>} : memref<128x128xf32, #tpu.memory_space<vmem>>, vector<1x16xf32>,
          %get3A_1810 = vector.shape_cast %get3A_1809 : vector<1x16xf32> to vector<16xf32>
          %get3A_1811 = arith.index_cast %add3A_1708 : i32 to index
          %get3A_1812 = arith.constant 112 : index
          %get3A_1813 = tpu.vector_load %arg6[%get3A_1811, %get3A_1812] {strides = array<i32>} : memref<256x128xf32, #tpu.memory_space<vmem>>, vector<1x16xf32>,
          %get3A_1814 = vector.shape_cast %get3A_1813 : vector<1x16xf32> to vector<16xf32>
          %add3A_1815 = arith.addf %get3A_1810, %get3A_1814 : vector<16xf32>
          %swap3A_1816 = arith.index_cast %squeeze3A_1704 : i32 to index
          %swap3A_1817 = arith.constant 112 : index
          %swap3A_1818 = tpu.vector_load %arg7[%swap3A_1816, %swap3A_1817] {strides = array<i32>} : memref<128x128xf32, #tpu.memory_space<vmem>>, vector<1x16xf32>,
          %swap3A_1819 = vector.shape_cast %swap3A_1818 : vector<1x16xf32> to vector<16xf32>
          %swap3A_1820 = vector.shape_cast %add3A_1815 : vector<16xf32> to vector<1x16xf32>
          tpu.vector_store %arg7[%swap3A_1816, %swap3A_1817], %swap3A_1820 {strides = array<i32>} : memref<128x128xf32, #tpu.memory_space<vmem>>, vector<1x16xf32>,
          %slice3A_1821 = vector.extract_strided_slice %get3A_53 {offsets = [15], sizes = [1], strides = [1]} : vector<16xi32> to vector<1xi32>
          %squeeze3A_1822 = vector.extract %slice3A_1821[0] : i32 from vector<1xi32>
          %mul3A_1823 = arith.constant 16 : i32
          %mul3A_1824 = arith.muli %scan3A_49, %mul3A_1823 : i32
          %add3A_1825 = arith.constant 15 : i32
          %add3A_1826 = arith.addi %mul3A_1824, %add3A_1825 : i32
          %get3A_1827 = arith.index_cast %squeeze3A_1822 : i32 to index
          %get3A_1828 = arith.constant 0 : index
          %get3A_1829 = tpu.vector_load %arg7[%get3A_1827, %get3A_1828] {strides = array<i32>} : memref<128x128xf32, #tpu.memory_space<vmem>>, vector<1x16xf32>,
          %get3A_1830 = vector.shape_cast %get3A_1829 : vector<1x16xf32> to vector<16xf32>
          %get3A_1831 = arith.index_cast %add3A_1826 : i32 to index
          %get3A_1832 = arith.constant 0 : index
          %get3A_1833 = tpu.vector_load %arg6[%get3A_1831, %get3A_1832] {strides = array<i32>} : memref<256x128xf32, #tpu.memory_space<vmem>>, vector<1x16xf32>,
          %get3A_1834 = vector.shape_cast %get3A_1833 : vector<1x16xf32> to vector<16xf32>
          %add3A_1835 = arith.addf %get3A_1830, %get3A_1834 : vector<16xf32>
          %swap3A_1836 = arith.index_cast %squeeze3A_1822 : i32 to index
          %swap3A_1837 = arith.constant 0 : index
          %swap3A_1838 = tpu.vector_load %arg7[%swap3A_1836, %swap3A_1837] {strides = array<i32>} : memref<128x128xf32, #tpu.memory_space<vmem>>, vector<1x16xf32>,
          %swap3A_1839 = vector.shape_cast %swap3A_1838 : vector<1x16xf32> to vector<16xf32>
          %swap3A_1840 = vector.shape_cast %add3A_1835 : vector<16xf32> to vector<1x16xf32>
          tpu.vector_store %arg7[%swap3A_1836, %swap3A_1837], %swap3A_1840 {strides = array<i32>} : memref<128x128xf32, #tpu.memory_space<vmem>>, vector<1x16xf32>,
          %get3A_1841 = arith.index_cast %squeeze3A_1822 : i32 to index
          %get3A_1842 = arith.constant 16 : index
          %get3A_1843 = tpu.vector_load %arg7[%get3A_1841, %get3A_1842] {strides = array<i32>} : memref<128x128xf32, #tpu.memory_space<vmem>>, vector<1x16xf32>,
          %get3A_1844 = vector.shape_cast %get3A_1843 : vector<1x16xf32> to vector<16xf32>
          %get3A_1845 = arith.index_cast %add3A_1826 : i32 to index
          %get3A_1846 = arith.constant 16 : index
          %get3A_1847 = tpu.vector_load %arg6[%get3A_1845, %get3A_1846] {strides = array<i32>} : memref<256x128xf32, #tpu.memory_space<vmem>>, vector<1x16xf32>,
          %get3A_1848 = vector.shape_cast %get3A_1847 : vector<1x16xf32> to vector<16xf32>
          %add3A_1849 = arith.addf %get3A_1844, %get3A_1848 : vector<16xf32>
          %swap3A_1850 = arith.index_cast %squeeze3A_1822 : i32 to index
          %swap3A_1851 = arith.constant 16 : index
          %swap3A_1852 = tpu.vector_load %arg7[%swap3A_1850, %swap3A_1851] {strides = array<i32>} : memref<128x128xf32, #tpu.memory_space<vmem>>, vector<1x16xf32>,
          %swap3A_1853 = vector.shape_cast %swap3A_1852 : vector<1x16xf32> to vector<16xf32>
          %swap3A_1854 = vector.shape_cast %add3A_1849 : vector<16xf32> to vector<1x16xf32>
          tpu.vector_store %arg7[%swap3A_1850, %swap3A_1851], %swap3A_1854 {strides = array<i32>} : memref<128x128xf32, #tpu.memory_space<vmem>>, vector<1x16xf32>,
          %get3A_1855 = arith.index_cast %squeeze3A_1822 : i32 to index
          %get3A_1856 = arith.constant 32 : index
          %get3A_1857 = tpu.vector_load %arg7[%get3A_1855, %get3A_1856] {strides = array<i32>} : memref<128x128xf32, #tpu.memory_space<vmem>>, vector<1x16xf32>,
          %get3A_1858 = vector.shape_cast %get3A_1857 : vector<1x16xf32> to vector<16xf32>
          %get3A_1859 = arith.index_cast %add3A_1826 : i32 to index
          %get3A_1860 = arith.constant 32 : index
          %get3A_1861 = tpu.vector_load %arg6[%get3A_1859, %get3A_1860] {strides = array<i32>} : memref<256x128xf32, #tpu.memory_space<vmem>>, vector<1x16xf32>,
          %get3A_1862 = vector.shape_cast %get3A_1861 : vector<1x16xf32> to vector<16xf32>
          %add3A_1863 = arith.addf %get3A_1858, %get3A_1862 : vector<16xf32>
          %swap3A_1864 = arith.index_cast %squeeze3A_1822 : i32 to index
          %swap3A_1865 = arith.constant 32 : index
          %swap3A_1866 = tpu.vector_load %arg7[%swap3A_1864, %swap3A_1865] {strides = array<i32>} : memref<128x128xf32, #tpu.memory_space<vmem>>, vector<1x16xf32>,
          %swap3A_1867 = vector.shape_cast %swap3A_1866 : vector<1x16xf32> to vector<16xf32>
          %swap3A_1868 = vector.shape_cast %add3A_1863 : vector<16xf32> to vector<1x16xf32>
          tpu.vector_store %arg7[%swap3A_1864, %swap3A_1865], %swap3A_1868 {strides = array<i32>} : memref<128x128xf32, #tpu.memory_space<vmem>>, vector<1x16xf32>,
          %get3A_1869 = arith.index_cast %squeeze3A_1822 : i32 to index
          %get3A_1870 = arith.constant 48 : index
          %get3A_1871 = tpu.vector_load %arg7[%get3A_1869, %get3A_1870] {strides = array<i32>} : memref<128x128xf32, #tpu.memory_space<vmem>>, vector<1x16xf32>,
          %get3A_1872 = vector.shape_cast %get3A_1871 : vector<1x16xf32> to vector<16xf32>
          %get3A_1873 = arith.index_cast %add3A_1826 : i32 to index
          %get3A_1874 = arith.constant 48 : index
          %get3A_1875 = tpu.vector_load %arg6[%get3A_1873, %get3A_1874] {strides = array<i32>} : memref<256x128xf32, #tpu.memory_space<vmem>>, vector<1x16xf32>,
          %get3A_1876 = vector.shape_cast %get3A_1875 : vector<1x16xf32> to vector<16xf32>
          %add3A_1877 = arith.addf %get3A_1872, %get3A_1876 : vector<16xf32>
          %swap3A_1878 = arith.index_cast %squeeze3A_1822 : i32 to index
          %swap3A_1879 = arith.constant 48 : index
          %swap3A_1880 = tpu.vector_load %arg7[%swap3A_1878, %swap3A_1879] {strides = array<i32>} : memref<128x128xf32, #tpu.memory_space<vmem>>, vector<1x16xf32>,
          %swap3A_1881 = vector.shape_cast %swap3A_1880 : vector<1x16xf32> to vector<16xf32>
          %swap3A_1882 = vector.shape_cast %add3A_1877 : vector<16xf32> to vector<1x16xf32>
          tpu.vector_store %arg7[%swap3A_1878, %swap3A_1879], %swap3A_1882 {strides = array<i32>} : memref<128x128xf32, #tpu.memory_space<vmem>>, vector<1x16xf32>,
          %get3A_1883 = arith.index_cast %squeeze3A_1822 : i32 to index
          %get3A_1884 = arith.constant 64 : index
          %get3A_1885 = tpu.vector_load %arg7[%get3A_1883, %get3A_1884] {strides = array<i32>} : memref<128x128xf32, #tpu.memory_space<vmem>>, vector<1x16xf32>,
          %get3A_1886 = vector.shape_cast %get3A_1885 : vector<1x16xf32> to vector<16xf32>
          %get3A_1887 = arith.index_cast %add3A_1826 : i32 to index
          %get3A_1888 = arith.constant 64 : index
          %get3A_1889 = tpu.vector_load %arg6[%get3A_1887, %get3A_1888] {strides = array<i32>} : memref<256x128xf32, #tpu.memory_space<vmem>>, vector<1x16xf32>,
          %get3A_1890 = vector.shape_cast %get3A_1889 : vector<1x16xf32> to vector<16xf32>
          %add3A_1891 = arith.addf %get3A_1886, %get3A_1890 : vector<16xf32>
          %swap3A_1892 = arith.index_cast %squeeze3A_1822 : i32 to index
          %swap3A_1893 = arith.constant 64 : index
          %swap3A_1894 = tpu.vector_load %arg7[%swap3A_1892, %swap3A_1893] {strides = array<i32>} : memref<128x128xf32, #tpu.memory_space<vmem>>, vector<1x16xf32>,
          %swap3A_1895 = vector.shape_cast %swap3A_1894 : vector<1x16xf32> to vector<16xf32>
          %swap3A_1896 = vector.shape_cast %add3A_1891 : vector<16xf32> to vector<1x16xf32>
          tpu.vector_store %arg7[%swap3A_1892, %swap3A_1893], %swap3A_1896 {strides = array<i32>} : memref<128x128xf32, #tpu.memory_space<vmem>>, vector<1x16xf32>,
          %get3A_1897 = arith.index_cast %squeeze3A_1822 : i32 to index
          %get3A_1898 = arith.constant 80 : index
          %get3A_1899 = tpu.vector_load %arg7[%get3A_1897, %get3A_1898] {strides = array<i32>} : memref<128x128xf32, #tpu.memory_space<vmem>>, vector<1x16xf32>,
          %get3A_1900 = vector.shape_cast %get3A_1899 : vector<1x16xf32> to vector<16xf32>
          %get3A_1901 = arith.index_cast %add3A_1826 : i32 to index
          %get3A_1902 = arith.constant 80 : index
          %get3A_1903 = tpu.vector_load %arg6[%get3A_1901, %get3A_1902] {strides = array<i32>} : memref<256x128xf32, #tpu.memory_space<vmem>>, vector<1x16xf32>,
          %get3A_1904 = vector.shape_cast %get3A_1903 : vector<1x16xf32> to vector<16xf32>
          %add3A_1905 = arith.addf %get3A_1900, %get3A_1904 : vector<16xf32>
          %swap3A_1906 = arith.index_cast %squeeze3A_1822 : i32 to index
          %swap3A_1907 = arith.constant 80 : index
          %swap3A_1908 = tpu.vector_load %arg7[%swap3A_1906, %swap3A_1907] {strides = array<i32>} : memref<128x128xf32, #tpu.memory_space<vmem>>, vector<1x16xf32>,
          %swap3A_1909 = vector.shape_cast %swap3A_1908 : vector<1x16xf32> to vector<16xf32>
          %swap3A_1910 = vector.shape_cast %add3A_1905 : vector<16xf32> to vector<1x16xf32>
          tpu.vector_store %arg7[%swap3A_1906, %swap3A_1907], %swap3A_1910 {strides = array<i32>} : memref<128x128xf32, #tpu.memory_space<vmem>>, vector<1x16xf32>,
          %get3A_1911 = arith.index_cast %squeeze3A_1822 : i32 to index
          %get3A_1912 = arith.constant 96 : index
          %get3A_1913 = tpu.vector_load %arg7[%get3A_1911, %get3A_1912] {strides = array<i32>} : memref<128x128xf32, #tpu.memory_space<vmem>>, vector<1x16xf32>,
          %get3A_1914 = vector.shape_cast %get3A_1913 : vector<1x16xf32> to vector<16xf32>
          %get3A_1915 = arith.index_cast %add3A_1826 : i32 to index
          %get3A_1916 = arith.constant 96 : index
          %get3A_1917 = tpu.vector_load %arg6[%get3A_1915, %get3A_1916] {strides = array<i32>} : memref<256x128xf32, #tpu.memory_space<vmem>>, vector<1x16xf32>,
          %get3A_1918 = vector.shape_cast %get3A_1917 : vector<1x16xf32> to vector<16xf32>
          %add3A_1919 = arith.addf %get3A_1914, %get3A_1918 : vector<16xf32>
          %swap3A_1920 = arith.index_cast %squeeze3A_1822 : i32 to index
          %swap3A_1921 = arith.constant 96 : index
          %swap3A_1922 = tpu.vector_load %arg7[%swap3A_1920, %swap3A_1921] {strides = array<i32>} : memref<128x128xf32, #tpu.memory_space<vmem>>, vector<1x16xf32>,
          %swap3A_1923 = vector.shape_cast %swap3A_1922 : vector<1x16xf32> to vector<16xf32>
          %swap3A_1924 = vector.shape_cast %add3A_1919 : vector<16xf32> to vector<1x16xf32>
          tpu.vector_store %arg7[%swap3A_1920, %swap3A_1921], %swap3A_1924 {strides = array<i32>} : memref<128x128xf32, #tpu.memory_space<vmem>>, vector<1x16xf32>,
          %get3A_1925 = arith.index_cast %squeeze3A_1822 : i32 to index
          %get3A_1926 = arith.constant 112 : index
          %get3A_1927 = tpu.vector_load %arg7[%get3A_1925, %get3A_1926] {strides = array<i32>} : memref<128x128xf32, #tpu.memory_space<vmem>>, vector<1x16xf32>,
          %get3A_1928 = vector.shape_cast %get3A_1927 : vector<1x16xf32> to vector<16xf32>
          %get3A_1929 = arith.index_cast %add3A_1826 : i32 to index
          %get3A_1930 = arith.constant 112 : index
          %get3A_1931 = tpu.vector_load %arg6[%get3A_1929, %get3A_1930] {strides = array<i32>} : memref<256x128xf32, #tpu.memory_space<vmem>>, vector<1x16xf32>,
          %get3A_1932 = vector.shape_cast %get3A_1931 : vector<1x16xf32> to vector<16xf32>
          %add3A_1933 = arith.addf %get3A_1928, %get3A_1932 : vector<16xf32>
          %swap3A_1934 = arith.index_cast %squeeze3A_1822 : i32 to index
          %swap3A_1935 = arith.constant 112 : index
          %swap3A_1936 = tpu.vector_load %arg7[%swap3A_1934, %swap3A_1935] {strides = array<i32>} : memref<128x128xf32, #tpu.memory_space<vmem>>, vector<1x16xf32>,
          %swap3A_1937 = vector.shape_cast %swap3A_1936 : vector<1x16xf32> to vector<16xf32>
          %swap3A_1938 = vector.shape_cast %add3A_1933 : vector<16xf32> to vector<1x16xf32>
          tpu.vector_store %arg7[%swap3A_1934, %swap3A_1935], %swap3A_1938 {strides = array<i32>} : memref<128x128xf32, #tpu.memory_space<vmem>>, vector<1x16xf32>,
        }
        %scan3A_48 = arith.constant 16 : i32
      }
      %scan3A_37 = arith.constant 32 : i32
      "tpu.region"() ({
        %run_scoped3A = tpu.sem_alloc : memref<!tpu.dma_semaphore, #tpu.memory_space<semaphore_mem>>
        %dma_start3A = arith.constant 0 : i32
        %dma_start3A_38 = tpu.memref_slice %arg4[%select_n3A, %dma_start3A, %multiple_of3A] : memref<2x128x1536xf32, #tpu.memory_space<hbm>> -> memref<1x128x128xf32, #tpu.memory_space<hbm>>
        %dma_start3A_39 = tpu.memref_squeeze %dma_start3A_38 : memref<1x128x128xf32, #tpu.memory_space<hbm>> -> memref<128x128xf32, #tpu.memory_space<hbm>>
        %dma_start3A_40 = arith.constant 0 : i32
        %dma_start3A_41 = tpu.memref_slice %arg4[%select_n3A, %dma_start3A_40, %multiple_of3A] : memref<2x128x1536xf32, #tpu.memory_space<hbm>> -> memref<1x128x128xf32, #tpu.memory_space<hbm>>
        %dma_start3A_42 = tpu.memref_squeeze %dma_start3A_41 : memref<1x128x128xf32, #tpu.memory_space<hbm>> -> memref<128x128xf32, #tpu.memory_space<hbm>>
        tpu.enqueue_dma source(%arg7 : memref<128x128xf32, #tpu.memory_space<vmem>>) target(%dma_start3A_42 : memref<128x128xf32, #tpu.memory_space<hbm>>) target_semaphore(%run_scoped3A : memref<!tpu.dma_semaphore, #tpu.memory_space<semaphore_mem>>)
        %dma_wait3A = arith.constant 0 : i32
        %dma_wait3A_43 = tpu.memref_slice %arg4[%select_n3A, %dma_wait3A, %multiple_of3A] : memref<2x128x1536xf32, #tpu.memory_space<hbm>> -> memref<1x128x128xf32, #tpu.memory_space<hbm>>
        %dma_wait3A_44 = tpu.memref_squeeze %dma_wait3A_43 : memref<1x128x128xf32, #tpu.memory_space<hbm>> -> memref<128x128xf32, #tpu.memory_space<hbm>>
        %dma_wait3A_45 = arith.constant 0 : i32
        %dma_wait3A_46 = tpu.memref_slice %arg4[%select_n3A, %dma_wait3A_45, %multiple_of3A] : memref<2x128x1536xf32, #tpu.memory_space<hbm>> -> memref<1x128x128xf32, #tpu.memory_space<hbm>>
        %dma_wait3A_47 = tpu.memref_squeeze %dma_wait3A_46 : memref<1x128x128xf32, #tpu.memory_space<hbm>> -> memref<128x128xf32, #tpu.memory_space<hbm>>
        tpu.wait_dma2 semaphore(%run_scoped3A : memref<!tpu.dma_semaphore, #tpu.memory_space<semaphore_mem>>) src(%arg7 : memref<128x128xf32, #tpu.memory_space<vmem>>) dst(%dma_wait3A_47 : memref<128x128xf32, #tpu.memory_space<hbm>>)
        tpu.yield
      }) : () -> ()
    } else {
    }
    return
  }
}

module attributes {stable_mosaic.version = 14 : i64} {
  func.func @_tc1_body(%arg0: i32, %arg1: i32, %arg2: memref<1x512x768xf32, #tpu.memory_space<vmem>>, %arg3: memref<768x768xbf16, #tpu.memory_space<vmem>>, %arg4: memref<768x768xf32, #tpu.memory_space<vmem>>, %arg5: memref<768x768xf32, #tpu.memory_space<vmem>>, %arg6: memref<1x768xf32, #tpu.memory_space<vmem>>, %arg7: memref<1x1xf32, #tpu.memory_space<vmem>>, %arg8: memref<1x512x768xbf16, #tpu.memory_space<vmem>>, %arg9: memref<512x1536xf32, #tpu.memory_space<vmem>>, %arg10: memref<1x1x512xi32, #tpu.memory_space<vmem>>, %arg11: memref<1x8x64xf32, #tpu.memory_space<vmem>>, %arg12: memref<64x768xf32, #tpu.memory_space<vmem>>) attributes {dimension_semantics = [#tpu.dimension_semantics<arbitrary>, #tpu.dimension_semantics<arbitrary>], iteration_bounds = array<i64: 2, 16>, scalar_prefetch = 0 : i64, scratch_operands = 1 : i64, tpu.core_type = #tpu.core_type<tc>, window_params = [{transform_indices = @transform_0, window_bounds = array<i64: 1, 512, 768>}, {pipeline_mode = #tpu.pipeline_mode<synchronous>, transform_indices = @transform_1, window_bounds = array<i64: 768, 768>}, {pipeline_mode = #tpu.pipeline_mode<synchronous>, transform_indices = @transform_2, window_bounds = array<i64: 768, 768>}, {pipeline_mode = #tpu.pipeline_mode<synchronous>, transform_indices = @transform_3, window_bounds = array<i64: 768, 768>}, {pipeline_mode = #tpu.pipeline_mode<synchronous>, transform_indices = @transform_4, window_bounds = array<i64: 1, 768>}, {pipeline_mode = #tpu.pipeline_mode<synchronous>, transform_indices = @transform_5, window_bounds = array<i64: 1, 1>}, {transform_indices = @transform_6, window_bounds = array<i64: 1, 512, 768>}, {transform_indices = @transform_7, window_bounds = array<i64: 512, 1536>}, {transform_indices = @transform_8, window_bounds = array<i64: 1, 1, 512>}, {transform_indices = @transform_9, window_bounds = array<i64: 1, 8, 64>}]} {
    %get3A = arith.constant 0 : index
    %get3A_0 = arith.constant 0 : index
    %get3A_1 = arith.constant 0 : index
    %get3A_2 = vector.load %arg2[%get3A, %get3A_0, %get3A_1] : memref<1x512x768xf32, #tpu.memory_space<vmem>>, vector<1x512x768xf32>
    %get3A_3 = vector.shape_cast %get3A_2 : vector<1x512x768xf32> to vector<512x768xf32>
    %convert_element_type3A = arith.truncf %get3A_3 : vector<512x768xf32> to vector<512x768xbf16>
    %get3A_4 = arith.constant 0 : index
    %get3A_5 = arith.constant 0 : index
    %get3A_6 = vector.load %arg3[%get3A_4, %get3A_5] : memref<768x768xbf16, #tpu.memory_space<vmem>>, vector<768x768xbf16>
    %dot_general3A = arith.constant dense<0.000000e+00> : vector<512x768xf32>
    %dot_general3A_7 = tpu.matmul %convert_element_type3A, %get3A_6, %dot_general3A {dimension_numbers = #tpu.dot_dimension_numbers<[1], [0], [0], [1], [0, 0, 1, 1], [], []>, transpose_lhs_hint = false} : vector<512x768xbf16>, vector<768x768xbf16>, vector<512x768xf32> -> vector<512x768xf32>
    %get3A_8 = arith.constant 0 : index
    %get3A_9 = arith.constant 0 : index
    %get3A_10 = vector.load %arg4[%get3A_8, %get3A_9] : memref<768x768xf32, #tpu.memory_space<vmem>>, vector<768x768xf32>
    %dot_general3A_11 = arith.constant dense<0.000000e+00> : vector<512x768xf32>
    %dot_general3A_12 = tpu.matmul %get3A_3, %get3A_10, %dot_general3A_11 {dimension_numbers = #tpu.dot_dimension_numbers<[1], [0], [0], [1], [0, 0, 1, 1], [], []>, transpose_lhs_hint = false} : vector<512x768xf32>, vector<768x768xf32>, vector<512x768xf32> -> vector<512x768xf32>
    %get3A_13 = arith.constant 0 : index
    %get3A_14 = arith.constant 0 : index
    %get3A_15 = vector.load %arg5[%get3A_13, %get3A_14] : memref<768x768xf32, #tpu.memory_space<vmem>>, vector<768x768xf32>
    %dot_general3A_16 = arith.constant dense<0.000000e+00> : vector<512x768xf32>
    %dot_general3A_17 = tpu.matmul %convert_element_type3A, %get3A_15, %dot_general3A_16 {dimension_numbers = #tpu.dot_dimension_numbers<[1], [0], [0], [1], [0, 0, 1, 1], [], []>, transpose_lhs_hint = false} : vector<512x768xbf16>, vector<768x768xf32>, vector<512x768xf32> -> vector<512x768xf32>
    %convert_element_type3A_18 = arith.truncf %dot_general3A_7 : vector<512x768xf32> to vector<512x768xbf16>
    %swap3A = arith.constant 0 : index
    %swap3A_19 = arith.constant 0 : index
    %swap3A_20 = arith.constant 0 : index
    %swap3A_21 = vector.load %arg8[%swap3A, %swap3A_19, %swap3A_20] : memref<1x512x768xbf16, #tpu.memory_space<vmem>>, vector<1x512x768xbf16>
    %swap3A_22 = vector.shape_cast %swap3A_21 : vector<1x512x768xbf16> to vector<512x768xbf16>
    %swap3A_23 = vector.shape_cast %convert_element_type3A_18 : vector<512x768xbf16> to vector<1x512x768xbf16>
    tpu.vector_store %arg8[%swap3A, %swap3A_19, %swap3A_20], %swap3A_23 {strides = array<i32>} : memref<1x512x768xbf16, #tpu.memory_space<vmem>>, vector<1x512x768xbf16>,
    %get3A_24 = arith.constant 0 : index
    %get3A_25 = arith.constant 0 : index
    %get3A_26 = vector.load %arg6[%get3A_24, %get3A_25] : memref<1x768xf32, #tpu.memory_space<vmem>>, vector<1x768xf32>
    %mul3A = vector.broadcast %get3A_26 : vector<1x768xf32> to vector<512x768xf32>
    %mul3A_27 = arith.mulf %get3A_3, %mul3A : vector<512x768xf32>
    %reduce_sum3A = arith.constant dense<0.000000e+00> : vector<512xf32>
    %reduce_sum3A_28 = vector.multi_reduction <add>, %mul3A_27, %reduce_sum3A [1] : vector<512x768xf32> to vector<512xf32>
    %broadcast_in_dim3A = vector.shape_cast %reduce_sum3A_28 : vector<512xf32> to vector<512x1xf32>
    %get3A_29 = arith.constant 0 : index
    %get3A_30 = arith.constant 0 : index
    %get3A_31 = vector.load %arg7[%get3A_29, %get3A_30] : memref<1x1xf32, #tpu.memory_space<vmem>>, vector<1x1xf32>
    %get3A_32 = vector.extract %get3A_31[0, 0] : f32 from vector<1x1xf32>
    %add3A = vector.broadcast %get3A_32 : f32 to vector<512x1xf32>
    %add3A_33 = arith.addf %broadcast_in_dim3A, %add3A : vector<512x1xf32>
    %logistic3A = arith.negf %add3A_33 : vector<512x1xf32>
    %logistic3A_34 = math.exp %logistic3A : vector<512x1xf32>
    %logistic3A_35 = arith.constant 1.000000e+00 : f32
    %logistic3A_36 = vector.broadcast %logistic3A_35 : f32 to vector<512x1xf32>
    %logistic3A_37 = arith.addf %logistic3A_36, %logistic3A_34 : vector<512x1xf32>
    %logistic3A_38 = arith.divf %logistic3A_36, %logistic3A_37 : vector<512x1xf32>
    %mul3A_39 = arith.constant 0.0244140625 : f32
    %mul3A_40 = vector.broadcast %mul3A_39 : f32 to vector<512x1xf32>
    %mul3A_41 = arith.mulf %mul3A_40, %logistic3A_38 : vector<512x1xf32>
    %mul3A_42 = arith.mulf %dot_general3A_12, %dot_general3A_12 : vector<512x768xf32>
    %reduce_sum3A_43 = arith.constant dense<0.000000e+00> : vector<512xf32>
    %reduce_sum3A_44 = vector.multi_reduction <add>, %mul3A_42, %reduce_sum3A_43 [1] : vector<512x768xf32> to vector<512xf32>
    %broadcast_in_dim3A_45 = vector.shape_cast %reduce_sum3A_44 : vector<512xf32> to vector<512x1xf32>
    %sqrt3A = math.sqrt %broadcast_in_dim3A_45 : vector<512x1xf32>
    %add3A_46 = arith.constant 9.99999997E-7 : f32
    %add3A_47 = vector.broadcast %add3A_46 : f32 to vector<512x1xf32>
    %add3A_48 = arith.addf %sqrt3A, %add3A_47 : vector<512x1xf32>
    %div3A = vector.broadcast %add3A_48 : vector<512x1xf32> to vector<512x768xf32>
    %div3A_49 = arith.divf %dot_general3A_12, %div3A : vector<512x768xf32>
    %eq3A = arith.constant 0 : i32
    %eq3A_50 = arith.cmpi eq, %arg1, %eq3A : i32
    %convert_element_type3A_51 = arith.extui %eq3A_50 : i1 to i32
    %cond3A = arith.constant 0 : i32
    %cond3A_52 = arith.cmpi ne, %convert_element_type3A_51, %cond3A : i32
    scf.if %cond3A_52 {
      %slice3A = vector.extract_strided_slice %div3A_49 {offsets = [0, 0], sizes = [64, 768], strides = [1, 1]} : vector<512x768xf32> to vector<64x768xf32>
      %swap3A_109 = arith.constant 0 : index
      %swap3A_110 = arith.constant 0 : index
      %swap3A_111 = vector.load %arg12[%swap3A_109, %swap3A_110] : memref<64x768xf32, #tpu.memory_space<vmem>>, vector<64x768xf32>
      tpu.vector_store %arg12[%swap3A_109, %swap3A_110], %slice3A {strides = array<i32>} : memref<64x768xf32, #tpu.memory_space<vmem>>, vector<64x768xf32>,
      %broadcast_in_dim3A_112 = arith.constant 0.000000e+00 : f32
      %broadcast_in_dim3A_113 = vector.broadcast %broadcast_in_dim3A_112 : f32 to vector<1x8x64xf32>
      %swap3A_114 = arith.constant 0 : index
      %swap3A_115 = arith.constant 0 : index
      %swap3A_116 = arith.constant 0 : index
      %swap3A_117 = vector.load %arg11[%swap3A_114, %swap3A_115, %swap3A_116] : memref<1x8x64xf32, #tpu.memory_space<vmem>>, vector<1x8x64xf32>
      tpu.vector_store %arg11[%swap3A_114, %swap3A_115, %swap3A_116], %broadcast_in_dim3A_113 {strides = array<i32>} : memref<1x8x64xf32, #tpu.memory_space<vmem>>, vector<1x8x64xf32>,
    } else {
    }
    %get3A_53 = arith.constant 0 : index
    %get3A_54 = arith.constant 0 : index
    %get3A_55 = vector.load %arg12[%get3A_53, %get3A_54] : memref<64x768xf32, #tpu.memory_space<vmem>>, vector<64x768xf32>
    %dot_general3A_56 = arith.constant dense<0.000000e+00> : vector<512x64xf32>
    %dot_general3A_57 = tpu.matmul %div3A_49, %get3A_55, %dot_general3A_56 {dimension_numbers = #tpu.dot_dimension_numbers<[1], [1], [0], [0], [0, 0, 1, 0], [], []>, transpose_lhs_hint = false} : vector<512x768xf32>, vector<64x768xf32>, vector<512x64xf32> -> vector<512x64xf32>
    %reduce_max3A = arith.constant dense<0xFF800000> : vector<512xf32>
    %reduce_max3A_58 = vector.multi_reduction <maximumf>, %dot_general3A_57, %reduce_max3A [1] : vector<512x64xf32> to vector<512xf32>
    %broadcast_in_dim3A_59 = vector.shape_cast %reduce_max3A_58 : vector<512xf32> to vector<512x1xf32>
    %iota3A = tpu.iota {dimensions = array<i32: 1>} : vector<512x64xi32>
    %ge3A = vector.broadcast %broadcast_in_dim3A_59 : vector<512x1xf32> to vector<512x64xf32>
    %ge3A_60 = arith.cmpf oge, %dot_general3A_57, %ge3A : vector<512x64xf32>
    %jit3A = arith.constant 64 : i32
    %broadcast_in_dim3A_61 = vector.broadcast %jit3A : i32 to vector<512x64xi32>
    %select_n3A = arith.select %ge3A_60, %iota3A, %broadcast_in_dim3A_61 : vector<512x64xi1>, vector<512x64xi32>
    %reduce_min3A = arith.constant dense<2147483647> : vector<512xi32>
    %reduce_min3A_62 = vector.multi_reduction <minsi>, %select_n3A, %reduce_min3A [1] : vector<512x64xi32> to vector<512xi32>
    %broadcast_in_dim3A_63 = vector.shape_cast %reduce_min3A_62 : vector<512xi32> to vector<512x1xi32>
    %eq3A_64 = vector.broadcast %broadcast_in_dim3A_63 : vector<512x1xi32> to vector<512x64xi32>
    %eq3A_65 = arith.cmpi eq, %iota3A, %eq3A_64 : vector<512x64xi32>
    %convert_element_type3A_66 = arith.extui %eq3A_65 : vector<512x64xi1> to vector<512x64xi32>
    %convert_element_type3A_67 = arith.sitofp %convert_element_type3A_66 : vector<512x64xi32> to vector<512x64xf32>
    %mul3A_68 = vector.broadcast %mul3A_41 : vector<512x1xf32> to vector<512x768xf32>
    %mul3A_69 = arith.mulf %dot_general3A_12, %mul3A_68 : vector<512x768xf32>
    %swap3A_70 = arith.constant 0 : index
    %swap3A_71 = arith.constant 0 : index
    %swap3A_72 = vector.load %arg9[%swap3A_70, %swap3A_71] : memref<512x1536xf32, #tpu.memory_space<vmem>>, vector<512x768xf32>
    tpu.vector_store %arg9[%swap3A_70, %swap3A_71], %mul3A_69 {strides = array<i32>} : memref<512x1536xf32, #tpu.memory_space<vmem>>, vector<512x768xf32>,
    %mul3A_73 = vector.broadcast %mul3A_41 : vector<512x1xf32> to vector<512x768xf32>
    %mul3A_74 = arith.mulf %dot_general3A_17, %mul3A_73 : vector<512x768xf32>
    %swap3A_75 = arith.constant 0 : index
    %swap3A_76 = arith.constant 768 : index
    %swap3A_77 = vector.load %arg9[%swap3A_75, %swap3A_76] : memref<512x1536xf32, #tpu.memory_space<vmem>>, vector<512x768xf32>
    tpu.vector_store %arg9[%swap3A_75, %swap3A_76], %mul3A_74 {strides = array<i32>} : memref<512x1536xf32, #tpu.memory_space<vmem>>, vector<512x768xf32>,
    %iota3A_78 = tpu.iota {dimensions = array<i32: 1>} : vector<1x64xi32>
    %convert_element_type3A_79 = arith.sitofp %iota3A_78 : vector<1x64xi32> to vector<1x64xf32>
    %dot_general3A_80 = arith.constant dense<0.000000e+00> : vector<1x512xf32>
    %dot_general3A_81 = tpu.matmul %convert_element_type3A_79, %convert_element_type3A_67, %dot_general3A_80 {dimension_numbers = #tpu.dot_dimension_numbers<[1], [1], [0], [0], [0, 0, 1, 0], [], []>, transpose_lhs_hint = false} : vector<1x64xf32>, vector<512x64xf32>, vector<1x512xf32> -> vector<1x512xf32>
    %convert_element_type3A_82 = arith.fptosi %dot_general3A_81 : vector<1x512xf32> to vector<1x512xi32>
    %mul3A_83 = arith.constant 64 : i32
    %mul3A_84 = arith.muli %arg0, %mul3A_83 : i32
    %add3A_85 = vector.broadcast %mul3A_84 : i32 to vector<1x512xi32>
    %add3A_86 = arith.addi %convert_element_type3A_82, %add3A_85 : vector<1x512xi32>
    %swap3A_87 = arith.constant 0 : index
    %swap3A_88 = arith.constant 0 : index
    %swap3A_89 = arith.constant 0 : index
    %swap3A_90 = vector.load %arg10[%swap3A_87, %swap3A_88, %swap3A_89] : memref<1x1x512xi32, #tpu.memory_space<vmem>>, vector<1x1x512xi32>
    %swap3A_91 = vector.shape_cast %swap3A_90 : vector<1x1x512xi32> to vector<1x512xi32>
    %swap3A_92 = vector.shape_cast %add3A_86 : vector<1x512xi32> to vector<1x1x512xi32>
    tpu.vector_store %arg10[%swap3A_87, %swap3A_88, %swap3A_89], %swap3A_92 {strides = array<i32>} : memref<1x1x512xi32, #tpu.memory_space<vmem>>, vector<1x1x512xi32>,
    %get3A_93 = arith.constant 0 : index
    %get3A_94 = arith.constant 0 : index
    %get3A_95 = arith.constant 0 : index
    %get3A_96 = vector.load %arg11[%get3A_93, %get3A_94, %get3A_95] : memref<1x8x64xf32, #tpu.memory_space<vmem>>, vector<1x8x64xf32>
    %mul3A_97 = vector.broadcast %mul3A_41 : vector<512x1xf32> to vector<512x64xf32>
    %mul3A_98 = arith.mulf %convert_element_type3A_67, %mul3A_97 : vector<512x64xf32>
    %reduce_sum3A_99 = arith.constant dense<0.000000e+00> : vector<64xf32>
    %reduce_sum3A_100 = vector.multi_reduction <add>, %mul3A_98, %reduce_sum3A_99 [0] : vector<512x64xf32> to vector<64xf32>
    %broadcast_in_dim3A_101 = vector.shape_cast %reduce_sum3A_100 : vector<64xf32> to vector<1x64xf32>
    %broadcast_in_dim3A_102 = vector.shape_cast %broadcast_in_dim3A_101 : vector<1x64xf32> to vector<1x1x64xf32>
    %add3A_103 = vector.broadcast %broadcast_in_dim3A_102 : vector<1x1x64xf32> to vector<1x8x64xf32>
    %add3A_104 = arith.addf %get3A_96, %add3A_103 : vector<1x8x64xf32>
    %swap3A_105 = arith.constant 0 : index
    %swap3A_106 = arith.constant 0 : index
    %swap3A_107 = arith.constant 0 : index
    %swap3A_108 = vector.load %arg11[%swap3A_105, %swap3A_106, %swap3A_107] : memref<1x8x64xf32, #tpu.memory_space<vmem>>, vector<1x8x64xf32>
    tpu.vector_store %arg11[%swap3A_105, %swap3A_106, %swap3A_107], %add3A_104 {strides = array<i32>} : memref<1x8x64xf32, #tpu.memory_space<vmem>>, vector<1x8x64xf32>,
    return
  }
  func.func @transform_0(%arg0: i32, %arg1: i32) -> (i32, i32, i32) {
    %c0_i32 = arith.constant 0 : i32
    %c0_i32_0 = arith.constant 0 : i32
    return %arg0, %arg1, %c0_i32 : i32, i32, i32
  }
  func.func @transform_1(%arg0: i32, %arg1: i32) -> (i32, i32) {
    %c0_i32 = arith.constant 0 : i32
    %c0_i32_0 = arith.constant 0 : i32
    %c0_i32_1 = arith.constant 0 : i32
    return %c0_i32, %c0_i32_0 : i32, i32
  }
  func.func @transform_2(%arg0: i32, %arg1: i32) -> (i32, i32) {
    %c0_i32 = arith.constant 0 : i32
    %c0_i32_0 = arith.constant 0 : i32
    %c0_i32_1 = arith.constant 0 : i32
    return %c0_i32, %c0_i32_0 : i32, i32
  }
  func.func @transform_3(%arg0: i32, %arg1: i32) -> (i32, i32) {
    %c0_i32 = arith.constant 0 : i32
    %c0_i32_0 = arith.constant 0 : i32
    %c0_i32_1 = arith.constant 0 : i32
    return %c0_i32, %c0_i32_0 : i32, i32
  }
  func.func @transform_4(%arg0: i32, %arg1: i32) -> (i32, i32) {
    %c0_i32 = arith.constant 0 : i32
    %c0_i32_0 = arith.constant 0 : i32
    %c0_i32_1 = arith.constant 0 : i32
    return %c0_i32, %c0_i32_0 : i32, i32
  }
  func.func @transform_5(%arg0: i32, %arg1: i32) -> (i32, i32) {
    %c0_i32 = arith.constant 0 : i32
    %c0_i32_0 = arith.constant 0 : i32
    %c0_i32_1 = arith.constant 0 : i32
    return %c0_i32, %c0_i32_0 : i32, i32
  }
  func.func @transform_6(%arg0: i32, %arg1: i32) -> (i32, i32, i32) {
    %c0_i32 = arith.constant 0 : i32
    %c0_i32_0 = arith.constant 0 : i32
    return %arg0, %arg1, %c0_i32 : i32, i32, i32
  }
  func.func @transform_7(%arg0: i32, %arg1: i32) -> (i32, i32) {
    %mul3A = arith.constant 16 : i32
    %mul3A_0 = arith.muli %arg0, %mul3A : i32
    %add3A = arith.addi %mul3A_0, %arg1 : i32
    %c0_i32 = arith.constant 0 : i32
    %c0_i32_1 = arith.constant 0 : i32
    return %add3A, %c0_i32 : i32, i32
  }
  func.func @transform_8(%arg0: i32, %arg1: i32) -> (i32, i32, i32) {
    %mul3A = arith.constant 16 : i32
    %mul3A_0 = arith.muli %arg0, %mul3A : i32
    %add3A = arith.addi %mul3A_0, %arg1 : i32
    %c0_i32 = arith.constant 0 : i32
    %c0_i32_1 = arith.constant 0 : i32
    %c0_i32_2 = arith.constant 0 : i32
    return %add3A, %c0_i32, %c0_i32_1 : i32, i32, i32
  }
  func.func @transform_9(%arg0: i32, %arg1: i32) -> (i32, i32, i32) {
    %c0_i32 = arith.constant 0 : i32
    %c0_i32_0 = arith.constant 0 : i32
    %c0_i32_1 = arith.constant 0 : i32
    return %arg0, %c0_i32, %c0_i32_0 : i32, i32, i32
  }
}

module attributes {stable_mosaic.version = 14 : i64} {
  func.func @_tc2_body(%arg0: i32, %arg1: i32, %arg2: memref<1x512x768xbf16, #tpu.memory_space<vmem>>, %arg3: memref<2x1x64x1536xf32, #tpu.memory_space<vmem>>, %arg4: memref<1x8x64xf32, #tpu.memory_space<vmem>>, %arg5: memref<768x768xbf16, #tpu.memory_space<vmem>>, %arg6: memref<1x512x768xf32, #tpu.memory_space<vmem>>, %arg7: memref<512x768xf32, #tpu.memory_space<vmem>>) attributes {dimension_semantics = [#tpu.dimension_semantics<arbitrary>, #tpu.dimension_semantics<arbitrary>], iteration_bounds = array<i64: 2, 16>, scalar_prefetch = 0 : i64, scratch_operands = 1 : i64, tpu.core_type = #tpu.core_type<tc>, window_params = [{transform_indices = @transform_0, window_bounds = array<i64: 1, 512, 768>}, {transform_indices = @transform_1, window_bounds = array<i64: 2, 1, 64, 1536>}, {transform_indices = @transform_2, window_bounds = array<i64: 1, 8, 64>}, {pipeline_mode = #tpu.pipeline_mode<synchronous>, transform_indices = @transform_3, window_bounds = array<i64: 768, 768>}, {transform_indices = @transform_4, window_bounds = array<i64: 1, 512, 768>}]} {
    %get3A = arith.constant 0 : index
    %get3A_0 = arith.constant 0 : index
    %get3A_1 = arith.constant 0 : index
    %get3A_2 = vector.load %arg4[%get3A, %get3A_0, %get3A_1] : memref<1x8x64xf32, #tpu.memory_space<vmem>>, vector<1x1x64xf32>
    %get3A_3 = vector.shape_cast %get3A_2 : vector<1x1x64xf32> to vector<1x64xf32>
    %add3A = arith.constant 9.99999997E-7 : f32
    %add3A_4 = vector.broadcast %add3A : f32 to vector<1x64xf32>
    %add3A_5 = arith.addf %get3A_3, %add3A_4 : vector<1x64xf32>
    %div3A = arith.constant 1.000000e+00 : f32
    %div3A_6 = vector.broadcast %div3A : f32 to vector<1x64xf32>
    %div3A_7 = arith.divf %div3A_6, %add3A_5 : vector<1x64xf32>
    %sqrt3A = arith.constant 6.400000e+01 : f32
    %sqrt3A_8 = math.sqrt %sqrt3A : f32
    %div3A_9 = vector.broadcast %sqrt3A_8 : f32 to vector<1x64xf32>
    %div3A_10 = arith.divf %div3A_7, %div3A_9 : vector<1x64xf32>
    %get3A_11 = arith.constant 0 : index
    %get3A_12 = arith.constant 0 : index
    %get3A_13 = arith.constant 0 : index
    %get3A_14 = arith.constant 0 : index
    %get3A_15 = vector.load %arg3[%get3A_11, %get3A_12, %get3A_13, %get3A_14] : memref<2x1x64x1536xf32, #tpu.memory_space<vmem>>, vector<1x1x64x1536xf32>
    %get3A_16 = vector.shape_cast %get3A_15 : vector<1x1x64x1536xf32> to vector<64x1536xf32>
    %get3A_17 = arith.constant 1 : index
    %get3A_18 = arith.constant 0 : index
    %get3A_19 = arith.constant 0 : index
    %get3A_20 = arith.constant 0 : index
    %get3A_21 = vector.load %arg3[%get3A_17, %get3A_18, %get3A_19, %get3A_20] : memref<2x1x64x1536xf32, #tpu.memory_space<vmem>>, vector<1x1x64x1536xf32>
    %get3A_22 = vector.shape_cast %get3A_21 : vector<1x1x64x1536xf32> to vector<64x1536xf32>
    %add3A_23 = arith.addf %get3A_16, %get3A_22 : vector<64x1536xf32>
    %get3A_24 = arith.constant 0 : index
    %get3A_25 = arith.constant 0 : index
    %get3A_26 = arith.constant 0 : index
    %get3A_27 = vector.load %arg2[%get3A_24, %get3A_25, %get3A_26] : memref<1x512x768xbf16, #tpu.memory_space<vmem>>, vector<1x512x768xbf16>
    %get3A_28 = vector.shape_cast %get3A_27 : vector<1x512x768xbf16> to vector<512x768xbf16>
    %slice3A = vector.extract_strided_slice %get3A_28 {offsets = [0, 0], sizes = [512, 64], strides = [1, 1]} : vector<512x768xbf16> to vector<512x64xbf16>
    %slice3A_29 = vector.extract_strided_slice %add3A_23 {offsets = [0, 0], sizes = [64, 64], strides = [1, 1]} : vector<64x1536xf32> to vector<64x64xf32>
    %convert_element_type3A = arith.truncf %slice3A_29 : vector<64x64xf32> to vector<64x64xbf16>
    %slice3A_30 = vector.extract_strided_slice %add3A_23 {offsets = [0, 768], sizes = [64, 64], strides = [1, 1]} : vector<64x1536xf32> to vector<64x64xf32>
    %convert_element_type3A_31 = arith.truncf %slice3A_30 : vector<64x64xf32> to vector<64x64xbf16>
    %dot_general3A = arith.constant dense<0.000000e+00> : vector<512x64xf32>
    %dot_general3A_32 = tpu.matmul %slice3A, %convert_element_type3A, %dot_general3A {dimension_numbers = #tpu.dot_dimension_numbers<[1], [1], [0], [0], [0, 0, 1, 0], [], []>, transpose_lhs_hint = false} : vector<512x64xbf16>, vector<64x64xbf16>, vector<512x64xf32> -> vector<512x64xf32>
    %mul3A = vector.broadcast %div3A_10 : vector<1x64xf32> to vector<512x64xf32>
    %mul3A_33 = arith.mulf %dot_general3A_32, %mul3A : vector<512x64xf32>
    %reduce_max3A = arith.constant dense<0xFF800000> : vector<512xf32>
    %reduce_max3A_34 = vector.multi_reduction <maximumf>, %mul3A_33, %reduce_max3A [1] : vector<512x64xf32> to vector<512xf32>
    %broadcast_in_dim3A = vector.shape_cast %reduce_max3A_34 : vector<512xf32> to vector<512x1xf32>
    %sub3A = vector.broadcast %broadcast_in_dim3A : vector<512x1xf32> to vector<512x64xf32>
    %sub3A_35 = arith.subf %mul3A_33, %sub3A : vector<512x64xf32>
    %exp3A = math.exp %sub3A_35 : vector<512x64xf32>
    %reduce_sum3A = arith.constant dense<0.000000e+00> : vector<512xf32>
    %reduce_sum3A_36 = vector.multi_reduction <add>, %exp3A, %reduce_sum3A [1] : vector<512x64xf32> to vector<512xf32>
    %broadcast_in_dim3A_37 = vector.shape_cast %reduce_sum3A_36 : vector<512xf32> to vector<512x1xf32>
    %div3A_38 = vector.broadcast %broadcast_in_dim3A_37 : vector<512x1xf32> to vector<512x64xf32>
    %div3A_39 = arith.divf %exp3A, %div3A_38 : vector<512x64xf32>
    %mul3A_40 = vector.broadcast %div3A_7 : vector<1x64xf32> to vector<512x64xf32>
    %mul3A_41 = arith.mulf %div3A_39, %mul3A_40 : vector<512x64xf32>
    %convert_element_type3A_42 = arith.truncf %mul3A_41 : vector<512x64xf32> to vector<512x64xbf16>
    %dot_general3A_43 = arith.constant dense<0.000000e+00> : vector<512x64xf32>
    %dot_general3A_44 = tpu.matmul %convert_element_type3A_42, %convert_element_type3A_31, %dot_general3A_43 {dimension_numbers = #tpu.dot_dimension_numbers<[1], [0], [0], [1], [0, 0, 1, 1], [], []>, transpose_lhs_hint = false} : vector<512x64xbf16>, vector<64x64xbf16>, vector<512x64xf32> -> vector<512x64xf32>
    %swap3A = arith.constant 0 : index
    %swap3A_45 = arith.constant 0 : index
    %swap3A_46 = vector.load %arg7[%swap3A, %swap3A_45] : memref<512x768xf32, #tpu.memory_space<vmem>>, vector<512x64xf32>
    tpu.vector_store %arg7[%swap3A, %swap3A_45], %dot_general3A_44 {strides = array<i32>} : memref<512x768xf32, #tpu.memory_space<vmem>>, vector<512x64xf32>,
    %slice3A_47 = vector.extract_strided_slice %get3A_28 {offsets = [0, 64], sizes = [512, 64], strides = [1, 1]} : vector<512x768xbf16> to vector<512x64xbf16>
    %slice3A_48 = vector.extract_strided_slice %add3A_23 {offsets = [0, 64], sizes = [64, 64], strides = [1, 1]} : vector<64x1536xf32> to vector<64x64xf32>
    %convert_element_type3A_49 = arith.truncf %slice3A_48 : vector<64x64xf32> to vector<64x64xbf16>
    %slice3A_50 = vector.extract_strided_slice %add3A_23 {offsets = [0, 832], sizes = [64, 64], strides = [1, 1]} : vector<64x1536xf32> to vector<64x64xf32>
    %convert_element_type3A_51 = arith.truncf %slice3A_50 : vector<64x64xf32> to vector<64x64xbf16>
    %dot_general3A_52 = arith.constant dense<0.000000e+00> : vector<512x64xf32>
    %dot_general3A_53 = tpu.matmul %slice3A_47, %convert_element_type3A_49, %dot_general3A_52 {dimension_numbers = #tpu.dot_dimension_numbers<[1], [1], [0], [0], [0, 0, 1, 0], [], []>, transpose_lhs_hint = false} : vector<512x64xbf16>, vector<64x64xbf16>, vector<512x64xf32> -> vector<512x64xf32>
    %mul3A_54 = vector.broadcast %div3A_10 : vector<1x64xf32> to vector<512x64xf32>
    %mul3A_55 = arith.mulf %dot_general3A_53, %mul3A_54 : vector<512x64xf32>
    %reduce_max3A_56 = arith.constant dense<0xFF800000> : vector<512xf32>
    %reduce_max3A_57 = vector.multi_reduction <maximumf>, %mul3A_55, %reduce_max3A_56 [1] : vector<512x64xf32> to vector<512xf32>
    %broadcast_in_dim3A_58 = vector.shape_cast %reduce_max3A_57 : vector<512xf32> to vector<512x1xf32>
    %sub3A_59 = vector.broadcast %broadcast_in_dim3A_58 : vector<512x1xf32> to vector<512x64xf32>
    %sub3A_60 = arith.subf %mul3A_55, %sub3A_59 : vector<512x64xf32>
    %exp3A_61 = math.exp %sub3A_60 : vector<512x64xf32>
    %reduce_sum3A_62 = arith.constant dense<0.000000e+00> : vector<512xf32>
    %reduce_sum3A_63 = vector.multi_reduction <add>, %exp3A_61, %reduce_sum3A_62 [1] : vector<512x64xf32> to vector<512xf32>
    %broadcast_in_dim3A_64 = vector.shape_cast %reduce_sum3A_63 : vector<512xf32> to vector<512x1xf32>
    %div3A_65 = vector.broadcast %broadcast_in_dim3A_64 : vector<512x1xf32> to vector<512x64xf32>
    %div3A_66 = arith.divf %exp3A_61, %div3A_65 : vector<512x64xf32>
    %mul3A_67 = vector.broadcast %div3A_7 : vector<1x64xf32> to vector<512x64xf32>
    %mul3A_68 = arith.mulf %div3A_66, %mul3A_67 : vector<512x64xf32>
    %convert_element_type3A_69 = arith.truncf %mul3A_68 : vector<512x64xf32> to vector<512x64xbf16>
    %dot_general3A_70 = arith.constant dense<0.000000e+00> : vector<512x64xf32>
    %dot_general3A_71 = tpu.matmul %convert_element_type3A_69, %convert_element_type3A_51, %dot_general3A_70 {dimension_numbers = #tpu.dot_dimension_numbers<[1], [0], [0], [1], [0, 0, 1, 1], [], []>, transpose_lhs_hint = false} : vector<512x64xbf16>, vector<64x64xbf16>, vector<512x64xf32> -> vector<512x64xf32>
    %swap3A_72 = arith.constant 0 : index
    %swap3A_73 = arith.constant 64 : index
    %swap3A_74 = vector.load %arg7[%swap3A_72, %swap3A_73] : memref<512x768xf32, #tpu.memory_space<vmem>>, vector<512x64xf32>
    tpu.vector_store %arg7[%swap3A_72, %swap3A_73], %dot_general3A_71 {strides = array<i32>} : memref<512x768xf32, #tpu.memory_space<vmem>>, vector<512x64xf32>,
    %slice3A_75 = vector.extract_strided_slice %get3A_28 {offsets = [0, 128], sizes = [512, 64], strides = [1, 1]} : vector<512x768xbf16> to vector<512x64xbf16>
    %slice3A_76 = vector.extract_strided_slice %add3A_23 {offsets = [0, 128], sizes = [64, 64], strides = [1, 1]} : vector<64x1536xf32> to vector<64x64xf32>
    %convert_element_type3A_77 = arith.truncf %slice3A_76 : vector<64x64xf32> to vector<64x64xbf16>
    %slice3A_78 = vector.extract_strided_slice %add3A_23 {offsets = [0, 896], sizes = [64, 64], strides = [1, 1]} : vector<64x1536xf32> to vector<64x64xf32>
    %convert_element_type3A_79 = arith.truncf %slice3A_78 : vector<64x64xf32> to vector<64x64xbf16>
    %dot_general3A_80 = arith.constant dense<0.000000e+00> : vector<512x64xf32>
    %dot_general3A_81 = tpu.matmul %slice3A_75, %convert_element_type3A_77, %dot_general3A_80 {dimension_numbers = #tpu.dot_dimension_numbers<[1], [1], [0], [0], [0, 0, 1, 0], [], []>, transpose_lhs_hint = false} : vector<512x64xbf16>, vector<64x64xbf16>, vector<512x64xf32> -> vector<512x64xf32>
    %mul3A_82 = vector.broadcast %div3A_10 : vector<1x64xf32> to vector<512x64xf32>
    %mul3A_83 = arith.mulf %dot_general3A_81, %mul3A_82 : vector<512x64xf32>
    %reduce_max3A_84 = arith.constant dense<0xFF800000> : vector<512xf32>
    %reduce_max3A_85 = vector.multi_reduction <maximumf>, %mul3A_83, %reduce_max3A_84 [1] : vector<512x64xf32> to vector<512xf32>
    %broadcast_in_dim3A_86 = vector.shape_cast %reduce_max3A_85 : vector<512xf32> to vector<512x1xf32>
    %sub3A_87 = vector.broadcast %broadcast_in_dim3A_86 : vector<512x1xf32> to vector<512x64xf32>
    %sub3A_88 = arith.subf %mul3A_83, %sub3A_87 : vector<512x64xf32>
    %exp3A_89 = math.exp %sub3A_88 : vector<512x64xf32>
    %reduce_sum3A_90 = arith.constant dense<0.000000e+00> : vector<512xf32>
    %reduce_sum3A_91 = vector.multi_reduction <add>, %exp3A_89, %reduce_sum3A_90 [1] : vector<512x64xf32> to vector<512xf32>
    %broadcast_in_dim3A_92 = vector.shape_cast %reduce_sum3A_91 : vector<512xf32> to vector<512x1xf32>
    %div3A_93 = vector.broadcast %broadcast_in_dim3A_92 : vector<512x1xf32> to vector<512x64xf32>
    %div3A_94 = arith.divf %exp3A_89, %div3A_93 : vector<512x64xf32>
    %mul3A_95 = vector.broadcast %div3A_7 : vector<1x64xf32> to vector<512x64xf32>
    %mul3A_96 = arith.mulf %div3A_94, %mul3A_95 : vector<512x64xf32>
    %convert_element_type3A_97 = arith.truncf %mul3A_96 : vector<512x64xf32> to vector<512x64xbf16>
    %dot_general3A_98 = arith.constant dense<0.000000e+00> : vector<512x64xf32>
    %dot_general3A_99 = tpu.matmul %convert_element_type3A_97, %convert_element_type3A_79, %dot_general3A_98 {dimension_numbers = #tpu.dot_dimension_numbers<[1], [0], [0], [1], [0, 0, 1, 1], [], []>, transpose_lhs_hint = false} : vector<512x64xbf16>, vector<64x64xbf16>, vector<512x64xf32> -> vector<512x64xf32>
    %swap3A_100 = arith.constant 0 : index
    %swap3A_101 = arith.constant 128 : index
    %swap3A_102 = vector.load %arg7[%swap3A_100, %swap3A_101] : memref<512x768xf32, #tpu.memory_space<vmem>>, vector<512x64xf32>
    tpu.vector_store %arg7[%swap3A_100, %swap3A_101], %dot_general3A_99 {strides = array<i32>} : memref<512x768xf32, #tpu.memory_space<vmem>>, vector<512x64xf32>,
    %slice3A_103 = vector.extract_strided_slice %get3A_28 {offsets = [0, 192], sizes = [512, 64], strides = [1, 1]} : vector<512x768xbf16> to vector<512x64xbf16>
    %slice3A_104 = vector.extract_strided_slice %add3A_23 {offsets = [0, 192], sizes = [64, 64], strides = [1, 1]} : vector<64x1536xf32> to vector<64x64xf32>
    %convert_element_type3A_105 = arith.truncf %slice3A_104 : vector<64x64xf32> to vector<64x64xbf16>
    %slice3A_106 = vector.extract_strided_slice %add3A_23 {offsets = [0, 960], sizes = [64, 64], strides = [1, 1]} : vector<64x1536xf32> to vector<64x64xf32>
    %convert_element_type3A_107 = arith.truncf %slice3A_106 : vector<64x64xf32> to vector<64x64xbf16>
    %dot_general3A_108 = arith.constant dense<0.000000e+00> : vector<512x64xf32>
    %dot_general3A_109 = tpu.matmul %slice3A_103, %convert_element_type3A_105, %dot_general3A_108 {dimension_numbers = #tpu.dot_dimension_numbers<[1], [1], [0], [0], [0, 0, 1, 0], [], []>, transpose_lhs_hint = false} : vector<512x64xbf16>, vector<64x64xbf16>, vector<512x64xf32> -> vector<512x64xf32>
    %mul3A_110 = vector.broadcast %div3A_10 : vector<1x64xf32> to vector<512x64xf32>
    %mul3A_111 = arith.mulf %dot_general3A_109, %mul3A_110 : vector<512x64xf32>
    %reduce_max3A_112 = arith.constant dense<0xFF800000> : vector<512xf32>
    %reduce_max3A_113 = vector.multi_reduction <maximumf>, %mul3A_111, %reduce_max3A_112 [1] : vector<512x64xf32> to vector<512xf32>
    %broadcast_in_dim3A_114 = vector.shape_cast %reduce_max3A_113 : vector<512xf32> to vector<512x1xf32>
    %sub3A_115 = vector.broadcast %broadcast_in_dim3A_114 : vector<512x1xf32> to vector<512x64xf32>
    %sub3A_116 = arith.subf %mul3A_111, %sub3A_115 : vector<512x64xf32>
    %exp3A_117 = math.exp %sub3A_116 : vector<512x64xf32>
    %reduce_sum3A_118 = arith.constant dense<0.000000e+00> : vector<512xf32>
    %reduce_sum3A_119 = vector.multi_reduction <add>, %exp3A_117, %reduce_sum3A_118 [1] : vector<512x64xf32> to vector<512xf32>
    %broadcast_in_dim3A_120 = vector.shape_cast %reduce_sum3A_119 : vector<512xf32> to vector<512x1xf32>
    %div3A_121 = vector.broadcast %broadcast_in_dim3A_120 : vector<512x1xf32> to vector<512x64xf32>
    %div3A_122 = arith.divf %exp3A_117, %div3A_121 : vector<512x64xf32>
    %mul3A_123 = vector.broadcast %div3A_7 : vector<1x64xf32> to vector<512x64xf32>
    %mul3A_124 = arith.mulf %div3A_122, %mul3A_123 : vector<512x64xf32>
    %convert_element_type3A_125 = arith.truncf %mul3A_124 : vector<512x64xf32> to vector<512x64xbf16>
    %dot_general3A_126 = arith.constant dense<0.000000e+00> : vector<512x64xf32>
    %dot_general3A_127 = tpu.matmul %convert_element_type3A_125, %convert_element_type3A_107, %dot_general3A_126 {dimension_numbers = #tpu.dot_dimension_numbers<[1], [0], [0], [1], [0, 0, 1, 1], [], []>, transpose_lhs_hint = false} : vector<512x64xbf16>, vector<64x64xbf16>, vector<512x64xf32> -> vector<512x64xf32>
    %swap3A_128 = arith.constant 0 : index
    %swap3A_129 = arith.constant 192 : index
    %swap3A_130 = vector.load %arg7[%swap3A_128, %swap3A_129] : memref<512x768xf32, #tpu.memory_space<vmem>>, vector<512x64xf32>
    tpu.vector_store %arg7[%swap3A_128, %swap3A_129], %dot_general3A_127 {strides = array<i32>} : memref<512x768xf32, #tpu.memory_space<vmem>>, vector<512x64xf32>,
    %slice3A_131 = vector.extract_strided_slice %get3A_28 {offsets = [0, 256], sizes = [512, 64], strides = [1, 1]} : vector<512x768xbf16> to vector<512x64xbf16>
    %slice3A_132 = vector.extract_strided_slice %add3A_23 {offsets = [0, 256], sizes = [64, 64], strides = [1, 1]} : vector<64x1536xf32> to vector<64x64xf32>
    %convert_element_type3A_133 = arith.truncf %slice3A_132 : vector<64x64xf32> to vector<64x64xbf16>
    %slice3A_134 = vector.extract_strided_slice %add3A_23 {offsets = [0, 1024], sizes = [64, 64], strides = [1, 1]} : vector<64x1536xf32> to vector<64x64xf32>
    %convert_element_type3A_135 = arith.truncf %slice3A_134 : vector<64x64xf32> to vector<64x64xbf16>
    %dot_general3A_136 = arith.constant dense<0.000000e+00> : vector<512x64xf32>
    %dot_general3A_137 = tpu.matmul %slice3A_131, %convert_element_type3A_133, %dot_general3A_136 {dimension_numbers = #tpu.dot_dimension_numbers<[1], [1], [0], [0], [0, 0, 1, 0], [], []>, transpose_lhs_hint = false} : vector<512x64xbf16>, vector<64x64xbf16>, vector<512x64xf32> -> vector<512x64xf32>
    %mul3A_138 = vector.broadcast %div3A_10 : vector<1x64xf32> to vector<512x64xf32>
    %mul3A_139 = arith.mulf %dot_general3A_137, %mul3A_138 : vector<512x64xf32>
    %reduce_max3A_140 = arith.constant dense<0xFF800000> : vector<512xf32>
    %reduce_max3A_141 = vector.multi_reduction <maximumf>, %mul3A_139, %reduce_max3A_140 [1] : vector<512x64xf32> to vector<512xf32>
    %broadcast_in_dim3A_142 = vector.shape_cast %reduce_max3A_141 : vector<512xf32> to vector<512x1xf32>
    %sub3A_143 = vector.broadcast %broadcast_in_dim3A_142 : vector<512x1xf32> to vector<512x64xf32>
    %sub3A_144 = arith.subf %mul3A_139, %sub3A_143 : vector<512x64xf32>
    %exp3A_145 = math.exp %sub3A_144 : vector<512x64xf32>
    %reduce_sum3A_146 = arith.constant dense<0.000000e+00> : vector<512xf32>
    %reduce_sum3A_147 = vector.multi_reduction <add>, %exp3A_145, %reduce_sum3A_146 [1] : vector<512x64xf32> to vector<512xf32>
    %broadcast_in_dim3A_148 = vector.shape_cast %reduce_sum3A_147 : vector<512xf32> to vector<512x1xf32>
    %div3A_149 = vector.broadcast %broadcast_in_dim3A_148 : vector<512x1xf32> to vector<512x64xf32>
    %div3A_150 = arith.divf %exp3A_145, %div3A_149 : vector<512x64xf32>
    %mul3A_151 = vector.broadcast %div3A_7 : vector<1x64xf32> to vector<512x64xf32>
    %mul3A_152 = arith.mulf %div3A_150, %mul3A_151 : vector<512x64xf32>
    %convert_element_type3A_153 = arith.truncf %mul3A_152 : vector<512x64xf32> to vector<512x64xbf16>
    %dot_general3A_154 = arith.constant dense<0.000000e+00> : vector<512x64xf32>
    %dot_general3A_155 = tpu.matmul %convert_element_type3A_153, %convert_element_type3A_135, %dot_general3A_154 {dimension_numbers = #tpu.dot_dimension_numbers<[1], [0], [0], [1], [0, 0, 1, 1], [], []>, transpose_lhs_hint = false} : vector<512x64xbf16>, vector<64x64xbf16>, vector<512x64xf32> -> vector<512x64xf32>
    %swap3A_156 = arith.constant 0 : index
    %swap3A_157 = arith.constant 256 : index
    %swap3A_158 = vector.load %arg7[%swap3A_156, %swap3A_157] : memref<512x768xf32, #tpu.memory_space<vmem>>, vector<512x64xf32>
    tpu.vector_store %arg7[%swap3A_156, %swap3A_157], %dot_general3A_155 {strides = array<i32>} : memref<512x768xf32, #tpu.memory_space<vmem>>, vector<512x64xf32>,
    %slice3A_159 = vector.extract_strided_slice %get3A_28 {offsets = [0, 320], sizes = [512, 64], strides = [1, 1]} : vector<512x768xbf16> to vector<512x64xbf16>
    %slice3A_160 = vector.extract_strided_slice %add3A_23 {offsets = [0, 320], sizes = [64, 64], strides = [1, 1]} : vector<64x1536xf32> to vector<64x64xf32>
    %convert_element_type3A_161 = arith.truncf %slice3A_160 : vector<64x64xf32> to vector<64x64xbf16>
    %slice3A_162 = vector.extract_strided_slice %add3A_23 {offsets = [0, 1088], sizes = [64, 64], strides = [1, 1]} : vector<64x1536xf32> to vector<64x64xf32>
    %convert_element_type3A_163 = arith.truncf %slice3A_162 : vector<64x64xf32> to vector<64x64xbf16>
    %dot_general3A_164 = arith.constant dense<0.000000e+00> : vector<512x64xf32>
    %dot_general3A_165 = tpu.matmul %slice3A_159, %convert_element_type3A_161, %dot_general3A_164 {dimension_numbers = #tpu.dot_dimension_numbers<[1], [1], [0], [0], [0, 0, 1, 0], [], []>, transpose_lhs_hint = false} : vector<512x64xbf16>, vector<64x64xbf16>, vector<512x64xf32> -> vector<512x64xf32>
    %mul3A_166 = vector.broadcast %div3A_10 : vector<1x64xf32> to vector<512x64xf32>
    %mul3A_167 = arith.mulf %dot_general3A_165, %mul3A_166 : vector<512x64xf32>
    %reduce_max3A_168 = arith.constant dense<0xFF800000> : vector<512xf32>
    %reduce_max3A_169 = vector.multi_reduction <maximumf>, %mul3A_167, %reduce_max3A_168 [1] : vector<512x64xf32> to vector<512xf32>
    %broadcast_in_dim3A_170 = vector.shape_cast %reduce_max3A_169 : vector<512xf32> to vector<512x1xf32>
    %sub3A_171 = vector.broadcast %broadcast_in_dim3A_170 : vector<512x1xf32> to vector<512x64xf32>
    %sub3A_172 = arith.subf %mul3A_167, %sub3A_171 : vector<512x64xf32>
    %exp3A_173 = math.exp %sub3A_172 : vector<512x64xf32>
    %reduce_sum3A_174 = arith.constant dense<0.000000e+00> : vector<512xf32>
    %reduce_sum3A_175 = vector.multi_reduction <add>, %exp3A_173, %reduce_sum3A_174 [1] : vector<512x64xf32> to vector<512xf32>
    %broadcast_in_dim3A_176 = vector.shape_cast %reduce_sum3A_175 : vector<512xf32> to vector<512x1xf32>
    %div3A_177 = vector.broadcast %broadcast_in_dim3A_176 : vector<512x1xf32> to vector<512x64xf32>
    %div3A_178 = arith.divf %exp3A_173, %div3A_177 : vector<512x64xf32>
    %mul3A_179 = vector.broadcast %div3A_7 : vector<1x64xf32> to vector<512x64xf32>
    %mul3A_180 = arith.mulf %div3A_178, %mul3A_179 : vector<512x64xf32>
    %convert_element_type3A_181 = arith.truncf %mul3A_180 : vector<512x64xf32> to vector<512x64xbf16>
    %dot_general3A_182 = arith.constant dense<0.000000e+00> : vector<512x64xf32>
    %dot_general3A_183 = tpu.matmul %convert_element_type3A_181, %convert_element_type3A_163, %dot_general3A_182 {dimension_numbers = #tpu.dot_dimension_numbers<[1], [0], [0], [1], [0, 0, 1, 1], [], []>, transpose_lhs_hint = false} : vector<512x64xbf16>, vector<64x64xbf16>, vector<512x64xf32> -> vector<512x64xf32>
    %swap3A_184 = arith.constant 0 : index
    %swap3A_185 = arith.constant 320 : index
    %swap3A_186 = vector.load %arg7[%swap3A_184, %swap3A_185] : memref<512x768xf32, #tpu.memory_space<vmem>>, vector<512x64xf32>
    tpu.vector_store %arg7[%swap3A_184, %swap3A_185], %dot_general3A_183 {strides = array<i32>} : memref<512x768xf32, #tpu.memory_space<vmem>>, vector<512x64xf32>,
    %slice3A_187 = vector.extract_strided_slice %get3A_28 {offsets = [0, 384], sizes = [512, 64], strides = [1, 1]} : vector<512x768xbf16> to vector<512x64xbf16>
    %slice3A_188 = vector.extract_strided_slice %add3A_23 {offsets = [0, 384], sizes = [64, 64], strides = [1, 1]} : vector<64x1536xf32> to vector<64x64xf32>
    %convert_element_type3A_189 = arith.truncf %slice3A_188 : vector<64x64xf32> to vector<64x64xbf16>
    %slice3A_190 = vector.extract_strided_slice %add3A_23 {offsets = [0, 1152], sizes = [64, 64], strides = [1, 1]} : vector<64x1536xf32> to vector<64x64xf32>
    %convert_element_type3A_191 = arith.truncf %slice3A_190 : vector<64x64xf32> to vector<64x64xbf16>
    %dot_general3A_192 = arith.constant dense<0.000000e+00> : vector<512x64xf32>
    %dot_general3A_193 = tpu.matmul %slice3A_187, %convert_element_type3A_189, %dot_general3A_192 {dimension_numbers = #tpu.dot_dimension_numbers<[1], [1], [0], [0], [0, 0, 1, 0], [], []>, transpose_lhs_hint = false} : vector<512x64xbf16>, vector<64x64xbf16>, vector<512x64xf32> -> vector<512x64xf32>
    %mul3A_194 = vector.broadcast %div3A_10 : vector<1x64xf32> to vector<512x64xf32>
    %mul3A_195 = arith.mulf %dot_general3A_193, %mul3A_194 : vector<512x64xf32>
    %reduce_max3A_196 = arith.constant dense<0xFF800000> : vector<512xf32>
    %reduce_max3A_197 = vector.multi_reduction <maximumf>, %mul3A_195, %reduce_max3A_196 [1] : vector<512x64xf32> to vector<512xf32>
    %broadcast_in_dim3A_198 = vector.shape_cast %reduce_max3A_197 : vector<512xf32> to vector<512x1xf32>
    %sub3A_199 = vector.broadcast %broadcast_in_dim3A_198 : vector<512x1xf32> to vector<512x64xf32>
    %sub3A_200 = arith.subf %mul3A_195, %sub3A_199 : vector<512x64xf32>
    %exp3A_201 = math.exp %sub3A_200 : vector<512x64xf32>
    %reduce_sum3A_202 = arith.constant dense<0.000000e+00> : vector<512xf32>
    %reduce_sum3A_203 = vector.multi_reduction <add>, %exp3A_201, %reduce_sum3A_202 [1] : vector<512x64xf32> to vector<512xf32>
    %broadcast_in_dim3A_204 = vector.shape_cast %reduce_sum3A_203 : vector<512xf32> to vector<512x1xf32>
    %div3A_205 = vector.broadcast %broadcast_in_dim3A_204 : vector<512x1xf32> to vector<512x64xf32>
    %div3A_206 = arith.divf %exp3A_201, %div3A_205 : vector<512x64xf32>
    %mul3A_207 = vector.broadcast %div3A_7 : vector<1x64xf32> to vector<512x64xf32>
    %mul3A_208 = arith.mulf %div3A_206, %mul3A_207 : vector<512x64xf32>
    %convert_element_type3A_209 = arith.truncf %mul3A_208 : vector<512x64xf32> to vector<512x64xbf16>
    %dot_general3A_210 = arith.constant dense<0.000000e+00> : vector<512x64xf32>
    %dot_general3A_211 = tpu.matmul %convert_element_type3A_209, %convert_element_type3A_191, %dot_general3A_210 {dimension_numbers = #tpu.dot_dimension_numbers<[1], [0], [0], [1], [0, 0, 1, 1], [], []>, transpose_lhs_hint = false} : vector<512x64xbf16>, vector<64x64xbf16>, vector<512x64xf32> -> vector<512x64xf32>
    %swap3A_212 = arith.constant 0 : index
    %swap3A_213 = arith.constant 384 : index
    %swap3A_214 = vector.load %arg7[%swap3A_212, %swap3A_213] : memref<512x768xf32, #tpu.memory_space<vmem>>, vector<512x64xf32>
    tpu.vector_store %arg7[%swap3A_212, %swap3A_213], %dot_general3A_211 {strides = array<i32>} : memref<512x768xf32, #tpu.memory_space<vmem>>, vector<512x64xf32>,
    %slice3A_215 = vector.extract_strided_slice %get3A_28 {offsets = [0, 448], sizes = [512, 64], strides = [1, 1]} : vector<512x768xbf16> to vector<512x64xbf16>
    %slice3A_216 = vector.extract_strided_slice %add3A_23 {offsets = [0, 448], sizes = [64, 64], strides = [1, 1]} : vector<64x1536xf32> to vector<64x64xf32>
    %convert_element_type3A_217 = arith.truncf %slice3A_216 : vector<64x64xf32> to vector<64x64xbf16>
    %slice3A_218 = vector.extract_strided_slice %add3A_23 {offsets = [0, 1216], sizes = [64, 64], strides = [1, 1]} : vector<64x1536xf32> to vector<64x64xf32>
    %convert_element_type3A_219 = arith.truncf %slice3A_218 : vector<64x64xf32> to vector<64x64xbf16>
    %dot_general3A_220 = arith.constant dense<0.000000e+00> : vector<512x64xf32>
    %dot_general3A_221 = tpu.matmul %slice3A_215, %convert_element_type3A_217, %dot_general3A_220 {dimension_numbers = #tpu.dot_dimension_numbers<[1], [1], [0], [0], [0, 0, 1, 0], [], []>, transpose_lhs_hint = false} : vector<512x64xbf16>, vector<64x64xbf16>, vector<512x64xf32> -> vector<512x64xf32>
    %mul3A_222 = vector.broadcast %div3A_10 : vector<1x64xf32> to vector<512x64xf32>
    %mul3A_223 = arith.mulf %dot_general3A_221, %mul3A_222 : vector<512x64xf32>
    %reduce_max3A_224 = arith.constant dense<0xFF800000> : vector<512xf32>
    %reduce_max3A_225 = vector.multi_reduction <maximumf>, %mul3A_223, %reduce_max3A_224 [1] : vector<512x64xf32> to vector<512xf32>
    %broadcast_in_dim3A_226 = vector.shape_cast %reduce_max3A_225 : vector<512xf32> to vector<512x1xf32>
    %sub3A_227 = vector.broadcast %broadcast_in_dim3A_226 : vector<512x1xf32> to vector<512x64xf32>
    %sub3A_228 = arith.subf %mul3A_223, %sub3A_227 : vector<512x64xf32>
    %exp3A_229 = math.exp %sub3A_228 : vector<512x64xf32>
    %reduce_sum3A_230 = arith.constant dense<0.000000e+00> : vector<512xf32>
    %reduce_sum3A_231 = vector.multi_reduction <add>, %exp3A_229, %reduce_sum3A_230 [1] : vector<512x64xf32> to vector<512xf32>
    %broadcast_in_dim3A_232 = vector.shape_cast %reduce_sum3A_231 : vector<512xf32> to vector<512x1xf32>
    %div3A_233 = vector.broadcast %broadcast_in_dim3A_232 : vector<512x1xf32> to vector<512x64xf32>
    %div3A_234 = arith.divf %exp3A_229, %div3A_233 : vector<512x64xf32>
    %mul3A_235 = vector.broadcast %div3A_7 : vector<1x64xf32> to vector<512x64xf32>
    %mul3A_236 = arith.mulf %div3A_234, %mul3A_235 : vector<512x64xf32>
    %convert_element_type3A_237 = arith.truncf %mul3A_236 : vector<512x64xf32> to vector<512x64xbf16>
    %dot_general3A_238 = arith.constant dense<0.000000e+00> : vector<512x64xf32>
    %dot_general3A_239 = tpu.matmul %convert_element_type3A_237, %convert_element_type3A_219, %dot_general3A_238 {dimension_numbers = #tpu.dot_dimension_numbers<[1], [0], [0], [1], [0, 0, 1, 1], [], []>, transpose_lhs_hint = false} : vector<512x64xbf16>, vector<64x64xbf16>, vector<512x64xf32> -> vector<512x64xf32>
    %swap3A_240 = arith.constant 0 : index
    %swap3A_241 = arith.constant 448 : index
    %swap3A_242 = vector.load %arg7[%swap3A_240, %swap3A_241] : memref<512x768xf32, #tpu.memory_space<vmem>>, vector<512x64xf32>
    tpu.vector_store %arg7[%swap3A_240, %swap3A_241], %dot_general3A_239 {strides = array<i32>} : memref<512x768xf32, #tpu.memory_space<vmem>>, vector<512x64xf32>,
    %slice3A_243 = vector.extract_strided_slice %get3A_28 {offsets = [0, 512], sizes = [512, 64], strides = [1, 1]} : vector<512x768xbf16> to vector<512x64xbf16>
    %slice3A_244 = vector.extract_strided_slice %add3A_23 {offsets = [0, 512], sizes = [64, 64], strides = [1, 1]} : vector<64x1536xf32> to vector<64x64xf32>
    %convert_element_type3A_245 = arith.truncf %slice3A_244 : vector<64x64xf32> to vector<64x64xbf16>
    %slice3A_246 = vector.extract_strided_slice %add3A_23 {offsets = [0, 1280], sizes = [64, 64], strides = [1, 1]} : vector<64x1536xf32> to vector<64x64xf32>
    %convert_element_type3A_247 = arith.truncf %slice3A_246 : vector<64x64xf32> to vector<64x64xbf16>
    %dot_general3A_248 = arith.constant dense<0.000000e+00> : vector<512x64xf32>
    %dot_general3A_249 = tpu.matmul %slice3A_243, %convert_element_type3A_245, %dot_general3A_248 {dimension_numbers = #tpu.dot_dimension_numbers<[1], [1], [0], [0], [0, 0, 1, 0], [], []>, transpose_lhs_hint = false} : vector<512x64xbf16>, vector<64x64xbf16>, vector<512x64xf32> -> vector<512x64xf32>
    %mul3A_250 = vector.broadcast %div3A_10 : vector<1x64xf32> to vector<512x64xf32>
    %mul3A_251 = arith.mulf %dot_general3A_249, %mul3A_250 : vector<512x64xf32>
    %reduce_max3A_252 = arith.constant dense<0xFF800000> : vector<512xf32>
    %reduce_max3A_253 = vector.multi_reduction <maximumf>, %mul3A_251, %reduce_max3A_252 [1] : vector<512x64xf32> to vector<512xf32>
    %broadcast_in_dim3A_254 = vector.shape_cast %reduce_max3A_253 : vector<512xf32> to vector<512x1xf32>
    %sub3A_255 = vector.broadcast %broadcast_in_dim3A_254 : vector<512x1xf32> to vector<512x64xf32>
    %sub3A_256 = arith.subf %mul3A_251, %sub3A_255 : vector<512x64xf32>
    %exp3A_257 = math.exp %sub3A_256 : vector<512x64xf32>
    %reduce_sum3A_258 = arith.constant dense<0.000000e+00> : vector<512xf32>
    %reduce_sum3A_259 = vector.multi_reduction <add>, %exp3A_257, %reduce_sum3A_258 [1] : vector<512x64xf32> to vector<512xf32>
    %broadcast_in_dim3A_260 = vector.shape_cast %reduce_sum3A_259 : vector<512xf32> to vector<512x1xf32>
    %div3A_261 = vector.broadcast %broadcast_in_dim3A_260 : vector<512x1xf32> to vector<512x64xf32>
    %div3A_262 = arith.divf %exp3A_257, %div3A_261 : vector<512x64xf32>
    %mul3A_263 = vector.broadcast %div3A_7 : vector<1x64xf32> to vector<512x64xf32>
    %mul3A_264 = arith.mulf %div3A_262, %mul3A_263 : vector<512x64xf32>
    %convert_element_type3A_265 = arith.truncf %mul3A_264 : vector<512x64xf32> to vector<512x64xbf16>
    %dot_general3A_266 = arith.constant dense<0.000000e+00> : vector<512x64xf32>
    %dot_general3A_267 = tpu.matmul %convert_element_type3A_265, %convert_element_type3A_247, %dot_general3A_266 {dimension_numbers = #tpu.dot_dimension_numbers<[1], [0], [0], [1], [0, 0, 1, 1], [], []>, transpose_lhs_hint = false} : vector<512x64xbf16>, vector<64x64xbf16>, vector<512x64xf32> -> vector<512x64xf32>
    %swap3A_268 = arith.constant 0 : index
    %swap3A_269 = arith.constant 512 : index
    %swap3A_270 = vector.load %arg7[%swap3A_268, %swap3A_269] : memref<512x768xf32, #tpu.memory_space<vmem>>, vector<512x64xf32>
    tpu.vector_store %arg7[%swap3A_268, %swap3A_269], %dot_general3A_267 {strides = array<i32>} : memref<512x768xf32, #tpu.memory_space<vmem>>, vector<512x64xf32>,
    %slice3A_271 = vector.extract_strided_slice %get3A_28 {offsets = [0, 576], sizes = [512, 64], strides = [1, 1]} : vector<512x768xbf16> to vector<512x64xbf16>
    %slice3A_272 = vector.extract_strided_slice %add3A_23 {offsets = [0, 576], sizes = [64, 64], strides = [1, 1]} : vector<64x1536xf32> to vector<64x64xf32>
    %convert_element_type3A_273 = arith.truncf %slice3A_272 : vector<64x64xf32> to vector<64x64xbf16>
    %slice3A_274 = vector.extract_strided_slice %add3A_23 {offsets = [0, 1344], sizes = [64, 64], strides = [1, 1]} : vector<64x1536xf32> to vector<64x64xf32>
    %convert_element_type3A_275 = arith.truncf %slice3A_274 : vector<64x64xf32> to vector<64x64xbf16>
    %dot_general3A_276 = arith.constant dense<0.000000e+00> : vector<512x64xf32>
    %dot_general3A_277 = tpu.matmul %slice3A_271, %convert_element_type3A_273, %dot_general3A_276 {dimension_numbers = #tpu.dot_dimension_numbers<[1], [1], [0], [0], [0, 0, 1, 0], [], []>, transpose_lhs_hint = false} : vector<512x64xbf16>, vector<64x64xbf16>, vector<512x64xf32> -> vector<512x64xf32>
    %mul3A_278 = vector.broadcast %div3A_10 : vector<1x64xf32> to vector<512x64xf32>
    %mul3A_279 = arith.mulf %dot_general3A_277, %mul3A_278 : vector<512x64xf32>
    %reduce_max3A_280 = arith.constant dense<0xFF800000> : vector<512xf32>
    %reduce_max3A_281 = vector.multi_reduction <maximumf>, %mul3A_279, %reduce_max3A_280 [1] : vector<512x64xf32> to vector<512xf32>
    %broadcast_in_dim3A_282 = vector.shape_cast %reduce_max3A_281 : vector<512xf32> to vector<512x1xf32>
    %sub3A_283 = vector.broadcast %broadcast_in_dim3A_282 : vector<512x1xf32> to vector<512x64xf32>
    %sub3A_284 = arith.subf %mul3A_279, %sub3A_283 : vector<512x64xf32>
    %exp3A_285 = math.exp %sub3A_284 : vector<512x64xf32>
    %reduce_sum3A_286 = arith.constant dense<0.000000e+00> : vector<512xf32>
    %reduce_sum3A_287 = vector.multi_reduction <add>, %exp3A_285, %reduce_sum3A_286 [1] : vector<512x64xf32> to vector<512xf32>
    %broadcast_in_dim3A_288 = vector.shape_cast %reduce_sum3A_287 : vector<512xf32> to vector<512x1xf32>
    %div3A_289 = vector.broadcast %broadcast_in_dim3A_288 : vector<512x1xf32> to vector<512x64xf32>
    %div3A_290 = arith.divf %exp3A_285, %div3A_289 : vector<512x64xf32>
    %mul3A_291 = vector.broadcast %div3A_7 : vector<1x64xf32> to vector<512x64xf32>
    %mul3A_292 = arith.mulf %div3A_290, %mul3A_291 : vector<512x64xf32>
    %convert_element_type3A_293 = arith.truncf %mul3A_292 : vector<512x64xf32> to vector<512x64xbf16>
    %dot_general3A_294 = arith.constant dense<0.000000e+00> : vector<512x64xf32>
    %dot_general3A_295 = tpu.matmul %convert_element_type3A_293, %convert_element_type3A_275, %dot_general3A_294 {dimension_numbers = #tpu.dot_dimension_numbers<[1], [0], [0], [1], [0, 0, 1, 1], [], []>, transpose_lhs_hint = false} : vector<512x64xbf16>, vector<64x64xbf16>, vector<512x64xf32> -> vector<512x64xf32>
    %swap3A_296 = arith.constant 0 : index
    %swap3A_297 = arith.constant 576 : index
    %swap3A_298 = vector.load %arg7[%swap3A_296, %swap3A_297] : memref<512x768xf32, #tpu.memory_space<vmem>>, vector<512x64xf32>
    tpu.vector_store %arg7[%swap3A_296, %swap3A_297], %dot_general3A_295 {strides = array<i32>} : memref<512x768xf32, #tpu.memory_space<vmem>>, vector<512x64xf32>,
    %slice3A_299 = vector.extract_strided_slice %get3A_28 {offsets = [0, 640], sizes = [512, 64], strides = [1, 1]} : vector<512x768xbf16> to vector<512x64xbf16>
    %slice3A_300 = vector.extract_strided_slice %add3A_23 {offsets = [0, 640], sizes = [64, 64], strides = [1, 1]} : vector<64x1536xf32> to vector<64x64xf32>
    %convert_element_type3A_301 = arith.truncf %slice3A_300 : vector<64x64xf32> to vector<64x64xbf16>
    %slice3A_302 = vector.extract_strided_slice %add3A_23 {offsets = [0, 1408], sizes = [64, 64], strides = [1, 1]} : vector<64x1536xf32> to vector<64x64xf32>
    %convert_element_type3A_303 = arith.truncf %slice3A_302 : vector<64x64xf32> to vector<64x64xbf16>
    %dot_general3A_304 = arith.constant dense<0.000000e+00> : vector<512x64xf32>
    %dot_general3A_305 = tpu.matmul %slice3A_299, %convert_element_type3A_301, %dot_general3A_304 {dimension_numbers = #tpu.dot_dimension_numbers<[1], [1], [0], [0], [0, 0, 1, 0], [], []>, transpose_lhs_hint = false} : vector<512x64xbf16>, vector<64x64xbf16>, vector<512x64xf32> -> vector<512x64xf32>
    %mul3A_306 = vector.broadcast %div3A_10 : vector<1x64xf32> to vector<512x64xf32>
    %mul3A_307 = arith.mulf %dot_general3A_305, %mul3A_306 : vector<512x64xf32>
    %reduce_max3A_308 = arith.constant dense<0xFF800000> : vector<512xf32>
    %reduce_max3A_309 = vector.multi_reduction <maximumf>, %mul3A_307, %reduce_max3A_308 [1] : vector<512x64xf32> to vector<512xf32>
    %broadcast_in_dim3A_310 = vector.shape_cast %reduce_max3A_309 : vector<512xf32> to vector<512x1xf32>
    %sub3A_311 = vector.broadcast %broadcast_in_dim3A_310 : vector<512x1xf32> to vector<512x64xf32>
    %sub3A_312 = arith.subf %mul3A_307, %sub3A_311 : vector<512x64xf32>
    %exp3A_313 = math.exp %sub3A_312 : vector<512x64xf32>
    %reduce_sum3A_314 = arith.constant dense<0.000000e+00> : vector<512xf32>
    %reduce_sum3A_315 = vector.multi_reduction <add>, %exp3A_313, %reduce_sum3A_314 [1] : vector<512x64xf32> to vector<512xf32>
    %broadcast_in_dim3A_316 = vector.shape_cast %reduce_sum3A_315 : vector<512xf32> to vector<512x1xf32>
    %div3A_317 = vector.broadcast %broadcast_in_dim3A_316 : vector<512x1xf32> to vector<512x64xf32>
    %div3A_318 = arith.divf %exp3A_313, %div3A_317 : vector<512x64xf32>
    %mul3A_319 = vector.broadcast %div3A_7 : vector<1x64xf32> to vector<512x64xf32>
    %mul3A_320 = arith.mulf %div3A_318, %mul3A_319 : vector<512x64xf32>
    %convert_element_type3A_321 = arith.truncf %mul3A_320 : vector<512x64xf32> to vector<512x64xbf16>
    %dot_general3A_322 = arith.constant dense<0.000000e+00> : vector<512x64xf32>
    %dot_general3A_323 = tpu.matmul %convert_element_type3A_321, %convert_element_type3A_303, %dot_general3A_322 {dimension_numbers = #tpu.dot_dimension_numbers<[1], [0], [0], [1], [0, 0, 1, 1], [], []>, transpose_lhs_hint = false} : vector<512x64xbf16>, vector<64x64xbf16>, vector<512x64xf32> -> vector<512x64xf32>
    %swap3A_324 = arith.constant 0 : index
    %swap3A_325 = arith.constant 640 : index
    %swap3A_326 = vector.load %arg7[%swap3A_324, %swap3A_325] : memref<512x768xf32, #tpu.memory_space<vmem>>, vector<512x64xf32>
    tpu.vector_store %arg7[%swap3A_324, %swap3A_325], %dot_general3A_323 {strides = array<i32>} : memref<512x768xf32, #tpu.memory_space<vmem>>, vector<512x64xf32>,
    %slice3A_327 = vector.extract_strided_slice %get3A_28 {offsets = [0, 704], sizes = [512, 64], strides = [1, 1]} : vector<512x768xbf16> to vector<512x64xbf16>
    %slice3A_328 = vector.extract_strided_slice %add3A_23 {offsets = [0, 704], sizes = [64, 64], strides = [1, 1]} : vector<64x1536xf32> to vector<64x64xf32>
    %convert_element_type3A_329 = arith.truncf %slice3A_328 : vector<64x64xf32> to vector<64x64xbf16>
    %slice3A_330 = vector.extract_strided_slice %add3A_23 {offsets = [0, 1472], sizes = [64, 64], strides = [1, 1]} : vector<64x1536xf32> to vector<64x64xf32>
    %convert_element_type3A_331 = arith.truncf %slice3A_330 : vector<64x64xf32> to vector<64x64xbf16>
    %dot_general3A_332 = arith.constant dense<0.000000e+00> : vector<512x64xf32>
    %dot_general3A_333 = tpu.matmul %slice3A_327, %convert_element_type3A_329, %dot_general3A_332 {dimension_numbers = #tpu.dot_dimension_numbers<[1], [1], [0], [0], [0, 0, 1, 0], [], []>, transpose_lhs_hint = false} : vector<512x64xbf16>, vector<64x64xbf16>, vector<512x64xf32> -> vector<512x64xf32>
    %mul3A_334 = vector.broadcast %div3A_10 : vector<1x64xf32> to vector<512x64xf32>
    %mul3A_335 = arith.mulf %dot_general3A_333, %mul3A_334 : vector<512x64xf32>
    %reduce_max3A_336 = arith.constant dense<0xFF800000> : vector<512xf32>
    %reduce_max3A_337 = vector.multi_reduction <maximumf>, %mul3A_335, %reduce_max3A_336 [1] : vector<512x64xf32> to vector<512xf32>
    %broadcast_in_dim3A_338 = vector.shape_cast %reduce_max3A_337 : vector<512xf32> to vector<512x1xf32>
    %sub3A_339 = vector.broadcast %broadcast_in_dim3A_338 : vector<512x1xf32> to vector<512x64xf32>
    %sub3A_340 = arith.subf %mul3A_335, %sub3A_339 : vector<512x64xf32>
    %exp3A_341 = math.exp %sub3A_340 : vector<512x64xf32>
    %reduce_sum3A_342 = arith.constant dense<0.000000e+00> : vector<512xf32>
    %reduce_sum3A_343 = vector.multi_reduction <add>, %exp3A_341, %reduce_sum3A_342 [1] : vector<512x64xf32> to vector<512xf32>
    %broadcast_in_dim3A_344 = vector.shape_cast %reduce_sum3A_343 : vector<512xf32> to vector<512x1xf32>
    %div3A_345 = vector.broadcast %broadcast_in_dim3A_344 : vector<512x1xf32> to vector<512x64xf32>
    %div3A_346 = arith.divf %exp3A_341, %div3A_345 : vector<512x64xf32>
    %mul3A_347 = vector.broadcast %div3A_7 : vector<1x64xf32> to vector<512x64xf32>
    %mul3A_348 = arith.mulf %div3A_346, %mul3A_347 : vector<512x64xf32>
    %convert_element_type3A_349 = arith.truncf %mul3A_348 : vector<512x64xf32> to vector<512x64xbf16>
    %dot_general3A_350 = arith.constant dense<0.000000e+00> : vector<512x64xf32>
    %dot_general3A_351 = tpu.matmul %convert_element_type3A_349, %convert_element_type3A_331, %dot_general3A_350 {dimension_numbers = #tpu.dot_dimension_numbers<[1], [0], [0], [1], [0, 0, 1, 1], [], []>, transpose_lhs_hint = false} : vector<512x64xbf16>, vector<64x64xbf16>, vector<512x64xf32> -> vector<512x64xf32>
    %swap3A_352 = arith.constant 0 : index
    %swap3A_353 = arith.constant 704 : index
    %swap3A_354 = vector.load %arg7[%swap3A_352, %swap3A_353] : memref<512x768xf32, #tpu.memory_space<vmem>>, vector<512x64xf32>
    tpu.vector_store %arg7[%swap3A_352, %swap3A_353], %dot_general3A_351 {strides = array<i32>} : memref<512x768xf32, #tpu.memory_space<vmem>>, vector<512x64xf32>,
    %get3A_355 = arith.constant 0 : index
    %get3A_356 = arith.constant 0 : index
    %get3A_357 = vector.load %arg7[%get3A_355, %get3A_356] : memref<512x768xf32, #tpu.memory_space<vmem>>, vector<512x768xf32>
    %convert_element_type3A_358 = arith.truncf %get3A_357 : vector<512x768xf32> to vector<512x768xbf16>
    %get3A_359 = arith.constant 0 : index
    %get3A_360 = arith.constant 0 : index
    %get3A_361 = vector.load %arg5[%get3A_359, %get3A_360] : memref<768x768xbf16, #tpu.memory_space<vmem>>, vector<768x768xbf16>
    %dot_general3A_362 = arith.constant dense<0.000000e+00> : vector<512x768xf32>
    %dot_general3A_363 = tpu.matmul %convert_element_type3A_358, %get3A_361, %dot_general3A_362 {dimension_numbers = #tpu.dot_dimension_numbers<[1], [0], [0], [1], [0, 0, 1, 1], [], []>, transpose_lhs_hint = false} : vector<512x768xbf16>, vector<768x768xbf16>, vector<512x768xf32> -> vector<512x768xf32>
    %swap3A_364 = arith.constant 0 : index
    %swap3A_365 = arith.constant 0 : index
    %swap3A_366 = arith.constant 0 : index
    %swap3A_367 = vector.load %arg6[%swap3A_364, %swap3A_365, %swap3A_366] : memref<1x512x768xf32, #tpu.memory_space<vmem>>, vector<1x512x768xf32>
    %swap3A_368 = vector.shape_cast %swap3A_367 : vector<1x512x768xf32> to vector<512x768xf32>
    %swap3A_369 = vector.shape_cast %dot_general3A_363 : vector<512x768xf32> to vector<1x512x768xf32>
    tpu.vector_store %arg6[%swap3A_364, %swap3A_365, %swap3A_366], %swap3A_369 {strides = array<i32>} : memref<1x512x768xf32, #tpu.memory_space<vmem>>, vector<1x512x768xf32>,
    return
  }
  func.func @transform_0(%arg0: i32, %arg1: i32) -> (i32, i32, i32) {
    %c0_i32 = arith.constant 0 : i32
    %c0_i32_0 = arith.constant 0 : i32
    return %arg0, %arg1, %c0_i32 : i32, i32, i32
  }
  func.func @transform_1(%arg0: i32, %arg1: i32) -> (i32, i32, i32, i32) {
    %c0_i32 = arith.constant 0 : i32
    %c0_i32_0 = arith.constant 0 : i32
    %c0_i32_1 = arith.constant 0 : i32
    %c0_i32_2 = arith.constant 0 : i32
    return %c0_i32, %arg0, %c0_i32_0, %c0_i32_1 : i32, i32, i32, i32
  }
  func.func @transform_2(%arg0: i32, %arg1: i32) -> (i32, i32, i32) {
    %c0_i32 = arith.constant 0 : i32
    %c0_i32_0 = arith.constant 0 : i32
    %c0_i32_1 = arith.constant 0 : i32
    return %arg0, %c0_i32, %c0_i32_0 : i32, i32, i32
  }
  func.func @transform_3(%arg0: i32, %arg1: i32) -> (i32, i32) {
    %c0_i32 = arith.constant 0 : i32
    %c0_i32_0 = arith.constant 0 : i32
    %c0_i32_1 = arith.constant 0 : i32
    return %c0_i32, %c0_i32_0 : i32, i32
  }
  func.func @transform_4(%arg0: i32, %arg1: i32) -> (i32, i32, i32) {
    %c0_i32 = arith.constant 0 : i32
    %c0_i32_0 = arith.constant 0 : i32
    return %arg0, %arg1, %c0_i32 : i32, i32, i32
  }
}

</mosaic_0001>

<sc_bundles>
// kernel: kernel.5.cloned.1.call-start
scs
__scs_entry_jumppad:
0x0: {  	(pc) =	sbr.rel $0x88, $3  }
0x1: {  	(tag) =	ssettag $0x0;
	lr =	simm.s32 $0x1  }
0x2: {  	[smem:$0x3F9A] =	sst lr;
	_ =	strace $0xD0000000  }
0x3: {  	_ = 	snop  }
0x4: {  	_ = 	snop  }
0x5: {  	_ = 	snop  }
0x6: {  	_ = 	snop  }
0x7: {  	_ = 	snop  }
__scs_overlays_trampoline_lowered:
0x8: {  	[smem:$0x3FA9] =	sst s0  }
0x9: {  	[smem:$0x3FAA] =	sst s1  }
0xa: {  	[smem:$0x3FAB] =	sst s2  }
0xb: {  	[smem:$0x3FAC] =	sst s3  }
0xc: {  	[smem:$0x3FAD] =	sst s4  }
0xd: {  	[smem:$0x3FAE] =	sst s5  }
0xe: {  	[smem:$0x3FAF] =	sst s6  }
0xf: {  	[smem:$0x3FB0] =	sst s7  }
0x10: {  	[smem:$0x3FB1] =	sst s8  }
0x11: {  	[smem:$0x3FB2] =	sst s9;
	s0 =	simm.s32 @!p0 $0x0  }
0x12: {  	s1 =	sld [smem:$0x3F98];
	s0 =	simm.s32 @p0 $0x1  }
0x13: {  	[smem:$0x3FB3] =	sst s0;
	s0 =	simm.s32 @!p1 $0x0  }
0x14: {  	s2 =	sld [smem:$0x3F97];
	s0 =	simm.s32 @p1 $0x1  }
0x15: {  	[smem:$0x3FB4] =	sst s0;
	s0 =	simm.s32 @!p2 $0x0  }
0x16: {  	s3 =	sld [smem:$0x3FDB];
	s0 =	simm.s32 @p2 $0x1  }
0x17: {  	s4 =	simm.s32 $0x1BF5;
	[smem:$0x3FB6] =	sst s0  }
0x18: {  	s0 =	sld [smem:$0x3F99];
	_ =	swait.ge [sflag:s4], $0x0  }
0x19: {  	s7 =	sld [smem:$0x3F9A]  }
0x1a: {  	s8 =	sadd.s32 $0xFFFFE003, lr  }
0x1b: {  	s9 =	sadd.s32 $0xFFFFFEF7, lr;
	s5 =	simm.s32 $0xFFFFFFFF;
	p2 =	slt.u32 s8, $0xFFFFF086  }
0x1c: {  	p1 =	slt.u32 s9, $0xF7A;
	s5 =	simm.s32 @!p2 $0x0  }
0x1d: {  	s5 =	simm.s32 @p1 $0x1;
	p0 =	seq.s32 s7, s2  }
0x1e: {  	s7 =	smul.u32 @!p0 $0xF7A, s2;
	p2 =	seq.s32 @!p0 s5, $0x0  }
0x1f: {  	s9 =	smul.u32 $0xF7A, s1;
	s8 =	simm.s32 @!p0 $0x1BF5;
	p2 =	por !p2, p0  }
0x20: {  	[sflag:s8] =	ssyncset.s32 @!p0 $0xFFFFF086;
	s6 =	sadd.s32 @!p0 s3, s7;
	s7 =	simm.s32 @!p0 $0x108  }
0x21: {  	s3 =	sadd.s32 s3, s9;
	s6 =	sadd.s32 @!p0 $0x88, s6;
	s7 =	simm.s32 @p2 $0x1082  }
0x22: {  	[simem:s7], [sflag:s8] =	dma.local @!p0 [hbm:s6], $0xF7A  }
0x23: {  	s9 =	sor.u32 $0xD0000000, s2;
	s6 =	simm.s32 $0x108;
	_ =	swait.ge @!p0 [sflag:s8], $0x0  }
0x24: {  	s3 =	sadd.s32 $0x88, s3;
	s6 =	simm.s32 @!p1 $0x1082;
	[sflag:s4] =	ssyncset.s32 $0xFFFFF086  }
0x25: {  	[simem:s6], [sflag:s4] =	dma.local [hbm:s3], $0xF7A  }
0x26: {  	[smem:$0x3F9A] =	sst s1;
	(tag) =	ssettag s2;
	_ =	strace s9  }
0x27: {  	s1 =	sld [smem:$0x3FAA]  }
0x28: {  	s2 =	sld [smem:$0x3FAB]  }
0x29: {  	s4 =	sld [smem:$0x3FAD]  }
0x2a: {  	p0 =	seq.s32 s5, $0x0;
	s5 =	sld [smem:$0x3FAE]  }
0x2b: {  	s6 =	sld [smem:$0x3FAF]  }
0x2c: {  	s7 =	sld [smem:$0x3FB0]  }
0x2d: {  	s3 =	simm.s32 $0x108;
	s8 =	sld [smem:$0x3FB1]  }
0x2e: {  	s3 =	simm.s32 @!p0 $0x1082;
	s9 =	sld [smem:$0x3FB2]  }
0x2f: {  	lr =	sadd.s32 s0, s3;
	s0 =	sld [smem:$0x3FA9]  }
0x30: {  	s3 =	sld [smem:$0x3FAC]  }
0x31: {  	[smem:$0x3FB5] =	sst s10  }
0x32: {  	s10 =	sld [smem:$0x3FB3];
	_ =	sdelay $0x3  }
0x33: {  	p0 =	seq.s32 s10, $0x1;
	s10 =	sld [smem:$0x3FB5];
	_ =	sdelay $0x3  }
0x34: {  	[smem:$0x3FB5] =	sst s10  }
0x35: {  	s10 =	sld [smem:$0x3FB4];
	_ =	sdelay $0x3  }
0x36: {  	p1 =	seq.s32 s10, $0x1;
	s10 =	sld [smem:$0x3FB5];
	_ =	sdelay $0x3  }
0x37: {  	[smem:$0x3FB5] =	sst s10  }
0x38: {  	s10 =	sld [smem:$0x3FB6]  }
0x39: {  	_ = 	snop;
	(pc) =	sbr.ind lr, $3  }
0x3a: {  	_ = 	snop  }
0x3b: {  	_ = 	snop  }
0x3c: {  	p2 =	seq.s32 s10, $0x1;
	s10 =	sld [smem:$0x3FB5]  }
0x3d: {  	_ =	shalt  }
0x3e: {  	_ =	shalt  }
0x3f: {  	_ =	shalt  }
0x40: {  	_ =	shalt  }
0x41: {  	_ =	shalt  }
0x42: {  	_ =	shalt  }
0x43: {  	_ =	shalt  }
0x44: {  	_ =	shalt  }
0x45: {  	_ =	shalt  }
0x46: {  	_ =	shalt  }
0x47: {  	_ =	shalt  }
0x48: {  	_ =	shalt  }
0x49: {  	_ =	shalt  }
0x4a: {  	_ =	shalt  }
0x4b: {  	_ =	shalt  }
0x4c: {  	_ =	shalt  }
0x4d: {  	_ =	shalt  }
0x4e: {  	_ =	shalt  }
0x4f: {  	_ =	shalt  }
0x50: {  	_ =	shalt  }
0x51: {  	_ =	shalt  }
0x52: {  	_ =	shalt  }
0x53: {  	_ =	shalt  }
0x54: {  	_ =	shalt  }
0x55: {  	_ =	shalt  }
0x56: {  	_ =	shalt  }
0x57: {  	_ =	shalt  }
0x58: {  	_ =	shalt  }
0x59: {  	_ =	shalt  }
0x5a: {  	_ =	shalt  }
0x5b: {  	_ =	shalt  }
0x5c: {  	_ =	shalt  }
0x5d: {  	_ =	shalt  }
0x5e: {  	_ =	shalt  }
0x5f: {  	_ =	shalt  }
0x60: {  	_ =	shalt  }
0x61: {  	_ =	shalt  }
0x62: {  	_ =	shalt  }
0x63: {  	_ =	shalt  }
0x64: {  	_ =	shalt  }
0x65: {  	_ =	shalt  }
0x66: {  	_ =	shalt  }
0x67: {  	_ =	shalt  }
0x68: {  	_ =	shalt  }
0x69: {  	_ =	shalt  }
0x6a: {  	_ =	shalt  }
0x6b: {  	_ =	shalt  }
0x6c: {  	_ =	shalt  }
0x6d: {  	_ =	shalt  }
0x6e: {  	_ =	shalt  }
0x6f: {  	_ =	shalt  }
0x70: {  	_ =	shalt  }
0x71: {  	_ =	shalt  }
0x72: {  	_ =	shalt  }
0x73: {  	_ =	shalt  }
0x74: {  	_ =	shalt  }
0x75: {  	_ =	shalt  }
0x76: {  	_ =	shalt  }
0x77: {  	_ =	shalt  }
0x78: {  	_ =	shalt  }
0x79: {  	_ =	shalt  }
0x7a: {  	_ =	shalt  }
0x7b: {  	_ =	shalt  }
0x7c: {  	_ =	shalt  }
0x7d: {  	_ =	shalt  }
0x7e: {  	_ =	shalt  }
0x7f: {  	_ =	shalt  }
0x80: {  	_ =	shalt  }
0x81: {  	_ =	shalt  }
0x82: {  	_ =	shalt  }
0x83: {  	_ =	shalt  }
0x84: {  	_ =	shalt  }
0x85: {  	_ =	shalt  }
0x86: {  	_ =	shalt  }
0x87: {  	_ =	shalt  }
.Lfunc_end0:
.L_simem_size_0:
called_computation_lowered:
.L_overlay_start_0:
0x88: {  	s2 =	sld [smem:$0x3FD9]  }
0x89: {  	s3 =	sld [smem:$0x3FFE];
	_ =	sdelay $0x1  }
0x8a: {  	s1 =	srdreg.scid  }
0x8b: {  	s0 =	sand.u32 $0x1, s1  }
0x8c: {  	s17 =	sshll.u32 s0, $0xA;
	s2 =	sadd.s32 s3, s2  }
0x8d: {  	s2 =	sadd.s32 s2, s17  }
0x8e: {  	[smem:$0x3FC1] =	sst s2  }
0x8f: {  	_ = 	snop  }
0x90: {  	s2 =	sld [smem:$0x3FD0];
	(tm) =	ssettm $0x1  }
0x91: {  	s18 =	sld [smem:$0x3FFB];
	_ =	sdelay $0x3  }
0x92: {  	_ =	strace s18  }
0x93: {  	s3 =	sld [smem:$0x3FFC];
	_ =	sdelay $0x3  }
0x94: {  	_ =	strace s3  }
0x95: {  	s3 =	sld [smem:$0x3FFD];
	_ =	sdelay $0x3  }
0x96: {  	_ =	strace s3  }
0x97: {  	_ =	strace $0x8FFFFFFF  }
0x98: {  	s19 =	sld [smem:$0x3FDB];
	_ =	sdelay $0x1  }
0x99: {  	s4 =	simm.s32 $_scs_section_size  }
0x9a: {  	s5 =	simm.s32 $_size__tile_overlayer_lowered;
	s6 =	simm.s32 $_tile_overlayer_lowered  }
0x9b: {  	s22 =	simm.s32 $0x1BFF;
	s21 =	sshll.u32 s6, $0x1;
	s3 =	sadd.s32 s4, s19  }
0x9c: {  	s7 =	simm.s32 $0x0;
	s20 =	sshll.u32 s5, $0x1;
	s5 =	sadd.s32 s21, s3  }
0x9d: {  	[timem:s7], [sflag:s22] =	dma.local [hbm:s5], s20  }
0x9e: {  	_ =	swait.ge [sflag:s22], s20  }
0x9f: {  	s4 =	ssub.s32 $0x0, s20;
	[sflag:s22] =	ssyncset.done $0x0  }
0xa0: {  	[sflag:s22] =	ssyncadd.s32 s4;
	_ =	sdelay $0x1  }
0xa1: {  	s23 =	simm.s32 $0x1B8B  }
0xa2: {  	_ =	swait.ge [sflag:s23], $0x1  }
0xa3: {  	[sflag:s23] =	ssyncset.done $0x0  }
0xa4: {  	s25 =	simm.s32 $0x1B8E;
	s24 =	sld [smem:$0x3FFE];
	[sflag:s23] =	ssyncadd.s32 $0xFFFFFFFF  }
0xa5: {  	s26 =	simm.s32 $execute0_lowered;
	[smem:$0x3FD2] =	sst s25  }
0xa6: {  	s5 =	sshll.u32 s26, $0x1;
	_ =	strace $0x80000046;
	[dreg:$0x1] =	wrdreg $0xFFFFFFFF  }
0xa7: {  	s28 =	simm.s32 $_size_execute0_lowered;
	s3 =	sadd.s32 s3, s5;
	[dreg:$0x0] =	wrdreg $0x0  }
0xa8: {  	s5 =	sshll.u32 s28, $0x1;
	[dreg:$0x2] =	wrdreg s3  }
0xa9: {  	[dreg:$0x3] =	wrdreg s5  }
0xaa: {  	[dreg:$0x4] =	wrdreg $0xC0  }
0xab: {  	_ =	task [dreg:s7], $0x5FFFF  }
0xac: {  	[dreg:$0x1] =	wrdreg $0xFFFFFFFF  }
0xad: {  	[dreg:$0x0] =	wrdreg $0x60  }
0xae: {  	[dreg:$0x2] =	wrdreg s24  }
0xaf: {  	[dreg:$0x3] =	wrdreg s2  }
0xb0: {  	[dreg:$0x4] =	wrdreg $0x9  }
0xb1: {  	_ =	task.clear_ibuf [dreg:s7], $0x5FFFF;
	_ =	strace $0x90000046  }
0xb2: {  	s29 =	simm.s32 $0x9;
	_ =	strace $0x80000048  }
0xb3: {  	_ =	swait.ge [sflag:s29], $0x1  }
0xb4: {  	[sflag:s29] =	ssyncadd.s32 $0xFFFFFFFF  }
0xb5: {  	_ =	strace $0x90000048  }
0xb6: {  	_ =	sfence  }
0xb7: {  	s30 =	sld [smem:$0x0];
	_ =	sdelay $0x2  }
0xb8: {  	s31 =	sshll.u32 s1, $0xD;
	s1 =	sshrl.u32 s1, $0x2  }
0xb9: {  	s3 =	sand.u32 $0x4000, s31;
	s1 =	sadd.s32 s1, s30  }
0xba: {  	s0 =	sor.u32 s3, s0;
	s1 =	sshll.u32 s1, $0x11  }
0xbb: {  	s0 =	sor.u32 s1, s0  }
0xbc: {  	s0 =	sadd.s32 $0x8F2B, s0  }
0xbd: {  	[sflag:s0] =	ssyncadd.remote.s32 $0x1  }
0xbe: {  	_ =	sfence.sel $0xFFFF  }
0xbf: {  	[dreg:$0x0] =	wrdreg $0xFFFFFFFF;
	(pc) =	sbr.abs _section_cstart, $3  }
0xc0: {  	[dreg:$0x1] =	wrdreg $0xFFFFFFFF  }
0xc1: {  	_ =	task.clear_ibuf [dreg:s7], $0x2FFFF;
	_ =	strace $0x9FFFFFFF  }
0xc2: {  	(tm) =	ssettm $0x7FFFFFFF  }
0xc3: {  	_ =	shalt  }
tec
execute0_lowered:
.L_overlay_start_1:
0x0: {  	(tag) =	ssettag $0x1  }
0x1: {  	s1 =	stileid.u32  }
0x2: {  	p0 =	sgt.u32 s1, $0xB  }
.Ltmp0:
0x3: {  	_ = 	snop;
	(pc) =	sbr.rel @p0 .LBB2_9-.Ltmp0, $4  }
0x4: {  	s5 =	rddreg [dreg:$0x0]  }
0x5: {  	s7 =	rddreg [dreg:$0x1];
	s2 =	simm.s32 $0x0  }
0x6: {  	[smem:$0x7FF] =	sst s2  }
0x7: {  	s0 =	rddreg [dreg:$0x2];
	_ =	strace $0x80000047  }
0x8: {  	s3 =	srdreg.scid;
	s30 =	sshll.u32 s1, $0x1;
	p0 =	sgt.u32 s1, $0x5  }
0x9: {  	s4 =	simm.s32 $0x3FFFF4;
	s8 =	simm.s32 $0x30000;
	s11 =	simm.s32 $0x3000  }
0xa: {  	s12 =	simm.s32 $0x100;
	s13 =	simm.s32 $0x8100;
	s6 =	sand.u32 $0x1, s3  }
0xb: {  	s4 =	simm.s32 @!p0 $0x0;
	s8 =	simm.s32 @!p0 $0x5;
	s3 =	sor.u32 s6, s30  }
0xc: {  	s9 =	ssub.s32 $0x2, s6;
	s6 =	simm.s32 $0x2000;
	s4 =	sadd.s32 s4, s3  }
0xd: {  	s3 =	sadd.s32 $0x1200, s5;
	s5 =	sadd.s32 $0x3C1200, s5;
	s4 =	sshll.u32 s4, $0xA  }
0xe: {  	s10 =	sshrl.u32 s9, $0x1;
	s6 =	simm.s32 @!p0 $0x5;
	s8 =	sadd.s32 s8, s4  }
0xf: {  	s31 =	ssub.s32 s9, s10;
	s9 =	simm.s32 $0x1;
	s8 =	sshrl.u32 s8, $0x3  }
0x10: {  	v0 =	vimm.f32 $0.0e+00;
	s10 =	simm.s32 $0x400;
	s7 =	sadd.s32 s7, s8;
	s8 =	smax.u32 s31, $0x1  }
.LBB2_2:
0x11: {  	s14 =	simm.s32 $0x0;
	s15 =	simm.s32 $0x0;
	s16 =	simm.s32 $0x200  }
.LBB2_3:
0x12: {  	p0 =	sne.s32 s16, $0xFE00;
	[tilespmem:s15+$0x8170] =	vst v0  }
0x13: {  	[tilespmem:s15+$0x8100] =	vst v0  }
0x14: {  	[tilespmem:s15+$0x8110] =	vst v0  }
.Ltmp1:
0x15: {  	[tilespmem:s15+$0x8120] =	vst v0;
	(pc) =	sbr.rel @p0 .LBB2_3-.Ltmp1, $4  }
0x16: {  	[tilespmem:s15+$0x8130] =	vst v0  }
0x17: {  	[tilespmem:s15+$0x8140] =	vst v0  }
0x18: {  	[tilespmem:s15+$0x8150] =	vst v0  }
0x19: {  	[tilespmem:s15+$0x8160] =	vst v0;
	s15 =	sshra.s32 s16, $0x2;
	s16 =	sadd.s32 $0x200, s16  }
0x1a: {  	[tilespmem:s15+$0x8170] =	vst v0  }
0x1b: {  	[tilespmem:s15+$0x8100] =	vst v0  }
0x1c: {  	[tilespmem:s15+$0x8110] =	vst v0  }
0x1d: {  	[tilespmem:s15+$0x8120] =	vst v0  }
0x1e: {  	[tilespmem:s15+$0x8130] =	vst v0  }
0x1f: {  	[tilespmem:s15+$0x8140] =	vst v0  }
0x20: {  	[tilespmem:s15+$0x8150] =	vst v0  }
0x21: {  	[tilespmem:s15+$0x8160] =	vst v0  }
.LBB2_5:
0x22: {  	s15 =	sshll.u32 s14, $0x8  }
0x23: {  	s15 =	sadd.s32 s6, s15  }
0x24: {  	s16 =	sshrl.u32 s15, $0x3  }
0x25: {  	s15 =	simm.s32 $0x0;
	s17 =	sadd.s32 s5, s16;
	s16 =	smul.u32 $0x3000, s16  }
0x26: {  	[tilespmem:s15], [sflag:$0x1] =	stream.linear.gather [hbm4b:s17+s15], $0x100, $0x38;
	[tilespmem:$0xC100] =	vst v63  }
0x27: {  	_ =	swait.ge [sflag:s9], $0x100;
	s16 =	sadd.s32 s4, s16  }
0x28: {  	[sflag:s9] =	ssyncset.done $0x0;
	s16 =	sshrl.u32 s16, $0x3  }
0x29: {  	[sflag:s9] =	ssyncadd.s32 $0xFFFFFF00;
	s16 =	sadd.s32 s3, s16  }
0x2a: {  	[tilespmem:s12], [sflag:$0x1] =	stream.strided.gather [hbm4b:s16+s10], $0x8000, s11, s10, $0x38;
	[tilespmem:$0xC100] =	vst v63  }
0x2b: {  	_ =	swait.ge [sflag:s9], $0x8000  }
0x2c: {  	[sflag:s9] =	ssyncset.done $0x0  }
0x2d: {  	s16 =	simm.s32 $0x500;
	[sflag:s9] =	ssyncadd.s32 $0xFFFF8000  }
.LBB2_6:
0x2e: {  	s17 =	sshra.s32 s15, $0x2  }
0x2f: {  	v1 =	vld [tilespmem:s17+$0x0];
	_ =	sdelay $0x4  }
0x30: {  	v1 =	vshll.u32 v1, $0x9  }
0x31: {  	v1 =	vshra.s32 v1, $0x2  }
0x32: {  	(v2sf) =	vpush v1, $0x0;
	_ =	sdelay $0xe  }
0x33: {  	v3 =	vld [tilespmem:s16+$0xFFFFFC00];
	s29 =	spop (v2sf)  }
0x34: {  	v2 =	vld [tilespmem:s29+$0x8100];
	_ =	sdelay $0x4  }
0x35: {  	v2 =	vadd.f32 v3, v2;
	_ =	sdelay $0x1  }
0x36: {  	[tilespmem:s29+$0x8100] =	vst v2;
	v2 =	vld [tilespmem:s29+$0x8110]  }
0x37: {  	v3 =	vld [tilespmem:s16+$0xFFFFFC10];
	_ =	sdelay $0x4  }
0x38: {  	v2 =	vadd.f32 v3, v2;
	_ =	sdelay $0x1  }
0x39: {  	[tilespmem:s29+$0x8110] =	vst v2;
	v2 =	vld [tilespmem:s29+$0x8120]  }
0x3a: {  	v3 =	vld [tilespmem:s16+$0xFFFFFC20];
	_ =	sdelay $0x4  }
0x3b: {  	v2 =	vadd.f32 v3, v2;
	_ =	sdelay $0x1  }
0x3c: {  	[tilespmem:s29+$0x8120] =	vst v2;
	v2 =	vld [tilespmem:s29+$0x8130]  }
0x3d: {  	v3 =	vld [tilespmem:s16+$0xFFFFFC30];
	_ =	sdelay $0x4  }
0x3e: {  	v2 =	vadd.f32 v3, v2;
	_ =	sdelay $0x1  }
0x3f: {  	[tilespmem:s29+$0x8130] =	vst v2;
	v2 =	vld [tilespmem:s29+$0x8140]  }
0x40: {  	v3 =	vld [tilespmem:s16+$0xFFFFFC40];
	_ =	sdelay $0x4  }
0x41: {  	v2 =	vadd.f32 v3, v2;
	_ =	sdelay $0x1  }
0x42: {  	[tilespmem:s29+$0x8140] =	vst v2;
	v2 =	vld [tilespmem:s29+$0x8150]  }
0x43: {  	v3 =	vld [tilespmem:s16+$0xFFFFFC50];
	_ =	sdelay $0x4  }
0x44: {  	v2 =	vadd.f32 v3, v2;
	_ =	sdelay $0x1  }
0x45: {  	[tilespmem:s29+$0x8150] =	vst v2;
	v2 =	vld [tilespmem:s29+$0x8160]  }
0x46: {  	(v2sf) =	vpush v1, $0x1;
	v3 =	vld [tilespmem:s16+$0xFFFFFC60];
	_ =	sdelay $0x4  }
0x47: {  	v2 =	vadd.f32 v3, v2;
	_ =	sdelay $0x1  }
0x48: {  	[tilespmem:s29+$0x8160] =	vst v2;
	v2 =	vld [tilespmem:s29+$0x8170]  }
0x49: {  	v3 =	vld [tilespmem:s16+$0xFFFFFC70];
	_ =	sdelay $0x4  }
0x4a: {  	v2 =	vadd.f32 v3, v2;
	_ =	sdelay $0x1  }
0x4b: {  	s30 =	spop (v2sf);
	[tilespmem:s29+$0x8170] =	vst v2  }
0x4c: {  	v2 =	vld [tilespmem:s30+$0x8100]  }
0x4d: {  	v3 =	vld [tilespmem:s16+$0xFFFFFC80];
	_ =	sdelay $0x4  }
0x4e: {  	v2 =	vadd.f32 v3, v2;
	_ =	sdelay $0x1  }
0x4f: {  	[tilespmem:s30+$0x8100] =	vst v2;
	v2 =	vld [tilespmem:s30+$0x8110]  }
0x50: {  	v3 =	vld [tilespmem:s16+$0xFFFFFC90];
	_ =	sdelay $0x4  }
0x51: {  	v2 =	vadd.f32 v3, v2;
	_ =	sdelay $0x1  }
0x52: {  	[tilespmem:s30+$0x8110] =	vst v2;
	v2 =	vld [tilespmem:s30+$0x8120]  }
0x53: {  	v3 =	vld [tilespmem:s16+$0xFFFFFCA0];
	_ =	sdelay $0x4  }
0x54: {  	v2 =	vadd.f32 v3, v2;
	_ =	sdelay $0x1  }
0x55: {  	[tilespmem:s30+$0x8120] =	vst v2;
	v2 =	vld [tilespmem:s30+$0x8130]  }
0x56: {  	v3 =	vld [tilespmem:s16+$0xFFFFFCB0];
	_ =	sdelay $0x4  }
0x57: {  	v2 =	vadd.f32 v3, v2;
	_ =	sdelay $0x1  }
0x58: {  	[tilespmem:s30+$0x8130] =	vst v2;
	v2 =	vld [tilespmem:s30+$0x8140]  }
0x59: {  	v3 =	vld [tilespmem:s16+$0xFFFFFCC0];
	_ =	sdelay $0x4  }
0x5a: {  	v2 =	vadd.f32 v3, v2;
	_ =	sdelay $0x1  }
0x5b: {  	[tilespmem:s30+$0x8140] =	vst v2;
	v2 =	vld [tilespmem:s30+$0x8150]  }
0x5c: {  	v3 =	vld [tilespmem:s16+$0xFFFFFCD0];
	_ =	sdelay $0x4  }
0x5d: {  	v2 =	vadd.f32 v3, v2;
	_ =	sdelay $0x1  }
0x5e: {  	[tilespmem:s30+$0x8150] =	vst v2;
	v2 =	vld [tilespmem:s30+$0x8160]  }
0x5f: {  	(v2sf) =	vpush v1, $0x2;
	v3 =	vld [tilespmem:s16+$0xFFFFFCE0];
	_ =	sdelay $0x4  }
0x60: {  	v2 =	vadd.f32 v3, v2;
	_ =	sdelay $0x1  }
0x61: {  	[tilespmem:s30+$0x8160] =	vst v2;
	v2 =	vld [tilespmem:s30+$0x8170]  }
0x62: {  	v3 =	vld [tilespmem:s16+$0xFFFFFCF0];
	_ =	sdelay $0x4  }
0x63: {  	v2 =	vadd.f32 v3, v2;
	_ =	sdelay $0x1  }
0x64: {  	s31 =	spop (v2sf);
	[tilespmem:s30+$0x8170] =	vst v2  }
0x65: {  	v2 =	vld [tilespmem:s31+$0x8100]  }
0x66: {  	v3 =	vld [tilespmem:s16+$0xFFFFFD00];
	_ =	sdelay $0x4  }
0x67: {  	v2 =	vadd.f32 v3, v2;
	_ =	sdelay $0x1  }
0x68: {  	[tilespmem:s31+$0x8100] =	vst v2;
	v2 =	vld [tilespmem:s31+$0x8110]  }
0x69: {  	v3 =	vld [tilespmem:s16+$0xFFFFFD10];
	_ =	sdelay $0x4  }
0x6a: {  	v2 =	vadd.f32 v3, v2;
	_ =	sdelay $0x1  }
0x6b: {  	[tilespmem:s31+$0x8110] =	vst v2;
	v2 =	vld [tilespmem:s31+$0x8120]  }
0x6c: {  	v3 =	vld [tilespmem:s16+$0xFFFFFD20];
	_ =	sdelay $0x4  }
0x6d: {  	v2 =	vadd.f32 v3, v2;
	_ =	sdelay $0x1  }
0x6e: {  	[tilespmem:s31+$0x8120] =	vst v2;
	v2 =	vld [tilespmem:s31+$0x8130]  }
0x6f: {  	v3 =	vld [tilespmem:s16+$0xFFFFFD30];
	_ =	sdelay $0x4  }
0x70: {  	v2 =	vadd.f32 v3, v2;
	_ =	sdelay $0x1  }
0x71: {  	[tilespmem:s31+$0x8130] =	vst v2;
	v2 =	vld [tilespmem:s31+$0x8140]  }
0x72: {  	v3 =	vld [tilespmem:s16+$0xFFFFFD40];
	_ =	sdelay $0x4  }
0x73: {  	v2 =	vadd.f32 v3, v2;
	_ =	sdelay $0x1  }
0x74: {  	[tilespmem:s31+$0x8140] =	vst v2;
	v2 =	vld [tilespmem:s31+$0x8150]  }
0x75: {  	v3 =	vld [tilespmem:s16+$0xFFFFFD50];
	_ =	sdelay $0x4  }
0x76: {  	v2 =	vadd.f32 v3, v2;
	_ =	sdelay $0x1  }
0x77: {  	[tilespmem:s31+$0x8150] =	vst v2;
	v2 =	vld [tilespmem:s31+$0x8160]  }
0x78: {  	(v2sf) =	vpush v1, $0x3;
	v3 =	vld [tilespmem:s16+$0xFFFFFD60];
	_ =	sdelay $0x4  }
0x79: {  	v2 =	vadd.f32 v3, v2;
	_ =	sdelay $0x1  }
0x7a: {  	[tilespmem:s31+$0x8160] =	vst v2;
	v2 =	vld [tilespmem:s31+$0x8170]  }
0x7b: {  	v3 =	vld [tilespmem:s16+$0xFFFFFD70];
	_ =	sdelay $0x4  }
0x7c: {  	v2 =	vadd.f32 v3, v2;
	_ =	sdelay $0x1  }
0x7d: {  	s18 =	spop (v2sf);
	[tilespmem:s31+$0x8170] =	vst v2  }
0x7e: {  	v2 =	vld [tilespmem:s18+$0x8100]  }
0x7f: {  	v3 =	vld [tilespmem:s16+$0xFFFFFD80];
	_ =	sdelay $0x4  }
0x80: {  	v2 =	vadd.f32 v3, v2;
	_ =	sdelay $0x1  }
0x81: {  	[tilespmem:s18+$0x8100] =	vst v2;
	v2 =	vld [tilespmem:s18+$0x8110]  }
0x82: {  	v3 =	vld [tilespmem:s16+$0xFFFFFD90];
	_ =	sdelay $0x4  }
0x83: {  	v2 =	vadd.f32 v3, v2;
	_ =	sdelay $0x1  }
0x84: {  	[tilespmem:s18+$0x8110] =	vst v2;
	v2 =	vld [tilespmem:s18+$0x8120]  }
0x85: {  	v3 =	vld [tilespmem:s16+$0xFFFFFDA0];
	_ =	sdelay $0x4  }
0x86: {  	v2 =	vadd.f32 v3, v2;
	_ =	sdelay $0x1  }
0x87: {  	[tilespmem:s18+$0x8120] =	vst v2;
	v2 =	vld [tilespmem:s18+$0x8130]  }
0x88: {  	v3 =	vld [tilespmem:s16+$0xFFFFFDB0];
	_ =	sdelay $0x4  }
0x89: {  	v2 =	vadd.f32 v3, v2;
	_ =	sdelay $0x1  }
0x8a: {  	[tilespmem:s18+$0x8130] =	vst v2;
	v2 =	vld [tilespmem:s18+$0x8140]  }
0x8b: {  	v3 =	vld [tilespmem:s16+$0xFFFFFDC0];
	_ =	sdelay $0x4  }
0x8c: {  	v2 =	vadd.f32 v3, v2;
	_ =	sdelay $0x1  }
0x8d: {  	[tilespmem:s18+$0x8140] =	vst v2;
	v2 =	vld [tilespmem:s18+$0x8150]  }
0x8e: {  	v3 =	vld [tilespmem:s16+$0xFFFFFDD0];
	_ =	sdelay $0x4  }
0x8f: {  	v2 =	vadd.f32 v3, v2;
	_ =	sdelay $0x1  }
0x90: {  	[tilespmem:s18+$0x8150] =	vst v2;
	v2 =	vld [tilespmem:s18+$0x8160]  }
0x91: {  	(v2sf) =	vpush v1, $0x4;
	v3 =	vld [tilespmem:s16+$0xFFFFFDE0];
	_ =	sdelay $0x4  }
0x92: {  	v2 =	vadd.f32 v3, v2;
	_ =	sdelay $0x1  }
0x93: {  	[tilespmem:s18+$0x8160] =	vst v2;
	v2 =	vld [tilespmem:s18+$0x8170]  }
0x94: {  	v3 =	vld [tilespmem:s16+$0xFFFFFDF0];
	_ =	sdelay $0x4  }
0x95: {  	v2 =	vadd.f32 v3, v2;
	_ =	sdelay $0x1  }
0x96: {  	s19 =	spop (v2sf);
	[tilespmem:s18+$0x8170] =	vst v2  }
0x97: {  	v2 =	vld [tilespmem:s19+$0x8100]  }
0x98: {  	v3 =	vld [tilespmem:s16+$0xFFFFFE00];
	_ =	sdelay $0x4  }
0x99: {  	v2 =	vadd.f32 v3, v2;
	_ =	sdelay $0x1  }
0x9a: {  	[tilespmem:s19+$0x8100] =	vst v2;
	v2 =	vld [tilespmem:s19+$0x8110]  }
0x9b: {  	v3 =	vld [tilespmem:s16+$0xFFFFFE10];
	_ =	sdelay $0x4  }
0x9c: {  	v2 =	vadd.f32 v3, v2;
	_ =	sdelay $0x1  }
0x9d: {  	[tilespmem:s19+$0x8110] =	vst v2;
	v2 =	vld [tilespmem:s19+$0x8120]  }
0x9e: {  	v3 =	vld [tilespmem:s16+$0xFFFFFE20];
	_ =	sdelay $0x4  }
0x9f: {  	v2 =	vadd.f32 v3, v2;
	_ =	sdelay $0x1  }
0xa0: {  	[tilespmem:s19+$0x8120] =	vst v2;
	v2 =	vld [tilespmem:s19+$0x8130]  }
0xa1: {  	v3 =	vld [tilespmem:s16+$0xFFFFFE30];
	_ =	sdelay $0x4  }
0xa2: {  	v2 =	vadd.f32 v3, v2;
	_ =	sdelay $0x1  }
0xa3: {  	[tilespmem:s19+$0x8130] =	vst v2;
	v2 =	vld [tilespmem:s19+$0x8140]  }
0xa4: {  	v3 =	vld [tilespmem:s16+$0xFFFFFE40];
	_ =	sdelay $0x4  }
0xa5: {  	v2 =	vadd.f32 v3, v2;
	_ =	sdelay $0x1  }
0xa6: {  	[tilespmem:s19+$0x8140] =	vst v2;
	v2 =	vld [tilespmem:s19+$0x8150]  }
0xa7: {  	v3 =	vld [tilespmem:s16+$0xFFFFFE50];
	_ =	sdelay $0x4  }
0xa8: {  	v2 =	vadd.f32 v3, v2;
	_ =	sdelay $0x1  }
0xa9: {  	[tilespmem:s19+$0x8150] =	vst v2;
	v2 =	vld [tilespmem:s19+$0x8160]  }
0xaa: {  	(v2sf) =	vpush v1, $0x5;
	v3 =	vld [tilespmem:s16+$0xFFFFFE60];
	_ =	sdelay $0x4  }
0xab: {  	v2 =	vadd.f32 v3, v2;
	_ =	sdelay $0x1  }
0xac: {  	[tilespmem:s19+$0x8160] =	vst v2;
	v2 =	vld [tilespmem:s19+$0x8170]  }
0xad: {  	v3 =	vld [tilespmem:s16+$0xFFFFFE70];
	_ =	sdelay $0x4  }
0xae: {  	v2 =	vadd.f32 v3, v2;
	_ =	sdelay $0x1  }
0xaf: {  	s20 =	spop (v2sf);
	[tilespmem:s19+$0x8170] =	vst v2  }
0xb0: {  	v2 =	vld [tilespmem:s20+$0x8100]  }
0xb1: {  	v3 =	vld [tilespmem:s16+$0xFFFFFE80];
	_ =	sdelay $0x4  }
0xb2: {  	v2 =	vadd.f32 v3, v2;
	_ =	sdelay $0x1  }
0xb3: {  	[tilespmem:s20+$0x8100] =	vst v2;
	v2 =	vld [tilespmem:s20+$0x8110]  }
0xb4: {  	v3 =	vld [tilespmem:s16+$0xFFFFFE90];
	_ =	sdelay $0x4  }
0xb5: {  	v2 =	vadd.f32 v3, v2;
	_ =	sdelay $0x1  }
0xb6: {  	[tilespmem:s20+$0x8110] =	vst v2;
	v2 =	vld [tilespmem:s20+$0x8120]  }
0xb7: {  	v3 =	vld [tilespmem:s16+$0xFFFFFEA0];
	_ =	sdelay $0x4  }
0xb8: {  	v2 =	vadd.f32 v3, v2;
	_ =	sdelay $0x1  }
0xb9: {  	[tilespmem:s20+$0x8120] =	vst v2;
	v2 =	vld [tilespmem:s20+$0x8130]  }
0xba: {  	v3 =	vld [tilespmem:s16+$0xFFFFFEB0];
	_ =	sdelay $0x4  }
0xbb: {  	v2 =	vadd.f32 v3, v2;
	_ =	sdelay $0x1  }
0xbc: {  	[tilespmem:s20+$0x8130] =	vst v2;
	v2 =	vld [tilespmem:s20+$0x8140]  }
0xbd: {  	v3 =	vld [tilespmem:s16+$0xFFFFFEC0];
	_ =	sdelay $0x4  }
0xbe: {  	v2 =	vadd.f32 v3, v2;
	_ =	sdelay $0x1  }
0xbf: {  	[tilespmem:s20+$0x8140] =	vst v2;
	v2 =	vld [tilespmem:s20+$0x8150]  }
0xc0: {  	v3 =	vld [tilespmem:s16+$0xFFFFFED0];
	_ =	sdelay $0x4  }
0xc1: {  	v2 =	vadd.f32 v3, v2;
	_ =	sdelay $0x1  }
0xc2: {  	[tilespmem:s20+$0x8150] =	vst v2;
	v2 =	vld [tilespmem:s20+$0x8160]  }
0xc3: {  	(v2sf) =	vpush v1, $0x6;
	v3 =	vld [tilespmem:s16+$0xFFFFFEE0];
	_ =	sdelay $0x4  }
0xc4: {  	v2 =	vadd.f32 v3, v2;
	_ =	sdelay $0x1  }
0xc5: {  	[tilespmem:s20+$0x8160] =	vst v2;
	v2 =	vld [tilespmem:s20+$0x8170]  }
0xc6: {  	v3 =	vld [tilespmem:s16+$0xFFFFFEF0];
	_ =	sdelay $0x4  }
0xc7: {  	v2 =	vadd.f32 v3, v2;
	_ =	sdelay $0x1  }
0xc8: {  	s21 =	spop (v2sf);
	[tilespmem:s20+$0x8170] =	vst v2  }
0xc9: {  	v2 =	vld [tilespmem:s21+$0x8100]  }
0xca: {  	v3 =	vld [tilespmem:s16+$0xFFFFFF00];
	_ =	sdelay $0x4  }
0xcb: {  	v2 =	vadd.f32 v3, v2;
	_ =	sdelay $0x1  }
0xcc: {  	[tilespmem:s21+$0x8100] =	vst v2;
	v2 =	vld [tilespmem:s21+$0x8110]  }
0xcd: {  	v3 =	vld [tilespmem:s16+$0xFFFFFF10];
	_ =	sdelay $0x4  }
0xce: {  	v2 =	vadd.f32 v3, v2;
	_ =	sdelay $0x1  }
0xcf: {  	[tilespmem:s21+$0x8110] =	vst v2;
	v2 =	vld [tilespmem:s21+$0x8120]  }
0xd0: {  	v3 =	vld [tilespmem:s16+$0xFFFFFF20];
	_ =	sdelay $0x4  }
0xd1: {  	v2 =	vadd.f32 v3, v2;
	_ =	sdelay $0x1  }
0xd2: {  	[tilespmem:s21+$0x8120] =	vst v2;
	v2 =	vld [tilespmem:s21+$0x8130]  }
0xd3: {  	v3 =	vld [tilespmem:s16+$0xFFFFFF30];
	_ =	sdelay $0x4  }
0xd4: {  	v2 =	vadd.f32 v3, v2;
	_ =	sdelay $0x1  }
0xd5: {  	[tilespmem:s21+$0x8130] =	vst v2;
	v2 =	vld [tilespmem:s21+$0x8140]  }
0xd6: {  	v3 =	vld [tilespmem:s16+$0xFFFFFF40];
	_ =	sdelay $0x4  }
0xd7: {  	v2 =	vadd.f32 v3, v2;
	_ =	sdelay $0x1  }
0xd8: {  	[tilespmem:s21+$0x8140] =	vst v2;
	v2 =	vld [tilespmem:s21+$0x8150]  }
0xd9: {  	v3 =	vld [tilespmem:s16+$0xFFFFFF50];
	_ =	sdelay $0x4  }
0xda: {  	v2 =	vadd.f32 v3, v2;
	_ =	sdelay $0x1  }
0xdb: {  	[tilespmem:s21+$0x8150] =	vst v2;
	v2 =	vld [tilespmem:s21+$0x8160]  }
0xdc: {  	(v2sf) =	vpush v1, $0x7;
	v3 =	vld [tilespmem:s16+$0xFFFFFF60];
	_ =	sdelay $0x4  }
0xdd: {  	v2 =	vadd.f32 v3, v2;
	_ =	sdelay $0x1  }
0xde: {  	[tilespmem:s21+$0x8160] =	vst v2;
	v2 =	vld [tilespmem:s21+$0x8170]  }
0xdf: {  	v3 =	vld [tilespmem:s16+$0xFFFFFF70];
	_ =	sdelay $0x4  }
0xe0: {  	v2 =	vadd.f32 v3, v2;
	_ =	sdelay $0x1  }
0xe1: {  	s22 =	spop (v2sf);
	[tilespmem:s21+$0x8170] =	vst v2  }
0xe2: {  	v2 =	vld [tilespmem:s22+$0x8100]  }
0xe3: {  	v3 =	vld [tilespmem:s16+$0xFFFFFF80];
	_ =	sdelay $0x4  }
0xe4: {  	v2 =	vadd.f32 v3, v2;
	_ =	sdelay $0x1  }
0xe5: {  	[tilespmem:s22+$0x8100] =	vst v2;
	v2 =	vld [tilespmem:s22+$0x8110]  }
0xe6: {  	v3 =	vld [tilespmem:s16+$0xFFFFFF90];
	_ =	sdelay $0x4  }
0xe7: {  	v2 =	vadd.f32 v3, v2;
	_ =	sdelay $0x1  }
0xe8: {  	[tilespmem:s22+$0x8110] =	vst v2;
	v2 =	vld [tilespmem:s22+$0x8120]  }
0xe9: {  	v3 =	vld [tilespmem:s16+$0xFFFFFFA0];
	_ =	sdelay $0x4  }
0xea: {  	v2 =	vadd.f32 v3, v2;
	_ =	sdelay $0x1  }
0xeb: {  	[tilespmem:s22+$0x8120] =	vst v2;
	v2 =	vld [tilespmem:s22+$0x8130]  }
0xec: {  	v3 =	vld [tilespmem:s16+$0xFFFFFFB0];
	_ =	sdelay $0x4  }
0xed: {  	v2 =	vadd.f32 v3, v2;
	_ =	sdelay $0x1  }
0xee: {  	[tilespmem:s22+$0x8130] =	vst v2;
	v2 =	vld [tilespmem:s22+$0x8140]  }
0xef: {  	v3 =	vld [tilespmem:s16+$0xFFFFFFC0];
	_ =	sdelay $0x4  }
0xf0: {  	v2 =	vadd.f32 v3, v2;
	_ =	sdelay $0x1  }
0xf1: {  	[tilespmem:s22+$0x8140] =	vst v2;
	v2 =	vld [tilespmem:s22+$0x8150]  }
0xf2: {  	v3 =	vld [tilespmem:s16+$0xFFFFFFD0];
	_ =	sdelay $0x4  }
0xf3: {  	v2 =	vadd.f32 v3, v2;
	_ =	sdelay $0x1  }
0xf4: {  	[tilespmem:s22+$0x8150] =	vst v2;
	v2 =	vld [tilespmem:s22+$0x8160]  }
0xf5: {  	(v2sf) =	vpush v1, $0x8;
	v3 =	vld [tilespmem:s16+$0xFFFFFFE0];
	_ =	sdelay $0x4  }
0xf6: {  	v2 =	vadd.f32 v3, v2;
	_ =	sdelay $0x1  }
0xf7: {  	[tilespmem:s22+$0x8160] =	vst v2;
	v2 =	vld [tilespmem:s22+$0x8170]  }
0xf8: {  	v3 =	vld [tilespmem:s16+$0xFFFFFFF0];
	_ =	sdelay $0x4  }
0xf9: {  	v2 =	vadd.f32 v3, v2;
	_ =	sdelay $0x1  }
0xfa: {  	s23 =	spop (v2sf);
	[tilespmem:s22+$0x8170] =	vst v2  }
0xfb: {  	v2 =	vld [tilespmem:s23+$0x8100]  }
0xfc: {  	v3 =	vld [tilespmem:s16+$0x0];
	_ =	sdelay $0x4  }
0xfd: {  	v2 =	vadd.f32 v3, v2;
	_ =	sdelay $0x1  }
0xfe: {  	[tilespmem:s23+$0x8100] =	vst v2;
	v2 =	vld [tilespmem:s23+$0x8110]  }
0xff: {  	v3 =	vld [tilespmem:s16+$0x10];
	_ =	sdelay $0x4  }
0x100: {  	v2 =	vadd.f32 v3, v2;
	_ =	sdelay $0x1  }
0x101: {  	[tilespmem:s23+$0x8110] =	vst v2;
	v2 =	vld [tilespmem:s23+$0x8120]  }
0x102: {  	v3 =	vld [tilespmem:s16+$0x20];
	_ =	sdelay $0x4  }
0x103: {  	v2 =	vadd.f32 v3, v2;
	_ =	sdelay $0x1  }
0x104: {  	[tilespmem:s23+$0x8120] =	vst v2;
	v2 =	vld [tilespmem:s23+$0x8130]  }
0x105: {  	v3 =	vld [tilespmem:s16+$0x30];
	_ =	sdelay $0x4  }
0x106: {  	v2 =	vadd.f32 v3, v2;
	_ =	sdelay $0x1  }
0x107: {  	[tilespmem:s23+$0x8130] =	vst v2;
	v2 =	vld [tilespmem:s23+$0x8140]  }
0x108: {  	v3 =	vld [tilespmem:s16+$0x40];
	_ =	sdelay $0x4  }
0x109: {  	v2 =	vadd.f32 v3, v2;
	_ =	sdelay $0x1  }
0x10a: {  	[tilespmem:s23+$0x8140] =	vst v2;
	v2 =	vld [tilespmem:s23+$0x8150]  }
0x10b: {  	v3 =	vld [tilespmem:s16+$0x50];
	_ =	sdelay $0x4  }
0x10c: {  	v2 =	vadd.f32 v3, v2;
	_ =	sdelay $0x1  }
0x10d: {  	[tilespmem:s23+$0x8150] =	vst v2;
	v2 =	vld [tilespmem:s23+$0x8160]  }
0x10e: {  	(v2sf) =	vpush v1, $0x9;
	v3 =	vld [tilespmem:s16+$0x60];
	_ =	sdelay $0x4  }
0x10f: {  	v2 =	vadd.f32 v3, v2;
	_ =	sdelay $0x1  }
0x110: {  	[tilespmem:s23+$0x8160] =	vst v2;
	v2 =	vld [tilespmem:s23+$0x8170]  }
0x111: {  	v3 =	vld [tilespmem:s16+$0x70];
	_ =	sdelay $0x4  }
0x112: {  	v2 =	vadd.f32 v3, v2;
	_ =	sdelay $0x1  }
0x113: {  	s24 =	spop (v2sf);
	[tilespmem:s23+$0x8170] =	vst v2  }
0x114: {  	v2 =	vld [tilespmem:s24+$0x8100]  }
0x115: {  	v3 =	vld [tilespmem:s16+$0x80];
	_ =	sdelay $0x4  }
0x116: {  	v2 =	vadd.f32 v3, v2;
	_ =	sdelay $0x1  }
0x117: {  	[tilespmem:s24+$0x8100] =	vst v2;
	v2 =	vld [tilespmem:s24+$0x8110]  }
0x118: {  	v3 =	vld [tilespmem:s16+$0x90];
	_ =	sdelay $0x4  }
0x119: {  	v2 =	vadd.f32 v3, v2;
	_ =	sdelay $0x1  }
0x11a: {  	[tilespmem:s24+$0x8110] =	vst v2;
	v2 =	vld [tilespmem:s24+$0x8120]  }
0x11b: {  	v3 =	vld [tilespmem:s16+$0xA0];
	_ =	sdelay $0x4  }
0x11c: {  	v2 =	vadd.f32 v3, v2;
	_ =	sdelay $0x1  }
0x11d: {  	[tilespmem:s24+$0x8120] =	vst v2;
	v2 =	vld [tilespmem:s24+$0x8130]  }
0x11e: {  	v3 =	vld [tilespmem:s16+$0xB0];
	_ =	sdelay $0x4  }
0x11f: {  	v2 =	vadd.f32 v3, v2;
	_ =	sdelay $0x1  }
0x120: {  	[tilespmem:s24+$0x8130] =	vst v2;
	v2 =	vld [tilespmem:s24+$0x8140]  }
0x121: {  	v3 =	vld [tilespmem:s16+$0xC0];
	_ =	sdelay $0x4  }
0x122: {  	v2 =	vadd.f32 v3, v2;
	_ =	sdelay $0x1  }
0x123: {  	[tilespmem:s24+$0x8140] =	vst v2;
	v2 =	vld [tilespmem:s24+$0x8150]  }
0x124: {  	v3 =	vld [tilespmem:s16+$0xD0];
	_ =	sdelay $0x4  }
0x125: {  	v2 =	vadd.f32 v3, v2;
	_ =	sdelay $0x1  }
0x126: {  	[tilespmem:s24+$0x8150] =	vst v2;
	v2 =	vld [tilespmem:s24+$0x8160]  }
0x127: {  	(v2sf) =	vpush v1, $0xA;
	v3 =	vld [tilespmem:s16+$0xE0];
	_ =	sdelay $0x4  }
0x128: {  	v2 =	vadd.f32 v3, v2;
	_ =	sdelay $0x1  }
0x129: {  	[tilespmem:s24+$0x8160] =	vst v2;
	v2 =	vld [tilespmem:s24+$0x8170]  }
0x12a: {  	v3 =	vld [tilespmem:s16+$0xF0];
	_ =	sdelay $0x4  }
0x12b: {  	v2 =	vadd.f32 v3, v2;
	_ =	sdelay $0x1  }
0x12c: {  	s25 =	spop (v2sf);
	[tilespmem:s24+$0x8170] =	vst v2  }
0x12d: {  	v2 =	vld [tilespmem:s25+$0x8100]  }
0x12e: {  	v3 =	vld [tilespmem:s16+$0x100];
	_ =	sdelay $0x4  }
0x12f: {  	v2 =	vadd.f32 v3, v2;
	_ =	sdelay $0x1  }
0x130: {  	[tilespmem:s25+$0x8100] =	vst v2;
	v2 =	vld [tilespmem:s25+$0x8110]  }
0x131: {  	v3 =	vld [tilespmem:s16+$0x110];
	_ =	sdelay $0x4  }
0x132: {  	v2 =	vadd.f32 v3, v2;
	_ =	sdelay $0x1  }
0x133: {  	[tilespmem:s25+$0x8110] =	vst v2;
	v2 =	vld [tilespmem:s25+$0x8120]  }
0x134: {  	v3 =	vld [tilespmem:s16+$0x120];
	_ =	sdelay $0x4  }
0x135: {  	v2 =	vadd.f32 v3, v2;
	_ =	sdelay $0x1  }
0x136: {  	[tilespmem:s25+$0x8120] =	vst v2;
	v2 =	vld [tilespmem:s25+$0x8130]  }
0x137: {  	v3 =	vld [tilespmem:s16+$0x130];
	_ =	sdelay $0x4  }
0x138: {  	v2 =	vadd.f32 v3, v2;
	_ =	sdelay $0x1  }
0x139: {  	[tilespmem:s25+$0x8130] =	vst v2;
	v2 =	vld [tilespmem:s25+$0x8140]  }
0x13a: {  	v3 =	vld [tilespmem:s16+$0x140];
	_ =	sdelay $0x4  }
0x13b: {  	v2 =	vadd.f32 v3, v2;
	_ =	sdelay $0x1  }
0x13c: {  	[tilespmem:s25+$0x8140] =	vst v2;
	v2 =	vld [tilespmem:s25+$0x8150]  }
0x13d: {  	v3 =	vld [tilespmem:s16+$0x150];
	_ =	sdelay $0x4  }
0x13e: {  	v2 =	vadd.f32 v3, v2;
	_ =	sdelay $0x1  }
0x13f: {  	[tilespmem:s25+$0x8150] =	vst v2;
	v2 =	vld [tilespmem:s25+$0x8160]  }
0x140: {  	(v2sf) =	vpush v1, $0xB;
	v3 =	vld [tilespmem:s16+$0x160];
	_ =	sdelay $0x4  }
0x141: {  	v2 =	vadd.f32 v3, v2;
	_ =	sdelay $0x1  }
0x142: {  	[tilespmem:s25+$0x8160] =	vst v2;
	v2 =	vld [tilespmem:s25+$0x8170]  }
0x143: {  	v3 =	vld [tilespmem:s16+$0x170];
	_ =	sdelay $0x4  }
0x144: {  	v2 =	vadd.f32 v3, v2;
	_ =	sdelay $0x1  }
0x145: {  	s26 =	spop (v2sf);
	[tilespmem:s25+$0x8170] =	vst v2  }
0x146: {  	v2 =	vld [tilespmem:s26+$0x8100]  }
0x147: {  	v3 =	vld [tilespmem:s16+$0x180];
	_ =	sdelay $0x4  }
0x148: {  	v2 =	vadd.f32 v3, v2;
	_ =	sdelay $0x1  }
0x149: {  	[tilespmem:s26+$0x8100] =	vst v2;
	v2 =	vld [tilespmem:s26+$0x8110]  }
0x14a: {  	v3 =	vld [tilespmem:s16+$0x190];
	_ =	sdelay $0x4  }
0x14b: {  	v2 =	vadd.f32 v3, v2;
	_ =	sdelay $0x1  }
0x14c: {  	[tilespmem:s26+$0x8110] =	vst v2;
	v2 =	vld [tilespmem:s26+$0x8120]  }
0x14d: {  	v3 =	vld [tilespmem:s16+$0x1A0];
	_ =	sdelay $0x4  }
0x14e: {  	v2 =	vadd.f32 v3, v2;
	_ =	sdelay $0x1  }
0x14f: {  	[tilespmem:s26+$0x8120] =	vst v2;
	v2 =	vld [tilespmem:s26+$0x8130]  }
0x150: {  	v3 =	vld [tilespmem:s16+$0x1B0];
	_ =	sdelay $0x4  }
0x151: {  	v2 =	vadd.f32 v3, v2;
	_ =	sdelay $0x1  }
0x152: {  	[tilespmem:s26+$0x8130] =	vst v2;
	v2 =	vld [tilespmem:s26+$0x8140]  }
0x153: {  	v3 =	vld [tilespmem:s16+$0x1C0];
	_ =	sdelay $0x4  }
0x154: {  	v2 =	vadd.f32 v3, v2;
	_ =	sdelay $0x1  }
0x155: {  	[tilespmem:s26+$0x8140] =	vst v2;
	v2 =	vld [tilespmem:s26+$0x8150]  }
0x156: {  	v3 =	vld [tilespmem:s16+$0x1D0];
	_ =	sdelay $0x4  }
0x157: {  	v2 =	vadd.f32 v3, v2;
	_ =	sdelay $0x1  }
0x158: {  	[tilespmem:s26+$0x8150] =	vst v2;
	v2 =	vld [tilespmem:s26+$0x8160]  }
0x159: {  	(v2sf) =	vpush v1, $0xC;
	v3 =	vld [tilespmem:s16+$0x1E0];
	_ =	sdelay $0x4  }
0x15a: {  	v2 =	vadd.f32 v3, v2;
	_ =	sdelay $0x1  }
0x15b: {  	[tilespmem:s26+$0x8160] =	vst v2;
	v2 =	vld [tilespmem:s26+$0x8170]  }
0x15c: {  	v3 =	vld [tilespmem:s16+$0x1F0];
	_ =	sdelay $0x4  }
0x15d: {  	v2 =	vadd.f32 v3, v2;
	_ =	sdelay $0x1  }
0x15e: {  	s28 =	spop (v2sf);
	[tilespmem:s26+$0x8170] =	vst v2  }
0x15f: {  	v2 =	vld [tilespmem:s28+$0x8100]  }
0x160: {  	v3 =	vld [tilespmem:s16+$0x200];
	_ =	sdelay $0x4  }
0x161: {  	v2 =	vadd.f32 v3, v2;
	_ =	sdelay $0x1  }
0x162: {  	[tilespmem:s28+$0x8100] =	vst v2;
	v2 =	vld [tilespmem:s28+$0x8110]  }
0x163: {  	v3 =	vld [tilespmem:s16+$0x210];
	_ =	sdelay $0x4  }
0x164: {  	v2 =	vadd.f32 v3, v2;
	_ =	sdelay $0x1  }
0x165: {  	[tilespmem:s28+$0x8110] =	vst v2;
	v2 =	vld [tilespmem:s28+$0x8120]  }
0x166: {  	v3 =	vld [tilespmem:s16+$0x220];
	_ =	sdelay $0x4  }
0x167: {  	v2 =	vadd.f32 v3, v2;
	_ =	sdelay $0x1  }
0x168: {  	[tilespmem:s28+$0x8120] =	vst v2;
	v2 =	vld [tilespmem:s28+$0x8130]  }
0x169: {  	v3 =	vld [tilespmem:s16+$0x230];
	_ =	sdelay $0x4  }
0x16a: {  	v2 =	vadd.f32 v3, v2;
	_ =	sdelay $0x1  }
0x16b: {  	[tilespmem:s28+$0x8130] =	vst v2;
	v2 =	vld [tilespmem:s28+$0x8140]  }
0x16c: {  	v3 =	vld [tilespmem:s16+$0x240];
	_ =	sdelay $0x4  }
0x16d: {  	v2 =	vadd.f32 v3, v2;
	_ =	sdelay $0x1  }
0x16e: {  	[tilespmem:s28+$0x8140] =	vst v2;
	v2 =	vld [tilespmem:s28+$0x8150]  }
0x16f: {  	v3 =	vld [tilespmem:s16+$0x250];
	_ =	sdelay $0x4  }
0x170: {  	v2 =	vadd.f32 v3, v2;
	_ =	sdelay $0x1  }
0x171: {  	[tilespmem:s28+$0x8150] =	vst v2;
	v2 =	vld [tilespmem:s28+$0x8160]  }
0x172: {  	(v2sf) =	vpush v1, $0xD;
	v3 =	vld [tilespmem:s16+$0x260];
	_ =	sdelay $0x4  }
0x173: {  	v2 =	vadd.f32 v3, v2;
	_ =	sdelay $0x1  }
0x174: {  	[tilespmem:s28+$0x8160] =	vst v2;
	v2 =	vld [tilespmem:s28+$0x8170]  }
0x175: {  	v3 =	vld [tilespmem:s16+$0x270];
	_ =	sdelay $0x4  }
0x176: {  	v2 =	vadd.f32 v3, v2;
	_ =	sdelay $0x1  }
0x177: {  	s29 =	spop (v2sf);
	[tilespmem:s28+$0x8170] =	vst v2  }
0x178: {  	v2 =	vld [tilespmem:s29+$0x8100]  }
0x179: {  	v3 =	vld [tilespmem:s16+$0x280];
	_ =	sdelay $0x4  }
0x17a: {  	v2 =	vadd.f32 v3, v2;
	_ =	sdelay $0x1  }
0x17b: {  	[tilespmem:s29+$0x8100] =	vst v2;
	v2 =	vld [tilespmem:s29+$0x8110]  }
0x17c: {  	v3 =	vld [tilespmem:s16+$0x290];
	_ =	sdelay $0x4  }
0x17d: {  	v2 =	vadd.f32 v3, v2;
	_ =	sdelay $0x1  }
0x17e: {  	[tilespmem:s29+$0x8110] =	vst v2;
	v2 =	vld [tilespmem:s29+$0x8120]  }
0x17f: {  	v3 =	vld [tilespmem:s16+$0x2A0];
	_ =	sdelay $0x4  }
0x180: {  	v2 =	vadd.f32 v3, v2;
	_ =	sdelay $0x1  }
0x181: {  	[tilespmem:s29+$0x8120] =	vst v2;
	v2 =	vld [tilespmem:s29+$0x8130]  }
0x182: {  	v3 =	vld [tilespmem:s16+$0x2B0];
	_ =	sdelay $0x4  }
0x183: {  	v2 =	vadd.f32 v3, v2;
	_ =	sdelay $0x1  }
0x184: {  	[tilespmem:s29+$0x8130] =	vst v2;
	v2 =	vld [tilespmem:s29+$0x8140]  }
0x185: {  	v3 =	vld [tilespmem:s16+$0x2C0];
	_ =	sdelay $0x4  }
0x186: {  	v2 =	vadd.f32 v3, v2;
	_ =	sdelay $0x1  }
0x187: {  	[tilespmem:s29+$0x8140] =	vst v2;
	v2 =	vld [tilespmem:s29+$0x8150]  }
0x188: {  	v3 =	vld [tilespmem:s16+$0x2D0];
	_ =	sdelay $0x4  }
0x189: {  	v2 =	vadd.f32 v3, v2;
	_ =	sdelay $0x1  }
0x18a: {  	[tilespmem:s29+$0x8150] =	vst v2;
	v2 =	vld [tilespmem:s29+$0x8160]  }
0x18b: {  	(v2sf) =	vpush v1, $0xE;
	v3 =	vld [tilespmem:s16+$0x2E0];
	_ =	sdelay $0x4  }
0x18c: {  	v2 =	vadd.f32 v3, v2;
	_ =	sdelay $0x1  }
0x18d: {  	[tilespmem:s29+$0x8160] =	vst v2;
	v2 =	vld [tilespmem:s29+$0x8170]  }
0x18e: {  	v3 =	vld [tilespmem:s16+$0x2F0];
	_ =	sdelay $0x4  }
0x18f: {  	v2 =	vadd.f32 v3, v2;
	_ =	sdelay $0x1  }
0x190: {  	s30 =	spop (v2sf);
	[tilespmem:s29+$0x8170] =	vst v2  }
0x191: {  	v2 =	vld [tilespmem:s30+$0x8100]  }
0x192: {  	v3 =	vld [tilespmem:s16+$0x300];
	_ =	sdelay $0x4  }
0x193: {  	v2 =	vadd.f32 v3, v2;
	_ =	sdelay $0x1  }
0x194: {  	[tilespmem:s30+$0x8100] =	vst v2;
	v2 =	vld [tilespmem:s30+$0x8110]  }
0x195: {  	v3 =	vld [tilespmem:s16+$0x310];
	_ =	sdelay $0x4  }
0x196: {  	v2 =	vadd.f32 v3, v2;
	_ =	sdelay $0x1  }
0x197: {  	[tilespmem:s30+$0x8110] =	vst v2;
	v2 =	vld [tilespmem:s30+$0x8120]  }
0x198: {  	v3 =	vld [tilespmem:s16+$0x320];
	_ =	sdelay $0x4  }
0x199: {  	v2 =	vadd.f32 v3, v2;
	_ =	sdelay $0x1  }
0x19a: {  	[tilespmem:s30+$0x8120] =	vst v2;
	v2 =	vld [tilespmem:s30+$0x8130]  }
0x19b: {  	v3 =	vld [tilespmem:s16+$0x330];
	_ =	sdelay $0x4  }
0x19c: {  	v2 =	vadd.f32 v3, v2;
	_ =	sdelay $0x1  }
0x19d: {  	[tilespmem:s30+$0x8130] =	vst v2;
	v2 =	vld [tilespmem:s30+$0x8140]  }
0x19e: {  	v3 =	vld [tilespmem:s16+$0x340];
	_ =	sdelay $0x4  }
0x19f: {  	v2 =	vadd.f32 v3, v2;
	_ =	sdelay $0x1  }
0x1a0: {  	[tilespmem:s30+$0x8140] =	vst v2;
	v2 =	vld [tilespmem:s30+$0x8150]  }
0x1a1: {  	v3 =	vld [tilespmem:s16+$0x350];
	_ =	sdelay $0x4  }
0x1a2: {  	v2 =	vadd.f32 v3, v2;
	_ =	sdelay $0x1  }
0x1a3: {  	[tilespmem:s30+$0x8150] =	vst v2;
	v2 =	vld [tilespmem:s30+$0x8160]  }
0x1a4: {  	(v2sf) =	vpush v1, $0xF;
	v3 =	vld [tilespmem:s16+$0x360];
	_ =	sdelay $0x4  }
0x1a5: {  	v1 =	vadd.f32 v3, v2;
	_ =	sdelay $0x1  }
0x1a6: {  	[tilespmem:s30+$0x8160] =	vst v1;
	v1 =	vld [tilespmem:s30+$0x8170]  }
0x1a7: {  	v2 =	vld [tilespmem:s16+$0x370];
	_ =	sdelay $0x4  }
0x1a8: {  	v1 =	vadd.f32 v2, v1;
	_ =	sdelay $0x1  }
0x1a9: {  	s31 =	spop (v2sf);
	[tilespmem:s30+$0x8170] =	vst v1  }
0x1aa: {  	v1 =	vld [tilespmem:s31+$0x8100]  }
0x1ab: {  	v2 =	vld [tilespmem:s16+$0x380];
	_ =	sdelay $0x4  }
0x1ac: {  	v1 =	vadd.f32 v2, v1;
	_ =	sdelay $0x1  }
0x1ad: {  	[tilespmem:s31+$0x8100] =	vst v1;
	v1 =	vld [tilespmem:s31+$0x8110]  }
0x1ae: {  	v2 =	vld [tilespmem:s16+$0x390];
	_ =	sdelay $0x4  }
0x1af: {  	v1 =	vadd.f32 v2, v1;
	_ =	sdelay $0x1  }
0x1b0: {  	[tilespmem:s31+$0x8110] =	vst v1;
	v1 =	vld [tilespmem:s31+$0x8120]  }
0x1b1: {  	v2 =	vld [tilespmem:s16+$0x3A0];
	_ =	sdelay $0x4  }
0x1b2: {  	v1 =	vadd.f32 v2, v1;
	_ =	sdelay $0x1  }
0x1b3: {  	[tilespmem:s31+$0x8120] =	vst v1;
	v1 =	vld [tilespmem:s31+$0x8130]  }
0x1b4: {  	v2 =	vld [tilespmem:s16+$0x3B0];
	_ =	sdelay $0x4  }
0x1b5: {  	v1 =	vadd.f32 v2, v1;
	_ =	sdelay $0x1  }
0x1b6: {  	[tilespmem:s31+$0x8130] =	vst v1;
	v1 =	vld [tilespmem:s31+$0x8140]  }
0x1b7: {  	v2 =	vld [tilespmem:s16+$0x3C0];
	_ =	sdelay $0x4  }
0x1b8: {  	v1 =	vadd.f32 v2, v1;
	_ =	sdelay $0x1  }
0x1b9: {  	[tilespmem:s31+$0x8140] =	vst v1;
	v1 =	vld [tilespmem:s31+$0x8150]  }
0x1ba: {  	v2 =	vld [tilespmem:s16+$0x3D0];
	_ =	sdelay $0x4  }
0x1bb: {  	v1 =	vadd.f32 v2, v1;
	_ =	sdelay $0x1  }
0x1bc: {  	[tilespmem:s31+$0x8150] =	vst v1;
	v1 =	vld [tilespmem:s31+$0x8160]  }
0x1bd: {  	v2 =	vld [tilespmem:s16+$0x3E0];
	_ =	sdelay $0x4  }
0x1be: {  	v1 =	vadd.f32 v2, v1;
	_ =	sdelay $0x1  }
0x1bf: {  	[tilespmem:s31+$0x8160] =	vst v1;
	v1 =	vld [tilespmem:s31+$0x8170]  }
0x1c0: {  	v2 =	vld [tilespmem:s16+$0x3F0];
	_ =	sdelay $0x1  }
0x1c1: {  	p0 =	sne.s32 s15, $0x3C0  }
.Ltmp2:
0x1c2: {  	_ = 	snop;
	(pc) =	sbr.rel @p0 .LBB2_6-.Ltmp2, $3  }
0x1c3: {  	_ = 	snop  }
0x1c4: {  	v1 =	vadd.f32 v2, v1;
	_ =	sdelay $0x1  }
0x1c5: {  	s15 =	sadd.s32 $0x40, s15;
	s16 =	sadd.s32 $0x800, s16;
	[tilespmem:s31+$0x8170] =	vst v1  }
0x1c6: {  	s14 =	sadd.s32 $0x1, s14  }
0x1c7: {  	p0 =	sne.s32 s14, $0x20  }
.Ltmp3:
0x1c8: {  	_ = 	snop;
	(pc) =	sbr.rel @p0 .LBB2_5-.Ltmp3, $1  }
0x1c9: {  	_ =	sdelay $0x3  }
0x1ca: {  	s2 =	sadd.s32 $0x1, s2  }
0x1cb: {  	p0 =	sne.s32 s2, s8  }
.Ltmp4:
0x1cc: {  	_ = 	snop;
	(pc) =	sbr.rel @p0 .LBB2_2-.Ltmp4, $4  }
0x1cd: {  	[hbm4b:s7+s10] =	stream.strided.scatter [tilespmem:s13], [sflag:$0x1], $0x4000, s11, s10, $0x38;
	[tilespmem:$0xC100] =	vst v63  }
0x1ce: {  	_ =	swait.ge [sflag:s9], $0x4000  }
0x1cf: {  	[sflag:s9] =	ssyncset.done $0x0  }
0x1d0: {  	[sflag:s9] =	ssyncadd.s32 $0xFFFFC000  }
.LBB2_9:
0x1d1: {  	_ =	sfence.sel $0x180000  }
0x1d2: {  	[bflag:$0x0] =	sbarrier.arrive $0xFFFF  }
0x1d3: {  	p0 =	sne.s32 s1, $0x0;
	_ =	strace $0x90000047  }
0x1d4: {  	s0 =	sadd.s32 @!p0 $0x100000, s0;
	[bflag:$0x2] =	sbarrier.arrive $0xFFFF  }
0x1d5: {  	[sflag:s0] =	ssyncadd.tile.s32 @!p0 $0x1;
	_ =	shalt  }
.Lfunc_end2:
_tile_overlayer_lowered:
.L_overlay_start_2:
0x1d6: {  	(tag) =	ssettag $0x2  }
0x1d7: {  	s0 =	rddreg [dreg:$0x0];
	s2 =	stileid.u32  }
0x1d8: {  	s1 =	rddreg [dreg:$0x1];
	p0 =	sne.s32 s2, $0x0  }
0x1d9: {  	s3 =	rddreg [dreg:$0x2];
	[bflag:$0x3] =	sbarrier.arrive $0xFFFF;
	s2 =	simm.s32 @!p0 $0x1C01  }
0x1da: {  	[timem:s3], [sflag:s2] =	dma.local @!p0 [hbm:s0], s1  }
0x1db: {  	s0 =	simm.s32 @!p0 $0x1  }
0x1dc: {  	_ =	swait.ge @!p0 [sflag:s0], s1  }
0x1dd: {  	s1 =	ssub.s32 @!p0 $0x0, s1;
	[sflag:s0] =	ssyncset.done @!p0 $0x0  }
0x1de: {  	[sflag:s0] =	ssyncadd.s32 @!p0 s1  }
0x1df: {  	[bflag:$0x3] =	sbarrier.arrive $0xFFFF  }
0x1e0: {  	_ =	shalt  }

</sc_bundles>
